<compile_context>
chip_gen: v7x
topology: tpu7x:2x2x1
jax: 0.10.2.dev20260603
libtpu: 0.0.44.dev20260713+nightly
codegen_flags: <defaults>
</compile_context>

<pallas_src>
import functools

import numpy as np
import jax
import jax.numpy as jnp
from jax import lax
from jax.experimental import pallas as pl
from jax.experimental.pallas import tpu as pltpu
from jax.experimental.pallas import tpu_sc as plsc

_IN_DIM = 3
_OUT_DIM = 32
_BIN_NUM = 65536
_N_POINTS = 262144

_NC = 2
_NS = 16
_NW = _NC * _NS
_PPW = _N_POINTS // _NW
_CHUNK = 512
_NCHUNK = _PPW // _CHUNK
_VPA = _CHUNK // 16
_BURSTS = (_IN_DIM * _CHUNK) // 128
_BPA = _CHUNK // 128


def _body(x0_hbm, x1_hbm, x2_hbm, table_hbm, out_hbm,
          x0_v, x1_v, x2_v, idx_v, r0, r1, r2, o_v, sem):
    wid = lax.axis_index("s") * _NC + lax.axis_index("c")
    wbase = wid * _PPW

    xs = (x0_v, x1_v, x2_v)
    for a, xh in enumerate((x0_hbm, x1_hbm, x2_hbm)):
        pltpu.sync_copy(xh.at[pl.ds(wbase, _PPW)], xs[a])

    rows = (r0, r1, r2)
    third = jnp.float32(1.0 / 3.0)

    def chunk_body(ci, carry):
        cbase = ci * _CHUNK

        for a in range(_IN_DIM):
            for v in range(_VPA):
                xv = xs[a][pl.ds(cbase + v * 16, 16)]
                idf = (xv + 1.0) * (0.5 * (_BIN_NUM - 1))
                ii = idf.astype(jnp.int32)
                ii = jnp.maximum(jnp.minimum(ii, _BIN_NUM - 1), 0)
                ii = ii + a * _BIN_NUM
                flat = a * _CHUNK + v * 16
                idx_v[flat // 128, pl.ds(flat % 128, 16)] = ii

        cps = []
        for a in range(_IN_DIM):
            for b in range(_BPA):
                cps.append(
                    pltpu.async_copy(
                        table_hbm.at[idx_v.at[a * _BPA + b]],
                        rows[a].at[pl.ds(b * 128, 128)],
                        sem,
                    )
                )
        for cp in cps:
            cp.wait()

        def mean_body(p, c2):
            for u in range(4):
                q = p * 4 + u
                a0, b0 = plsc.unpack(r0[q], format=plsc.PackFormat.INTERLEAVED)
                a1, b1 = plsc.unpack(r1[q], format=plsc.PackFormat.INTERLEAVED)
                a2, b2 = plsc.unpack(r2[q], format=plsc.PackFormat.INTERLEAVED)
                sa = (a0 + a1 + a2) * third
                sb = (b0 + b1 + b2) * third
                o_v[q, pl.ds(0, 16)] = sa
                o_v[q, pl.ds(16, 16)] = sb
            return c2

        lax.fori_loop(0, _CHUNK // 4, mean_body, 0, unroll=False)

        pltpu.sync_copy(o_v, out_hbm.at[pl.ds(wbase + cbase, _CHUNK)])
        return carry

    lax.fori_loop(0, _NCHUNK, chunk_body, 0, unroll=False)


@jax.jit
def _run(x0, x1, x2, table_bf):
    mesh = plsc.VectorSubcoreMesh(core_axis_name="c", subcore_axis_name="s")
    f = pl.kernel(
        _body,
        out_type=jax.ShapeDtypeStruct((_N_POINTS, _OUT_DIM), jnp.float32),
        mesh=mesh,
        scratch_types=[
            pltpu.VMEM((_PPW,), jnp.float32),
            pltpu.VMEM((_PPW,), jnp.float32),
            pltpu.VMEM((_PPW,), jnp.float32),
            pltpu.VMEM((_BURSTS, 128), jnp.int32),
            pltpu.VMEM((_CHUNK, _OUT_DIM), jnp.bfloat16),
            pltpu.VMEM((_CHUNK, _OUT_DIM), jnp.bfloat16),
            pltpu.VMEM((_CHUNK, _OUT_DIM), jnp.bfloat16),
            pltpu.VMEM((_CHUNK, _OUT_DIM), jnp.float32),
            pltpu.SemaphoreType.DMA,
        ],
        compiler_params=pltpu.CompilerParams(
            use_tc_tiling_on_sc=False, needs_layout_passes=False
        ),
    )
    return f(x0, x1, x2, table_bf)


_COL_PERM = np.empty(_OUT_DIM, dtype=np.int32)
_COL_PERM[0::2] = np.arange(_OUT_DIM // 2)
_COL_PERM[1::2] = np.arange(_OUT_DIM // 2) + _OUT_DIM // 2


def kernel(in_tensor, table):
    x_t = in_tensor.T
    table_bf = table.astype(jnp.bfloat16)[:, _COL_PERM]
    return _run(x_t[0], x_t[1], x_t[2], table_bf)

# --- scband reference (transcript-rebuilt; emitter-appended) ---
"""Pipeline reference for scband-discrete-encoding-4544075399460 (READ-ONLY COPY).

The authoritative reference and input builder live on the scoring server;
editing this copy changes nothing except your own understanding.
"""

import jax, jax.numpy as jnp
import numpy as np

IN_DIM = 3
OUT_DIM = 32
BIN_NUM = 65536
MIN_B = np.array([-1.0, -1.0, -1.0], dtype=np.float32)
MAX_B = np.array([1.0, 1.0, 1.0], dtype=np.float32)
N_POINTS = 262144


def setup_inputs(seed: int = 0) -> dict:
    key = jax.random.key(seed)
    k1, k2 = jax.random.split(key)
    in_tensor = jax.random.normal(k1, (N_POINTS, IN_DIM), dtype=jnp.float32)
    # learned embedding table: nn.Embedding(bin_num * in_dim, out_dim)
    table = jax.random.normal(k2, (BIN_NUM * IN_DIM, OUT_DIM), dtype=jnp.float32) * 0.02
    return {"in_tensor": in_tensor, "table": table}


def reference(in_tensor, table):
    min_b = jnp.asarray(MIN_B)
    max_b = jnp.asarray(MAX_B)
    # ids = (x - min) / (max - min) * (bin_num - 1), truncated toward zero like torch .long()
    ids_f = (in_tensor - min_b) / (max_b - min_b) * (BIN_NUM - 1)
    ids = ids_f.astype(jnp.int32)
    ids = jnp.clip(ids, 0, BIN_NUM - 1) + jnp.arange(IN_DIM, dtype=jnp.int32) * BIN_NUM
    # embedding gather then mean over the per-axis dimension
    embedding = jnp.take(table, ids, axis=0).mean(axis=-2)
    return embedding

if __name__ == "__main__":
    import jax
    _d = setup_inputs()
    print(jax.jit(kernel)(*tuple(_d.values())))

</pallas_src>

<mosaic_0001>
#map = affine_map<(d0, d1) -> (0)>
#map1 = affine_map<(d0, d1) -> (0, 0)>
module attributes {stable_mosaic.version = 14 : i64} {
  func.func @_body(%arg0: i32, %arg1: i32, %arg2: memref<262144xf32, #tpu.memory_space<hbm>>, %arg3: memref<262144xf32, #tpu.memory_space<hbm>>, %arg4: memref<262144xf32, #tpu.memory_space<hbm>>, %arg5: memref<196608x32xbf16, #tpu.memory_space<hbm>>, %arg6: memref<262144x32xf32, #tpu.memory_space<hbm>>, %arg7: memref<8192xf32, #tpu.memory_space<vmem>>, %arg8: memref<8192xf32, #tpu.memory_space<vmem>>, %arg9: memref<8192xf32, #tpu.memory_space<vmem>>, %arg10: memref<12x128xi32, #tpu.memory_space<vmem>>, %arg11: memref<512x32xbf16, #tpu.memory_space<vmem>>, %arg12: memref<512x32xbf16, #tpu.memory_space<vmem>>, %arg13: memref<512x32xbf16, #tpu.memory_space<vmem>>, %arg14: memref<512x32xf32, #tpu.memory_space<vmem>>, %arg15: memref<!tpu.dma_semaphore, #tpu.memory_space<semaphore_mem>>) attributes {dimension_semantics = [#tpu.dimension_semantics<core_parallel>, #tpu.dimension_semantics<subcore_parallel>], iteration_bounds = array<i64: 2, 16>, scalar_prefetch = 0 : i64, scratch_operands = 9 : i64, tpu.core_type = #tpu.core_type<sc_vector_subcore>, window_params = [{transform_indices = #map}, {transform_indices = #map}, {transform_indices = #map}, {transform_indices = #map1}, {transform_indices = #map1}]} {
    %mul3A = arith.constant 2 : i32
    %mul3A_0 = arith.muli %arg1, %mul3A : i32
    %add3A = arith.addi %mul3A_0, %arg0 : i32
    %mul3A_1 = arith.constant 8192 : i32
    %mul3A_2 = arith.muli %add3A, %mul3A_1 : i32
    "tpu.region"() ({
      %run_scoped3A = tpu.sem_alloc : memref<!tpu.dma_semaphore, #tpu.memory_space<semaphore_mem>>
      %dma_start3A = tpu.memref_slice %arg2[%mul3A_2] : memref<262144xf32, #tpu.memory_space<hbm>> -> memref<8192xf32, #tpu.memory_space<hbm>>
      %dma_start3A_9 = tpu.memref_slice %arg2[%mul3A_2] : memref<262144xf32, #tpu.memory_space<hbm>> -> memref<8192xf32, #tpu.memory_space<hbm>>
      tpu.enqueue_dma source(%dma_start3A_9 : memref<8192xf32, #tpu.memory_space<hbm>>) target(%arg7 : memref<8192xf32, #tpu.memory_space<vmem>>) target_semaphore(%run_scoped3A : memref<!tpu.dma_semaphore, #tpu.memory_space<semaphore_mem>>)
      %dma_wait3A = tpu.memref_slice %arg2[%mul3A_2] : memref<262144xf32, #tpu.memory_space<hbm>> -> memref<8192xf32, #tpu.memory_space<hbm>>
      %dma_wait3A_10 = tpu.memref_slice %arg2[%mul3A_2] : memref<262144xf32, #tpu.memory_space<hbm>> -> memref<8192xf32, #tpu.memory_space<hbm>>
      tpu.wait_dma2 semaphore(%run_scoped3A : memref<!tpu.dma_semaphore, #tpu.memory_space<semaphore_mem>>) src(%dma_wait3A_10 : memref<8192xf32, #tpu.memory_space<hbm>>) dst(%arg7 : memref<8192xf32, #tpu.memory_space<vmem>>)
      tpu.yield
    }) : () -> ()
    "tpu.region"() ({
      %run_scoped3A = tpu.sem_alloc : memref<!tpu.dma_semaphore, #tpu.memory_space<semaphore_mem>>
      %dma_start3A = tpu.memref_slice %arg3[%mul3A_2] : memref<262144xf32, #tpu.memory_space<hbm>> -> memref<8192xf32, #tpu.memory_space<hbm>>
      %dma_start3A_9 = tpu.memref_slice %arg3[%mul3A_2] : memref<262144xf32, #tpu.memory_space<hbm>> -> memref<8192xf32, #tpu.memory_space<hbm>>
      tpu.enqueue_dma source(%dma_start3A_9 : memref<8192xf32, #tpu.memory_space<hbm>>) target(%arg8 : memref<8192xf32, #tpu.memory_space<vmem>>) target_semaphore(%run_scoped3A : memref<!tpu.dma_semaphore, #tpu.memory_space<semaphore_mem>>)
      %dma_wait3A = tpu.memref_slice %arg3[%mul3A_2] : memref<262144xf32, #tpu.memory_space<hbm>> -> memref<8192xf32, #tpu.memory_space<hbm>>
      %dma_wait3A_10 = tpu.memref_slice %arg3[%mul3A_2] : memref<262144xf32, #tpu.memory_space<hbm>> -> memref<8192xf32, #tpu.memory_space<hbm>>
      tpu.wait_dma2 semaphore(%run_scoped3A : memref<!tpu.dma_semaphore, #tpu.memory_space<semaphore_mem>>) src(%dma_wait3A_10 : memref<8192xf32, #tpu.memory_space<hbm>>) dst(%arg8 : memref<8192xf32, #tpu.memory_space<vmem>>)
      tpu.yield
    }) : () -> ()
    "tpu.region"() ({
      %run_scoped3A = tpu.sem_alloc : memref<!tpu.dma_semaphore, #tpu.memory_space<semaphore_mem>>
      %dma_start3A = tpu.memref_slice %arg4[%mul3A_2] : memref<262144xf32, #tpu.memory_space<hbm>> -> memref<8192xf32, #tpu.memory_space<hbm>>
      %dma_start3A_9 = tpu.memref_slice %arg4[%mul3A_2] : memref<262144xf32, #tpu.memory_space<hbm>> -> memref<8192xf32, #tpu.memory_space<hbm>>
      tpu.enqueue_dma source(%dma_start3A_9 : memref<8192xf32, #tpu.memory_space<hbm>>) target(%arg9 : memref<8192xf32, #tpu.memory_space<vmem>>) target_semaphore(%run_scoped3A : memref<!tpu.dma_semaphore, #tpu.memory_space<semaphore_mem>>)
      %dma_wait3A = tpu.memref_slice %arg4[%mul3A_2] : memref<262144xf32, #tpu.memory_space<hbm>> -> memref<8192xf32, #tpu.memory_space<hbm>>
      %dma_wait3A_10 = tpu.memref_slice %arg4[%mul3A_2] : memref<262144xf32, #tpu.memory_space<hbm>> -> memref<8192xf32, #tpu.memory_space<hbm>>
      tpu.wait_dma2 semaphore(%run_scoped3A : memref<!tpu.dma_semaphore, #tpu.memory_space<semaphore_mem>>) src(%dma_wait3A_10 : memref<8192xf32, #tpu.memory_space<hbm>>) dst(%arg9 : memref<8192xf32, #tpu.memory_space<vmem>>)
      tpu.yield
    }) : () -> ()
    %scan3A = arith.constant 0 : i32
    %scan3A_3 = arith.constant 0.333333343 : f32
    %scan3A_4 = arith.constant 0 : i32
    %scan3A_5 = arith.constant 16 : i32
    %scan3A_6 = arith.addi %scan3A_4, %scan3A_5 : i32
    %scan3A_7 = arith.constant 1 : i32
    scf.for %scan3A_9 = %scan3A_4 to %scan3A_6 step %scan3A_7  : i32 {
      %mul3A_10 = arith.constant 512 : i32
      %mul3A_11 = arith.muli %scan3A_9, %mul3A_10 : i32
      %add3A_12 = arith.constant 0 : i32
      %add3A_13 = arith.addi %mul3A_11, %add3A_12 : i32
      %get3A = arith.index_cast %add3A_13 : i32 to index
      %get3A_14 = tpu.vector_load %arg7[%get3A] {strides = array<i32>} : memref<8192xf32, #tpu.memory_space<vmem>>, vector<16xf32>,
      %add3A_15 = arith.constant 1.000000e+00 : f32
      %add3A_16 = vector.broadcast %add3A_15 : f32 to vector<16xf32>
      %add3A_17 = arith.addf %get3A_14, %add3A_16 : vector<16xf32>
      %mul3A_18 = arith.constant 3.276750e+04 : f32
      %mul3A_19 = vector.broadcast %mul3A_18 : f32 to vector<16xf32>
      %mul3A_20 = arith.mulf %add3A_17, %mul3A_19 : vector<16xf32>
      %convert_element_type3A = arith.fptosi %mul3A_20 : vector<16xf32> to vector<16xi32>
      %min3A = arith.constant 65535 : i32
      %min3A_21 = vector.broadcast %min3A : i32 to vector<16xi32>
      %min3A_22 = arith.minsi %convert_element_type3A, %min3A_21 : vector<16xi32>
      %max3A = arith.constant 0 : i32
      %max3A_23 = vector.broadcast %max3A : i32 to vector<16xi32>
      %max3A_24 = arith.maxsi %min3A_22, %max3A_23 : vector<16xi32>
      %add3A_25 = arith.constant 0 : i32
      %add3A_26 = vector.broadcast %add3A_25 : i32 to vector<16xi32>
      %add3A_27 = arith.addi %max3A_24, %add3A_26 : vector<16xi32>
      %swap3A = arith.constant 0 : i32
      %swap3A_28 = arith.index_cast %swap3A : i32 to index
      %swap3A_29 = arith.constant 0 : index
      %swap3A_30 = tpu.vector_load %arg10[%swap3A_28, %swap3A_29] {strides = array<i32>} : memref<12x128xi32, #tpu.memory_space<vmem>>, vector<16xi32>,
      tpu.vector_store %arg10[%swap3A_28, %swap3A_29], %add3A_27 {strides = array<i32>} : memref<12x128xi32, #tpu.memory_space<vmem>>, vector<16xi32>,
      %add3A_31 = arith.constant 16 : i32
      %add3A_32 = arith.addi %mul3A_11, %add3A_31 : i32
      %get3A_33 = arith.index_cast %add3A_32 : i32 to index
      %get3A_34 = tpu.vector_load %arg7[%get3A_33] {strides = array<i32>} : memref<8192xf32, #tpu.memory_space<vmem>>, vector<16xf32>,
      %add3A_35 = arith.constant 1.000000e+00 : f32
      %add3A_36 = vector.broadcast %add3A_35 : f32 to vector<16xf32>
      %add3A_37 = arith.addf %get3A_34, %add3A_36 : vector<16xf32>
      %mul3A_38 = arith.constant 3.276750e+04 : f32
      %mul3A_39 = vector.broadcast %mul3A_38 : f32 to vector<16xf32>
      %mul3A_40 = arith.mulf %add3A_37, %mul3A_39 : vector<16xf32>
      %convert_element_type3A_41 = arith.fptosi %mul3A_40 : vector<16xf32> to vector<16xi32>
      %min3A_42 = arith.constant 65535 : i32
      %min3A_43 = vector.broadcast %min3A_42 : i32 to vector<16xi32>
      %min3A_44 = arith.minsi %convert_element_type3A_41, %min3A_43 : vector<16xi32>
      %max3A_45 = arith.constant 0 : i32
      %max3A_46 = vector.broadcast %max3A_45 : i32 to vector<16xi32>
      %max3A_47 = arith.maxsi %min3A_44, %max3A_46 : vector<16xi32>
      %add3A_48 = arith.constant 0 : i32
      %add3A_49 = vector.broadcast %add3A_48 : i32 to vector<16xi32>
      %add3A_50 = arith.addi %max3A_47, %add3A_49 : vector<16xi32>
      %swap3A_51 = arith.constant 0 : i32
      %swap3A_52 = arith.index_cast %swap3A_51 : i32 to index
      %swap3A_53 = arith.constant 16 : index
      %swap3A_54 = tpu.vector_load %arg10[%swap3A_52, %swap3A_53] {strides = array<i32>} : memref<12x128xi32, #tpu.memory_space<vmem>>, vector<16xi32>,
      tpu.vector_store %arg10[%swap3A_52, %swap3A_53], %add3A_50 {strides = array<i32>} : memref<12x128xi32, #tpu.memory_space<vmem>>, vector<16xi32>,
      %add3A_55 = arith.constant 32 : i32
      %add3A_56 = arith.addi %mul3A_11, %add3A_55 : i32
      %get3A_57 = arith.index_cast %add3A_56 : i32 to index
      %get3A_58 = tpu.vector_load %arg7[%get3A_57] {strides = array<i32>} : memref<8192xf32, #tpu.memory_space<vmem>>, vector<16xf32>,
      %add3A_59 = arith.constant 1.000000e+00 : f32
      %add3A_60 = vector.broadcast %add3A_59 : f32 to vector<16xf32>
      %add3A_61 = arith.addf %get3A_58, %add3A_60 : vector<16xf32>
      %mul3A_62 = arith.constant 3.276750e+04 : f32
      %mul3A_63 = vector.broadcast %mul3A_62 : f32 to vector<16xf32>
      %mul3A_64 = arith.mulf %add3A_61, %mul3A_63 : vector<16xf32>
      %convert_element_type3A_65 = arith.fptosi %mul3A_64 : vector<16xf32> to vector<16xi32>
      %min3A_66 = arith.constant 65535 : i32
      %min3A_67 = vector.broadcast %min3A_66 : i32 to vector<16xi32>
      %min3A_68 = arith.minsi %convert_element_type3A_65, %min3A_67 : vector<16xi32>
      %max3A_69 = arith.constant 0 : i32
      %max3A_70 = vector.broadcast %max3A_69 : i32 to vector<16xi32>
      %max3A_71 = arith.maxsi %min3A_68, %max3A_70 : vector<16xi32>
      %add3A_72 = arith.constant 0 : i32
      %add3A_73 = vector.broadcast %add3A_72 : i32 to vector<16xi32>
      %add3A_74 = arith.addi %max3A_71, %add3A_73 : vector<16xi32>
      %swap3A_75 = arith.constant 0 : i32
      %swap3A_76 = arith.index_cast %swap3A_75 : i32 to index
      %swap3A_77 = arith.constant 32 : index
      %swap3A_78 = tpu.vector_load %arg10[%swap3A_76, %swap3A_77] {strides = array<i32>} : memref<12x128xi32, #tpu.memory_space<vmem>>, vector<16xi32>,
      tpu.vector_store %arg10[%swap3A_76, %swap3A_77], %add3A_74 {strides = array<i32>} : memref<12x128xi32, #tpu.memory_space<vmem>>, vector<16xi32>,
      %add3A_79 = arith.constant 48 : i32
      %add3A_80 = arith.addi %mul3A_11, %add3A_79 : i32
      %get3A_81 = arith.index_cast %add3A_80 : i32 to index
      %get3A_82 = tpu.vector_load %arg7[%get3A_81] {strides = array<i32>} : memref<8192xf32, #tpu.memory_space<vmem>>, vector<16xf32>,
      %add3A_83 = arith.constant 1.000000e+00 : f32
      %add3A_84 = vector.broadcast %add3A_83 : f32 to vector<16xf32>
      %add3A_85 = arith.addf %get3A_82, %add3A_84 : vector<16xf32>
      %mul3A_86 = arith.constant 3.276750e+04 : f32
      %mul3A_87 = vector.broadcast %mul3A_86 : f32 to vector<16xf32>
      %mul3A_88 = arith.mulf %add3A_85, %mul3A_87 : vector<16xf32>
      %convert_element_type3A_89 = arith.fptosi %mul3A_88 : vector<16xf32> to vector<16xi32>
      %min3A_90 = arith.constant 65535 : i32
      %min3A_91 = vector.broadcast %min3A_90 : i32 to vector<16xi32>
      %min3A_92 = arith.minsi %convert_element_type3A_89, %min3A_91 : vector<16xi32>
      %max3A_93 = arith.constant 0 : i32
      %max3A_94 = vector.broadcast %max3A_93 : i32 to vector<16xi32>
      %max3A_95 = arith.maxsi %min3A_92, %max3A_94 : vector<16xi32>
      %add3A_96 = arith.constant 0 : i32
      %add3A_97 = vector.broadcast %add3A_96 : i32 to vector<16xi32>
      %add3A_98 = arith.addi %max3A_95, %add3A_97 : vector<16xi32>
      %swap3A_99 = arith.constant 0 : i32
      %swap3A_100 = arith.index_cast %swap3A_99 : i32 to index
      %swap3A_101 = arith.constant 48 : index
      %swap3A_102 = tpu.vector_load %arg10[%swap3A_100, %swap3A_101] {strides = array<i32>} : memref<12x128xi32, #tpu.memory_space<vmem>>, vector<16xi32>,
      tpu.vector_store %arg10[%swap3A_100, %swap3A_101], %add3A_98 {strides = array<i32>} : memref<12x128xi32, #tpu.memory_space<vmem>>, vector<16xi32>,
      %add3A_103 = arith.constant 64 : i32
      %add3A_104 = arith.addi %mul3A_11, %add3A_103 : i32
      %get3A_105 = arith.index_cast %add3A_104 : i32 to index
      %get3A_106 = tpu.vector_load %arg7[%get3A_105] {strides = array<i32>} : memref<8192xf32, #tpu.memory_space<vmem>>, vector<16xf32>,
      %add3A_107 = arith.constant 1.000000e+00 : f32
      %add3A_108 = vector.broadcast %add3A_107 : f32 to vector<16xf32>
      %add3A_109 = arith.addf %get3A_106, %add3A_108 : vector<16xf32>
      %mul3A_110 = arith.constant 3.276750e+04 : f32
      %mul3A_111 = vector.broadcast %mul3A_110 : f32 to vector<16xf32>
      %mul3A_112 = arith.mulf %add3A_109, %mul3A_111 : vector<16xf32>
      %convert_element_type3A_113 = arith.fptosi %mul3A_112 : vector<16xf32> to vector<16xi32>
      %min3A_114 = arith.constant 65535 : i32
      %min3A_115 = vector.broadcast %min3A_114 : i32 to vector<16xi32>
      %min3A_116 = arith.minsi %convert_element_type3A_113, %min3A_115 : vector<16xi32>
      %max3A_117 = arith.constant 0 : i32
      %max3A_118 = vector.broadcast %max3A_117 : i32 to vector<16xi32>
      %max3A_119 = arith.maxsi %min3A_116, %max3A_118 : vector<16xi32>
      %add3A_120 = arith.constant 0 : i32
      %add3A_121 = vector.broadcast %add3A_120 : i32 to vector<16xi32>
      %add3A_122 = arith.addi %max3A_119, %add3A_121 : vector<16xi32>
      %swap3A_123 = arith.constant 0 : i32
      %swap3A_124 = arith.index_cast %swap3A_123 : i32 to index
      %swap3A_125 = arith.constant 64 : index
      %swap3A_126 = tpu.vector_load %arg10[%swap3A_124, %swap3A_125] {strides = array<i32>} : memref<12x128xi32, #tpu.memory_space<vmem>>, vector<16xi32>,
      tpu.vector_store %arg10[%swap3A_124, %swap3A_125], %add3A_122 {strides = array<i32>} : memref<12x128xi32, #tpu.memory_space<vmem>>, vector<16xi32>,
      %add3A_127 = arith.constant 80 : i32
      %add3A_128 = arith.addi %mul3A_11, %add3A_127 : i32
      %get3A_129 = arith.index_cast %add3A_128 : i32 to index
      %get3A_130 = tpu.vector_load %arg7[%get3A_129] {strides = array<i32>} : memref<8192xf32, #tpu.memory_space<vmem>>, vector<16xf32>,
      %add3A_131 = arith.constant 1.000000e+00 : f32
      %add3A_132 = vector.broadcast %add3A_131 : f32 to vector<16xf32>
      %add3A_133 = arith.addf %get3A_130, %add3A_132 : vector<16xf32>
      %mul3A_134 = arith.constant 3.276750e+04 : f32
      %mul3A_135 = vector.broadcast %mul3A_134 : f32 to vector<16xf32>
      %mul3A_136 = arith.mulf %add3A_133, %mul3A_135 : vector<16xf32>
      %convert_element_type3A_137 = arith.fptosi %mul3A_136 : vector<16xf32> to vector<16xi32>
      %min3A_138 = arith.constant 65535 : i32
      %min3A_139 = vector.broadcast %min3A_138 : i32 to vector<16xi32>
      %min3A_140 = arith.minsi %convert_element_type3A_137, %min3A_139 : vector<16xi32>
      %max3A_141 = arith.constant 0 : i32
      %max3A_142 = vector.broadcast %max3A_141 : i32 to vector<16xi32>
      %max3A_143 = arith.maxsi %min3A_140, %max3A_142 : vector<16xi32>
      %add3A_144 = arith.constant 0 : i32
      %add3A_145 = vector.broadcast %add3A_144 : i32 to vector<16xi32>
      %add3A_146 = arith.addi %max3A_143, %add3A_145 : vector<16xi32>
      %swap3A_147 = arith.constant 0 : i32
      %swap3A_148 = arith.index_cast %swap3A_147 : i32 to index
      %swap3A_149 = arith.constant 80 : index
      %swap3A_150 = tpu.vector_load %arg10[%swap3A_148, %swap3A_149] {strides = array<i32>} : memref<12x128xi32, #tpu.memory_space<vmem>>, vector<16xi32>,
      tpu.vector_store %arg10[%swap3A_148, %swap3A_149], %add3A_146 {strides = array<i32>} : memref<12x128xi32, #tpu.memory_space<vmem>>, vector<16xi32>,
      %add3A_151 = arith.constant 96 : i32
      %add3A_152 = arith.addi %mul3A_11, %add3A_151 : i32
      %get3A_153 = arith.index_cast %add3A_152 : i32 to index
      %get3A_154 = tpu.vector_load %arg7[%get3A_153] {strides = array<i32>} : memref<8192xf32, #tpu.memory_space<vmem>>, vector<16xf32>,
      %add3A_155 = arith.constant 1.000000e+00 : f32
      %add3A_156 = vector.broadcast %add3A_155 : f32 to vector<16xf32>
      %add3A_157 = arith.addf %get3A_154, %add3A_156 : vector<16xf32>
      %mul3A_158 = arith.constant 3.276750e+04 : f32
      %mul3A_159 = vector.broadcast %mul3A_158 : f32 to vector<16xf32>
      %mul3A_160 = arith.mulf %add3A_157, %mul3A_159 : vector<16xf32>
      %convert_element_type3A_161 = arith.fptosi %mul3A_160 : vector<16xf32> to vector<16xi32>
      %min3A_162 = arith.constant 65535 : i32
      %min3A_163 = vector.broadcast %min3A_162 : i32 to vector<16xi32>
      %min3A_164 = arith.minsi %convert_element_type3A_161, %min3A_163 : vector<16xi32>
      %max3A_165 = arith.constant 0 : i32
      %max3A_166 = vector.broadcast %max3A_165 : i32 to vector<16xi32>
      %max3A_167 = arith.maxsi %min3A_164, %max3A_166 : vector<16xi32>
      %add3A_168 = arith.constant 0 : i32
      %add3A_169 = vector.broadcast %add3A_168 : i32 to vector<16xi32>
      %add3A_170 = arith.addi %max3A_167, %add3A_169 : vector<16xi32>
      %swap3A_171 = arith.constant 0 : i32
      %swap3A_172 = arith.index_cast %swap3A_171 : i32 to index
      %swap3A_173 = arith.constant 96 : index
      %swap3A_174 = tpu.vector_load %arg10[%swap3A_172, %swap3A_173] {strides = array<i32>} : memref<12x128xi32, #tpu.memory_space<vmem>>, vector<16xi32>,
      tpu.vector_store %arg10[%swap3A_172, %swap3A_173], %add3A_170 {strides = array<i32>} : memref<12x128xi32, #tpu.memory_space<vmem>>, vector<16xi32>,
      %add3A_175 = arith.constant 112 : i32
      %add3A_176 = arith.addi %mul3A_11, %add3A_175 : i32
      %get3A_177 = arith.index_cast %add3A_176 : i32 to index
      %get3A_178 = tpu.vector_load %arg7[%get3A_177] {strides = array<i32>} : memref<8192xf32, #tpu.memory_space<vmem>>, vector<16xf32>,
      %add3A_179 = arith.constant 1.000000e+00 : f32
      %add3A_180 = vector.broadcast %add3A_179 : f32 to vector<16xf32>
      %add3A_181 = arith.addf %get3A_178, %add3A_180 : vector<16xf32>
      %mul3A_182 = arith.constant 3.276750e+04 : f32
      %mul3A_183 = vector.broadcast %mul3A_182 : f32 to vector<16xf32>
      %mul3A_184 = arith.mulf %add3A_181, %mul3A_183 : vector<16xf32>
      %convert_element_type3A_185 = arith.fptosi %mul3A_184 : vector<16xf32> to vector<16xi32>
      %min3A_186 = arith.constant 65535 : i32
      %min3A_187 = vector.broadcast %min3A_186 : i32 to vector<16xi32>
      %min3A_188 = arith.minsi %convert_element_type3A_185, %min3A_187 : vector<16xi32>
      %max3A_189 = arith.constant 0 : i32
      %max3A_190 = vector.broadcast %max3A_189 : i32 to vector<16xi32>
      %max3A_191 = arith.maxsi %min3A_188, %max3A_190 : vector<16xi32>
      %add3A_192 = arith.constant 0 : i32
      %add3A_193 = vector.broadcast %add3A_192 : i32 to vector<16xi32>
      %add3A_194 = arith.addi %max3A_191, %add3A_193 : vector<16xi32>
      %swap3A_195 = arith.constant 0 : i32
      %swap3A_196 = arith.index_cast %swap3A_195 : i32 to index
      %swap3A_197 = arith.constant 112 : index
      %swap3A_198 = tpu.vector_load %arg10[%swap3A_196, %swap3A_197] {strides = array<i32>} : memref<12x128xi32, #tpu.memory_space<vmem>>, vector<16xi32>,
      tpu.vector_store %arg10[%swap3A_196, %swap3A_197], %add3A_194 {strides = array<i32>} : memref<12x128xi32, #tpu.memory_space<vmem>>, vector<16xi32>,
      %add3A_199 = arith.constant 128 : i32
      %add3A_200 = arith.addi %mul3A_11, %add3A_199 : i32
      %get3A_201 = arith.index_cast %add3A_200 : i32 to index
      %get3A_202 = tpu.vector_load %arg7[%get3A_201] {strides = array<i32>} : memref<8192xf32, #tpu.memory_space<vmem>>, vector<16xf32>,
      %add3A_203 = arith.constant 1.000000e+00 : f32
      %add3A_204 = vector.broadcast %add3A_203 : f32 to vector<16xf32>
      %add3A_205 = arith.addf %get3A_202, %add3A_204 : vector<16xf32>
      %mul3A_206 = arith.constant 3.276750e+04 : f32
      %mul3A_207 = vector.broadcast %mul3A_206 : f32 to vector<16xf32>
      %mul3A_208 = arith.mulf %add3A_205, %mul3A_207 : vector<16xf32>
      %convert_element_type3A_209 = arith.fptosi %mul3A_208 : vector<16xf32> to vector<16xi32>
      %min3A_210 = arith.constant 65535 : i32
      %min3A_211 = vector.broadcast %min3A_210 : i32 to vector<16xi32>
      %min3A_212 = arith.minsi %convert_element_type3A_209, %min3A_211 : vector<16xi32>
      %max3A_213 = arith.constant 0 : i32
      %max3A_214 = vector.broadcast %max3A_213 : i32 to vector<16xi32>
      %max3A_215 = arith.maxsi %min3A_212, %max3A_214 : vector<16xi32>
      %add3A_216 = arith.constant 0 : i32
      %add3A_217 = vector.broadcast %add3A_216 : i32 to vector<16xi32>
      %add3A_218 = arith.addi %max3A_215, %add3A_217 : vector<16xi32>
      %swap3A_219 = arith.constant 1 : i32
      %swap3A_220 = arith.index_cast %swap3A_219 : i32 to index
      %swap3A_221 = arith.constant 0 : index
      %swap3A_222 = tpu.vector_load %arg10[%swap3A_220, %swap3A_221] {strides = array<i32>} : memref<12x128xi32, #tpu.memory_space<vmem>>, vector<16xi32>,
      tpu.vector_store %arg10[%swap3A_220, %swap3A_221], %add3A_218 {strides = array<i32>} : memref<12x128xi32, #tpu.memory_space<vmem>>, vector<16xi32>,
      %add3A_223 = arith.constant 144 : i32
      %add3A_224 = arith.addi %mul3A_11, %add3A_223 : i32
      %get3A_225 = arith.index_cast %add3A_224 : i32 to index
      %get3A_226 = tpu.vector_load %arg7[%get3A_225] {strides = array<i32>} : memref<8192xf32, #tpu.memory_space<vmem>>, vector<16xf32>,
      %add3A_227 = arith.constant 1.000000e+00 : f32
      %add3A_228 = vector.broadcast %add3A_227 : f32 to vector<16xf32>
      %add3A_229 = arith.addf %get3A_226, %add3A_228 : vector<16xf32>
      %mul3A_230 = arith.constant 3.276750e+04 : f32
      %mul3A_231 = vector.broadcast %mul3A_230 : f32 to vector<16xf32>
      %mul3A_232 = arith.mulf %add3A_229, %mul3A_231 : vector<16xf32>
      %convert_element_type3A_233 = arith.fptosi %mul3A_232 : vector<16xf32> to vector<16xi32>
      %min3A_234 = arith.constant 65535 : i32
      %min3A_235 = vector.broadcast %min3A_234 : i32 to vector<16xi32>
      %min3A_236 = arith.minsi %convert_element_type3A_233, %min3A_235 : vector<16xi32>
      %max3A_237 = arith.constant 0 : i32
      %max3A_238 = vector.broadcast %max3A_237 : i32 to vector<16xi32>
      %max3A_239 = arith.maxsi %min3A_236, %max3A_238 : vector<16xi32>
      %add3A_240 = arith.constant 0 : i32
      %add3A_241 = vector.broadcast %add3A_240 : i32 to vector<16xi32>
      %add3A_242 = arith.addi %max3A_239, %add3A_241 : vector<16xi32>
      %swap3A_243 = arith.constant 1 : i32
      %swap3A_244 = arith.index_cast %swap3A_243 : i32 to index
      %swap3A_245 = arith.constant 16 : index
      %swap3A_246 = tpu.vector_load %arg10[%swap3A_244, %swap3A_245] {strides = array<i32>} : memref<12x128xi32, #tpu.memory_space<vmem>>, vector<16xi32>,
      tpu.vector_store %arg10[%swap3A_244, %swap3A_245], %add3A_242 {strides = array<i32>} : memref<12x128xi32, #tpu.memory_space<vmem>>, vector<16xi32>,
      %add3A_247 = arith.constant 160 : i32
      %add3A_248 = arith.addi %mul3A_11, %add3A_247 : i32
      %get3A_249 = arith.index_cast %add3A_248 : i32 to index
      %get3A_250 = tpu.vector_load %arg7[%get3A_249] {strides = array<i32>} : memref<8192xf32, #tpu.memory_space<vmem>>, vector<16xf32>,
      %add3A_251 = arith.constant 1.000000e+00 : f32
      %add3A_252 = vector.broadcast %add3A_251 : f32 to vector<16xf32>
      %add3A_253 = arith.addf %get3A_250, %add3A_252 : vector<16xf32>
      %mul3A_254 = arith.constant 3.276750e+04 : f32
      %mul3A_255 = vector.broadcast %mul3A_254 : f32 to vector<16xf32>
      %mul3A_256 = arith.mulf %add3A_253, %mul3A_255 : vector<16xf32>
      %convert_element_type3A_257 = arith.fptosi %mul3A_256 : vector<16xf32> to vector<16xi32>
      %min3A_258 = arith.constant 65535 : i32
      %min3A_259 = vector.broadcast %min3A_258 : i32 to vector<16xi32>
      %min3A_260 = arith.minsi %convert_element_type3A_257, %min3A_259 : vector<16xi32>
      %max3A_261 = arith.constant 0 : i32
      %max3A_262 = vector.broadcast %max3A_261 : i32 to vector<16xi32>
      %max3A_263 = arith.maxsi %min3A_260, %max3A_262 : vector<16xi32>
      %add3A_264 = arith.constant 0 : i32
      %add3A_265 = vector.broadcast %add3A_264 : i32 to vector<16xi32>
      %add3A_266 = arith.addi %max3A_263, %add3A_265 : vector<16xi32>
      %swap3A_267 = arith.constant 1 : i32
      %swap3A_268 = arith.index_cast %swap3A_267 : i32 to index
      %swap3A_269 = arith.constant 32 : index
      %swap3A_270 = tpu.vector_load %arg10[%swap3A_268, %swap3A_269] {strides = array<i32>} : memref<12x128xi32, #tpu.memory_space<vmem>>, vector<16xi32>,
      tpu.vector_store %arg10[%swap3A_268, %swap3A_269], %add3A_266 {strides = array<i32>} : memref<12x128xi32, #tpu.memory_space<vmem>>, vector<16xi32>,
      %add3A_271 = arith.constant 176 : i32
      %add3A_272 = arith.addi %mul3A_11, %add3A_271 : i32
      %get3A_273 = arith.index_cast %add3A_272 : i32 to index
      %get3A_274 = tpu.vector_load %arg7[%get3A_273] {strides = array<i32>} : memref<8192xf32, #tpu.memory_space<vmem>>, vector<16xf32>,
      %add3A_275 = arith.constant 1.000000e+00 : f32
      %add3A_276 = vector.broadcast %add3A_275 : f32 to vector<16xf32>
      %add3A_277 = arith.addf %get3A_274, %add3A_276 : vector<16xf32>
      %mul3A_278 = arith.constant 3.276750e+04 : f32
      %mul3A_279 = vector.broadcast %mul3A_278 : f32 to vector<16xf32>
      %mul3A_280 = arith.mulf %add3A_277, %mul3A_279 : vector<16xf32>
      %convert_element_type3A_281 = arith.fptosi %mul3A_280 : vector<16xf32> to vector<16xi32>
      %min3A_282 = arith.constant 65535 : i32
      %min3A_283 = vector.broadcast %min3A_282 : i32 to vector<16xi32>
      %min3A_284 = arith.minsi %convert_element_type3A_281, %min3A_283 : vector<16xi32>
      %max3A_285 = arith.constant 0 : i32
      %max3A_286 = vector.broadcast %max3A_285 : i32 to vector<16xi32>
      %max3A_287 = arith.maxsi %min3A_284, %max3A_286 : vector<16xi32>
      %add3A_288 = arith.constant 0 : i32
      %add3A_289 = vector.broadcast %add3A_288 : i32 to vector<16xi32>
      %add3A_290 = arith.addi %max3A_287, %add3A_289 : vector<16xi32>
      %swap3A_291 = arith.constant 1 : i32
      %swap3A_292 = arith.index_cast %swap3A_291 : i32 to index
      %swap3A_293 = arith.constant 48 : index
      %swap3A_294 = tpu.vector_load %arg10[%swap3A_292, %swap3A_293] {strides = array<i32>} : memref<12x128xi32, #tpu.memory_space<vmem>>, vector<16xi32>,
      tpu.vector_store %arg10[%swap3A_292, %swap3A_293], %add3A_290 {strides = array<i32>} : memref<12x128xi32, #tpu.memory_space<vmem>>, vector<16xi32>,
      %add3A_295 = arith.constant 192 : i32
      %add3A_296 = arith.addi %mul3A_11, %add3A_295 : i32
      %get3A_297 = arith.index_cast %add3A_296 : i32 to index
      %get3A_298 = tpu.vector_load %arg7[%get3A_297] {strides = array<i32>} : memref<8192xf32, #tpu.memory_space<vmem>>, vector<16xf32>,
      %add3A_299 = arith.constant 1.000000e+00 : f32
      %add3A_300 = vector.broadcast %add3A_299 : f32 to vector<16xf32>
      %add3A_301 = arith.addf %get3A_298, %add3A_300 : vector<16xf32>
      %mul3A_302 = arith.constant 3.276750e+04 : f32
      %mul3A_303 = vector.broadcast %mul3A_302 : f32 to vector<16xf32>
      %mul3A_304 = arith.mulf %add3A_301, %mul3A_303 : vector<16xf32>
      %convert_element_type3A_305 = arith.fptosi %mul3A_304 : vector<16xf32> to vector<16xi32>
      %min3A_306 = arith.constant 65535 : i32
      %min3A_307 = vector.broadcast %min3A_306 : i32 to vector<16xi32>
      %min3A_308 = arith.minsi %convert_element_type3A_305, %min3A_307 : vector<16xi32>
      %max3A_309 = arith.constant 0 : i32
      %max3A_310 = vector.broadcast %max3A_309 : i32 to vector<16xi32>
      %max3A_311 = arith.maxsi %min3A_308, %max3A_310 : vector<16xi32>
      %add3A_312 = arith.constant 0 : i32
      %add3A_313 = vector.broadcast %add3A_312 : i32 to vector<16xi32>
      %add3A_314 = arith.addi %max3A_311, %add3A_313 : vector<16xi32>
      %swap3A_315 = arith.constant 1 : i32
      %swap3A_316 = arith.index_cast %swap3A_315 : i32 to index
      %swap3A_317 = arith.constant 64 : index
      %swap3A_318 = tpu.vector_load %arg10[%swap3A_316, %swap3A_317] {strides = array<i32>} : memref<12x128xi32, #tpu.memory_space<vmem>>, vector<16xi32>,
      tpu.vector_store %arg10[%swap3A_316, %swap3A_317], %add3A_314 {strides = array<i32>} : memref<12x128xi32, #tpu.memory_space<vmem>>, vector<16xi32>,
      %add3A_319 = arith.constant 208 : i32
      %add3A_320 = arith.addi %mul3A_11, %add3A_319 : i32
      %get3A_321 = arith.index_cast %add3A_320 : i32 to index
      %get3A_322 = tpu.vector_load %arg7[%get3A_321] {strides = array<i32>} : memref<8192xf32, #tpu.memory_space<vmem>>, vector<16xf32>,
      %add3A_323 = arith.constant 1.000000e+00 : f32
      %add3A_324 = vector.broadcast %add3A_323 : f32 to vector<16xf32>
      %add3A_325 = arith.addf %get3A_322, %add3A_324 : vector<16xf32>
      %mul3A_326 = arith.constant 3.276750e+04 : f32
      %mul3A_327 = vector.broadcast %mul3A_326 : f32 to vector<16xf32>
      %mul3A_328 = arith.mulf %add3A_325, %mul3A_327 : vector<16xf32>
      %convert_element_type3A_329 = arith.fptosi %mul3A_328 : vector<16xf32> to vector<16xi32>
      %min3A_330 = arith.constant 65535 : i32
      %min3A_331 = vector.broadcast %min3A_330 : i32 to vector<16xi32>
      %min3A_332 = arith.minsi %convert_element_type3A_329, %min3A_331 : vector<16xi32>
      %max3A_333 = arith.constant 0 : i32
      %max3A_334 = vector.broadcast %max3A_333 : i32 to vector<16xi32>
      %max3A_335 = arith.maxsi %min3A_332, %max3A_334 : vector<16xi32>
      %add3A_336 = arith.constant 0 : i32
      %add3A_337 = vector.broadcast %add3A_336 : i32 to vector<16xi32>
      %add3A_338 = arith.addi %max3A_335, %add3A_337 : vector<16xi32>
      %swap3A_339 = arith.constant 1 : i32
      %swap3A_340 = arith.index_cast %swap3A_339 : i32 to index
      %swap3A_341 = arith.constant 80 : index
      %swap3A_342 = tpu.vector_load %arg10[%swap3A_340, %swap3A_341] {strides = array<i32>} : memref<12x128xi32, #tpu.memory_space<vmem>>, vector<16xi32>,
      tpu.vector_store %arg10[%swap3A_340, %swap3A_341], %add3A_338 {strides = array<i32>} : memref<12x128xi32, #tpu.memory_space<vmem>>, vector<16xi32>,
      %add3A_343 = arith.constant 224 : i32
      %add3A_344 = arith.addi %mul3A_11, %add3A_343 : i32
      %get3A_345 = arith.index_cast %add3A_344 : i32 to index
      %get3A_346 = tpu.vector_load %arg7[%get3A_345] {strides = array<i32>} : memref<8192xf32, #tpu.memory_space<vmem>>, vector<16xf32>,
      %add3A_347 = arith.constant 1.000000e+00 : f32
      %add3A_348 = vector.broadcast %add3A_347 : f32 to vector<16xf32>
      %add3A_349 = arith.addf %get3A_346, %add3A_348 : vector<16xf32>
      %mul3A_350 = arith.constant 3.276750e+04 : f32
      %mul3A_351 = vector.broadcast %mul3A_350 : f32 to vector<16xf32>
      %mul3A_352 = arith.mulf %add3A_349, %mul3A_351 : vector<16xf32>
      %convert_element_type3A_353 = arith.fptosi %mul3A_352 : vector<16xf32> to vector<16xi32>
      %min3A_354 = arith.constant 65535 : i32
      %min3A_355 = vector.broadcast %min3A_354 : i32 to vector<16xi32>
      %min3A_356 = arith.minsi %convert_element_type3A_353, %min3A_355 : vector<16xi32>
      %max3A_357 = arith.constant 0 : i32
      %max3A_358 = vector.broadcast %max3A_357 : i32 to vector<16xi32>
      %max3A_359 = arith.maxsi %min3A_356, %max3A_358 : vector<16xi32>
      %add3A_360 = arith.constant 0 : i32
      %add3A_361 = vector.broadcast %add3A_360 : i32 to vector<16xi32>
      %add3A_362 = arith.addi %max3A_359, %add3A_361 : vector<16xi32>
      %swap3A_363 = arith.constant 1 : i32
      %swap3A_364 = arith.index_cast %swap3A_363 : i32 to index
      %swap3A_365 = arith.constant 96 : index
      %swap3A_366 = tpu.vector_load %arg10[%swap3A_364, %swap3A_365] {strides = array<i32>} : memref<12x128xi32, #tpu.memory_space<vmem>>, vector<16xi32>,
      tpu.vector_store %arg10[%swap3A_364, %swap3A_365], %add3A_362 {strides = array<i32>} : memref<12x128xi32, #tpu.memory_space<vmem>>, vector<16xi32>,
      %add3A_367 = arith.constant 240 : i32
      %add3A_368 = arith.addi %mul3A_11, %add3A_367 : i32
      %get3A_369 = arith.index_cast %add3A_368 : i32 to index
      %get3A_370 = tpu.vector_load %arg7[%get3A_369] {strides = array<i32>} : memref<8192xf32, #tpu.memory_space<vmem>>, vector<16xf32>,
      %add3A_371 = arith.constant 1.000000e+00 : f32
      %add3A_372 = vector.broadcast %add3A_371 : f32 to vector<16xf32>
      %add3A_373 = arith.addf %get3A_370, %add3A_372 : vector<16xf32>
      %mul3A_374 = arith.constant 3.276750e+04 : f32
      %mul3A_375 = vector.broadcast %mul3A_374 : f32 to vector<16xf32>
      %mul3A_376 = arith.mulf %add3A_373, %mul3A_375 : vector<16xf32>
      %convert_element_type3A_377 = arith.fptosi %mul3A_376 : vector<16xf32> to vector<16xi32>
      %min3A_378 = arith.constant 65535 : i32
      %min3A_379 = vector.broadcast %min3A_378 : i32 to vector<16xi32>
      %min3A_380 = arith.minsi %convert_element_type3A_377, %min3A_379 : vector<16xi32>
      %max3A_381 = arith.constant 0 : i32
      %max3A_382 = vector.broadcast %max3A_381 : i32 to vector<16xi32>
      %max3A_383 = arith.maxsi %min3A_380, %max3A_382 : vector<16xi32>
      %add3A_384 = arith.constant 0 : i32
      %add3A_385 = vector.broadcast %add3A_384 : i32 to vector<16xi32>
      %add3A_386 = arith.addi %max3A_383, %add3A_385 : vector<16xi32>
      %swap3A_387 = arith.constant 1 : i32
      %swap3A_388 = arith.index_cast %swap3A_387 : i32 to index
      %swap3A_389 = arith.constant 112 : index
      %swap3A_390 = tpu.vector_load %arg10[%swap3A_388, %swap3A_389] {strides = array<i32>} : memref<12x128xi32, #tpu.memory_space<vmem>>, vector<16xi32>,
      tpu.vector_store %arg10[%swap3A_388, %swap3A_389], %add3A_386 {strides = array<i32>} : memref<12x128xi32, #tpu.memory_space<vmem>>, vector<16xi32>,
      %add3A_391 = arith.constant 256 : i32
      %add3A_392 = arith.addi %mul3A_11, %add3A_391 : i32
      %get3A_393 = arith.index_cast %add3A_392 : i32 to index
      %get3A_394 = tpu.vector_load %arg7[%get3A_393] {strides = array<i32>} : memref<8192xf32, #tpu.memory_space<vmem>>, vector<16xf32>,
      %add3A_395 = arith.constant 1.000000e+00 : f32
      %add3A_396 = vector.broadcast %add3A_395 : f32 to vector<16xf32>
      %add3A_397 = arith.addf %get3A_394, %add3A_396 : vector<16xf32>
      %mul3A_398 = arith.constant 3.276750e+04 : f32
      %mul3A_399 = vector.broadcast %mul3A_398 : f32 to vector<16xf32>
      %mul3A_400 = arith.mulf %add3A_397, %mul3A_399 : vector<16xf32>
      %convert_element_type3A_401 = arith.fptosi %mul3A_400 : vector<16xf32> to vector<16xi32>
      %min3A_402 = arith.constant 65535 : i32
      %min3A_403 = vector.broadcast %min3A_402 : i32 to vector<16xi32>
      %min3A_404 = arith.minsi %convert_element_type3A_401, %min3A_403 : vector<16xi32>
      %max3A_405 = arith.constant 0 : i32
      %max3A_406 = vector.broadcast %max3A_405 : i32 to vector<16xi32>
      %max3A_407 = arith.maxsi %min3A_404, %max3A_406 : vector<16xi32>
      %add3A_408 = arith.constant 0 : i32
      %add3A_409 = vector.broadcast %add3A_408 : i32 to vector<16xi32>
      %add3A_410 = arith.addi %max3A_407, %add3A_409 : vector<16xi32>
      %swap3A_411 = arith.constant 2 : i32
      %swap3A_412 = arith.index_cast %swap3A_411 : i32 to index
      %swap3A_413 = arith.constant 0 : index
      %swap3A_414 = tpu.vector_load %arg10[%swap3A_412, %swap3A_413] {strides = array<i32>} : memref<12x128xi32, #tpu.memory_space<vmem>>, vector<16xi32>,
      tpu.vector_store %arg10[%swap3A_412, %swap3A_413], %add3A_410 {strides = array<i32>} : memref<12x128xi32, #tpu.memory_space<vmem>>, vector<16xi32>,
      %add3A_415 = arith.constant 272 : i32
      %add3A_416 = arith.addi %mul3A_11, %add3A_415 : i32
      %get3A_417 = arith.index_cast %add3A_416 : i32 to index
      %get3A_418 = tpu.vector_load %arg7[%get3A_417] {strides = array<i32>} : memref<8192xf32, #tpu.memory_space<vmem>>, vector<16xf32>,
      %add3A_419 = arith.constant 1.000000e+00 : f32
      %add3A_420 = vector.broadcast %add3A_419 : f32 to vector<16xf32>
      %add3A_421 = arith.addf %get3A_418, %add3A_420 : vector<16xf32>
      %mul3A_422 = arith.constant 3.276750e+04 : f32
      %mul3A_423 = vector.broadcast %mul3A_422 : f32 to vector<16xf32>
      %mul3A_424 = arith.mulf %add3A_421, %mul3A_423 : vector<16xf32>
      %convert_element_type3A_425 = arith.fptosi %mul3A_424 : vector<16xf32> to vector<16xi32>
      %min3A_426 = arith.constant 65535 : i32
      %min3A_427 = vector.broadcast %min3A_426 : i32 to vector<16xi32>
      %min3A_428 = arith.minsi %convert_element_type3A_425, %min3A_427 : vector<16xi32>
      %max3A_429 = arith.constant 0 : i32
      %max3A_430 = vector.broadcast %max3A_429 : i32 to vector<16xi32>
      %max3A_431 = arith.maxsi %min3A_428, %max3A_430 : vector<16xi32>
      %add3A_432 = arith.constant 0 : i32
      %add3A_433 = vector.broadcast %add3A_432 : i32 to vector<16xi32>
      %add3A_434 = arith.addi %max3A_431, %add3A_433 : vector<16xi32>
      %swap3A_435 = arith.constant 2 : i32
      %swap3A_436 = arith.index_cast %swap3A_435 : i32 to index
      %swap3A_437 = arith.constant 16 : index
      %swap3A_438 = tpu.vector_load %arg10[%swap3A_436, %swap3A_437] {strides = array<i32>} : memref<12x128xi32, #tpu.memory_space<vmem>>, vector<16xi32>,
      tpu.vector_store %arg10[%swap3A_436, %swap3A_437], %add3A_434 {strides = array<i32>} : memref<12x128xi32, #tpu.memory_space<vmem>>, vector<16xi32>,
      %add3A_439 = arith.constant 288 : i32
      %add3A_440 = arith.addi %mul3A_11, %add3A_439 : i32
      %get3A_441 = arith.index_cast %add3A_440 : i32 to index
      %get3A_442 = tpu.vector_load %arg7[%get3A_441] {strides = array<i32>} : memref<8192xf32, #tpu.memory_space<vmem>>, vector<16xf32>,
      %add3A_443 = arith.constant 1.000000e+00 : f32
      %add3A_444 = vector.broadcast %add3A_443 : f32 to vector<16xf32>
      %add3A_445 = arith.addf %get3A_442, %add3A_444 : vector<16xf32>
      %mul3A_446 = arith.constant 3.276750e+04 : f32
      %mul3A_447 = vector.broadcast %mul3A_446 : f32 to vector<16xf32>
      %mul3A_448 = arith.mulf %add3A_445, %mul3A_447 : vector<16xf32>
      %convert_element_type3A_449 = arith.fptosi %mul3A_448 : vector<16xf32> to vector<16xi32>
      %min3A_450 = arith.constant 65535 : i32
      %min3A_451 = vector.broadcast %min3A_450 : i32 to vector<16xi32>
      %min3A_452 = arith.minsi %convert_element_type3A_449, %min3A_451 : vector<16xi32>
      %max3A_453 = arith.constant 0 : i32
      %max3A_454 = vector.broadcast %max3A_453 : i32 to vector<16xi32>
      %max3A_455 = arith.maxsi %min3A_452, %max3A_454 : vector<16xi32>
      %add3A_456 = arith.constant 0 : i32
      %add3A_457 = vector.broadcast %add3A_456 : i32 to vector<16xi32>
      %add3A_458 = arith.addi %max3A_455, %add3A_457 : vector<16xi32>
      %swap3A_459 = arith.constant 2 : i32
      %swap3A_460 = arith.index_cast %swap3A_459 : i32 to index
      %swap3A_461 = arith.constant 32 : index
      %swap3A_462 = tpu.vector_load %arg10[%swap3A_460, %swap3A_461] {strides = array<i32>} : memref<12x128xi32, #tpu.memory_space<vmem>>, vector<16xi32>,
      tpu.vector_store %arg10[%swap3A_460, %swap3A_461], %add3A_458 {strides = array<i32>} : memref<12x128xi32, #tpu.memory_space<vmem>>, vector<16xi32>,
      %add3A_463 = arith.constant 304 : i32
      %add3A_464 = arith.addi %mul3A_11, %add3A_463 : i32
      %get3A_465 = arith.index_cast %add3A_464 : i32 to index
      %get3A_466 = tpu.vector_load %arg7[%get3A_465] {strides = array<i32>} : memref<8192xf32, #tpu.memory_space<vmem>>, vector<16xf32>,
      %add3A_467 = arith.constant 1.000000e+00 : f32
      %add3A_468 = vector.broadcast %add3A_467 : f32 to vector<16xf32>
      %add3A_469 = arith.addf %get3A_466, %add3A_468 : vector<16xf32>
      %mul3A_470 = arith.constant 3.276750e+04 : f32
      %mul3A_471 = vector.broadcast %mul3A_470 : f32 to vector<16xf32>
      %mul3A_472 = arith.mulf %add3A_469, %mul3A_471 : vector<16xf32>
      %convert_element_type3A_473 = arith.fptosi %mul3A_472 : vector<16xf32> to vector<16xi32>
      %min3A_474 = arith.constant 65535 : i32
      %min3A_475 = vector.broadcast %min3A_474 : i32 to vector<16xi32>
      %min3A_476 = arith.minsi %convert_element_type3A_473, %min3A_475 : vector<16xi32>
      %max3A_477 = arith.constant 0 : i32
      %max3A_478 = vector.broadcast %max3A_477 : i32 to vector<16xi32>
      %max3A_479 = arith.maxsi %min3A_476, %max3A_478 : vector<16xi32>
      %add3A_480 = arith.constant 0 : i32
      %add3A_481 = vector.broadcast %add3A_480 : i32 to vector<16xi32>
      %add3A_482 = arith.addi %max3A_479, %add3A_481 : vector<16xi32>
      %swap3A_483 = arith.constant 2 : i32
      %swap3A_484 = arith.index_cast %swap3A_483 : i32 to index
      %swap3A_485 = arith.constant 48 : index
      %swap3A_486 = tpu.vector_load %arg10[%swap3A_484, %swap3A_485] {strides = array<i32>} : memref<12x128xi32, #tpu.memory_space<vmem>>, vector<16xi32>,
      tpu.vector_store %arg10[%swap3A_484, %swap3A_485], %add3A_482 {strides = array<i32>} : memref<12x128xi32, #tpu.memory_space<vmem>>, vector<16xi32>,
      %add3A_487 = arith.constant 320 : i32
      %add3A_488 = arith.addi %mul3A_11, %add3A_487 : i32
      %get3A_489 = arith.index_cast %add3A_488 : i32 to index
      %get3A_490 = tpu.vector_load %arg7[%get3A_489] {strides = array<i32>} : memref<8192xf32, #tpu.memory_space<vmem>>, vector<16xf32>,
      %add3A_491 = arith.constant 1.000000e+00 : f32
      %add3A_492 = vector.broadcast %add3A_491 : f32 to vector<16xf32>
      %add3A_493 = arith.addf %get3A_490, %add3A_492 : vector<16xf32>
      %mul3A_494 = arith.constant 3.276750e+04 : f32
      %mul3A_495 = vector.broadcast %mul3A_494 : f32 to vector<16xf32>
      %mul3A_496 = arith.mulf %add3A_493, %mul3A_495 : vector<16xf32>
      %convert_element_type3A_497 = arith.fptosi %mul3A_496 : vector<16xf32> to vector<16xi32>
      %min3A_498 = arith.constant 65535 : i32
      %min3A_499 = vector.broadcast %min3A_498 : i32 to vector<16xi32>
      %min3A_500 = arith.minsi %convert_element_type3A_497, %min3A_499 : vector<16xi32>
      %max3A_501 = arith.constant 0 : i32
      %max3A_502 = vector.broadcast %max3A_501 : i32 to vector<16xi32>
      %max3A_503 = arith.maxsi %min3A_500, %max3A_502 : vector<16xi32>
      %add3A_504 = arith.constant 0 : i32
      %add3A_505 = vector.broadcast %add3A_504 : i32 to vector<16xi32>
      %add3A_506 = arith.addi %max3A_503, %add3A_505 : vector<16xi32>
      %swap3A_507 = arith.constant 2 : i32
      %swap3A_508 = arith.index_cast %swap3A_507 : i32 to index
      %swap3A_509 = arith.constant 64 : index
      %swap3A_510 = tpu.vector_load %arg10[%swap3A_508, %swap3A_509] {strides = array<i32>} : memref<12x128xi32, #tpu.memory_space<vmem>>, vector<16xi32>,
      tpu.vector_store %arg10[%swap3A_508, %swap3A_509], %add3A_506 {strides = array<i32>} : memref<12x128xi32, #tpu.memory_space<vmem>>, vector<16xi32>,
      %add3A_511 = arith.constant 336 : i32
      %add3A_512 = arith.addi %mul3A_11, %add3A_511 : i32
      %get3A_513 = arith.index_cast %add3A_512 : i32 to index
      %get3A_514 = tpu.vector_load %arg7[%get3A_513] {strides = array<i32>} : memref<8192xf32, #tpu.memory_space<vmem>>, vector<16xf32>,
      %add3A_515 = arith.constant 1.000000e+00 : f32
      %add3A_516 = vector.broadcast %add3A_515 : f32 to vector<16xf32>
      %add3A_517 = arith.addf %get3A_514, %add3A_516 : vector<16xf32>
      %mul3A_518 = arith.constant 3.276750e+04 : f32
      %mul3A_519 = vector.broadcast %mul3A_518 : f32 to vector<16xf32>
      %mul3A_520 = arith.mulf %add3A_517, %mul3A_519 : vector<16xf32>
      %convert_element_type3A_521 = arith.fptosi %mul3A_520 : vector<16xf32> to vector<16xi32>
      %min3A_522 = arith.constant 65535 : i32
      %min3A_523 = vector.broadcast %min3A_522 : i32 to vector<16xi32>
      %min3A_524 = arith.minsi %convert_element_type3A_521, %min3A_523 : vector<16xi32>
      %max3A_525 = arith.constant 0 : i32
      %max3A_526 = vector.broadcast %max3A_525 : i32 to vector<16xi32>
      %max3A_527 = arith.maxsi %min3A_524, %max3A_526 : vector<16xi32>
      %add3A_528 = arith.constant 0 : i32
      %add3A_529 = vector.broadcast %add3A_528 : i32 to vector<16xi32>
      %add3A_530 = arith.addi %max3A_527, %add3A_529 : vector<16xi32>
      %swap3A_531 = arith.constant 2 : i32
      %swap3A_532 = arith.index_cast %swap3A_531 : i32 to index
      %swap3A_533 = arith.constant 80 : index
      %swap3A_534 = tpu.vector_load %arg10[%swap3A_532, %swap3A_533] {strides = array<i32>} : memref<12x128xi32, #tpu.memory_space<vmem>>, vector<16xi32>,
      tpu.vector_store %arg10[%swap3A_532, %swap3A_533], %add3A_530 {strides = array<i32>} : memref<12x128xi32, #tpu.memory_space<vmem>>, vector<16xi32>,
      %add3A_535 = arith.constant 352 : i32
      %add3A_536 = arith.addi %mul3A_11, %add3A_535 : i32
      %get3A_537 = arith.index_cast %add3A_536 : i32 to index
      %get3A_538 = tpu.vector_load %arg7[%get3A_537] {strides = array<i32>} : memref<8192xf32, #tpu.memory_space<vmem>>, vector<16xf32>,
      %add3A_539 = arith.constant 1.000000e+00 : f32
      %add3A_540 = vector.broadcast %add3A_539 : f32 to vector<16xf32>
      %add3A_541 = arith.addf %get3A_538, %add3A_540 : vector<16xf32>
      %mul3A_542 = arith.constant 3.276750e+04 : f32
      %mul3A_543 = vector.broadcast %mul3A_542 : f32 to vector<16xf32>
      %mul3A_544 = arith.mulf %add3A_541, %mul3A_543 : vector<16xf32>
      %convert_element_type3A_545 = arith.fptosi %mul3A_544 : vector<16xf32> to vector<16xi32>
      %min3A_546 = arith.constant 65535 : i32
      %min3A_547 = vector.broadcast %min3A_546 : i32 to vector<16xi32>
      %min3A_548 = arith.minsi %convert_element_type3A_545, %min3A_547 : vector<16xi32>
      %max3A_549 = arith.constant 0 : i32
      %max3A_550 = vector.broadcast %max3A_549 : i32 to vector<16xi32>
      %max3A_551 = arith.maxsi %min3A_548, %max3A_550 : vector<16xi32>
      %add3A_552 = arith.constant 0 : i32
      %add3A_553 = vector.broadcast %add3A_552 : i32 to vector<16xi32>
      %add3A_554 = arith.addi %max3A_551, %add3A_553 : vector<16xi32>
      %swap3A_555 = arith.constant 2 : i32
      %swap3A_556 = arith.index_cast %swap3A_555 : i32 to index
      %swap3A_557 = arith.constant 96 : index
      %swap3A_558 = tpu.vector_load %arg10[%swap3A_556, %swap3A_557] {strides = array<i32>} : memref<12x128xi32, #tpu.memory_space<vmem>>, vector<16xi32>,
      tpu.vector_store %arg10[%swap3A_556, %swap3A_557], %add3A_554 {strides = array<i32>} : memref<12x128xi32, #tpu.memory_space<vmem>>, vector<16xi32>,
      %add3A_559 = arith.constant 368 : i32
      %add3A_560 = arith.addi %mul3A_11, %add3A_559 : i32
      %get3A_561 = arith.index_cast %add3A_560 : i32 to index
      %get3A_562 = tpu.vector_load %arg7[%get3A_561] {strides = array<i32>} : memref<8192xf32, #tpu.memory_space<vmem>>, vector<16xf32>,
      %add3A_563 = arith.constant 1.000000e+00 : f32
      %add3A_564 = vector.broadcast %add3A_563 : f32 to vector<16xf32>
      %add3A_565 = arith.addf %get3A_562, %add3A_564 : vector<16xf32>
      %mul3A_566 = arith.constant 3.276750e+04 : f32
      %mul3A_567 = vector.broadcast %mul3A_566 : f32 to vector<16xf32>
      %mul3A_568 = arith.mulf %add3A_565, %mul3A_567 : vector<16xf32>
      %convert_element_type3A_569 = arith.fptosi %mul3A_568 : vector<16xf32> to vector<16xi32>
      %min3A_570 = arith.constant 65535 : i32
      %min3A_571 = vector.broadcast %min3A_570 : i32 to vector<16xi32>
      %min3A_572 = arith.minsi %convert_element_type3A_569, %min3A_571 : vector<16xi32>
      %max3A_573 = arith.constant 0 : i32
      %max3A_574 = vector.broadcast %max3A_573 : i32 to vector<16xi32>
      %max3A_575 = arith.maxsi %min3A_572, %max3A_574 : vector<16xi32>
      %add3A_576 = arith.constant 0 : i32
      %add3A_577 = vector.broadcast %add3A_576 : i32 to vector<16xi32>
      %add3A_578 = arith.addi %max3A_575, %add3A_577 : vector<16xi32>
      %swap3A_579 = arith.constant 2 : i32
      %swap3A_580 = arith.index_cast %swap3A_579 : i32 to index
      %swap3A_581 = arith.constant 112 : index
      %swap3A_582 = tpu.vector_load %arg10[%swap3A_580, %swap3A_581] {strides = array<i32>} : memref<12x128xi32, #tpu.memory_space<vmem>>, vector<16xi32>,
      tpu.vector_store %arg10[%swap3A_580, %swap3A_581], %add3A_578 {strides = array<i32>} : memref<12x128xi32, #tpu.memory_space<vmem>>, vector<16xi32>,
      %add3A_583 = arith.constant 384 : i32
      %add3A_584 = arith.addi %mul3A_11, %add3A_583 : i32
      %get3A_585 = arith.index_cast %add3A_584 : i32 to index
      %get3A_586 = tpu.vector_load %arg7[%get3A_585] {strides = array<i32>} : memref<8192xf32, #tpu.memory_space<vmem>>, vector<16xf32>,
      %add3A_587 = arith.constant 1.000000e+00 : f32
      %add3A_588 = vector.broadcast %add3A_587 : f32 to vector<16xf32>
      %add3A_589 = arith.addf %get3A_586, %add3A_588 : vector<16xf32>
      %mul3A_590 = arith.constant 3.276750e+04 : f32
      %mul3A_591 = vector.broadcast %mul3A_590 : f32 to vector<16xf32>
      %mul3A_592 = arith.mulf %add3A_589, %mul3A_591 : vector<16xf32>
      %convert_element_type3A_593 = arith.fptosi %mul3A_592 : vector<16xf32> to vector<16xi32>
      %min3A_594 = arith.constant 65535 : i32
      %min3A_595 = vector.broadcast %min3A_594 : i32 to vector<16xi32>
      %min3A_596 = arith.minsi %convert_element_type3A_593, %min3A_595 : vector<16xi32>
      %max3A_597 = arith.constant 0 : i32
      %max3A_598 = vector.broadcast %max3A_597 : i32 to vector<16xi32>
      %max3A_599 = arith.maxsi %min3A_596, %max3A_598 : vector<16xi32>
      %add3A_600 = arith.constant 0 : i32
      %add3A_601 = vector.broadcast %add3A_600 : i32 to vector<16xi32>
      %add3A_602 = arith.addi %max3A_599, %add3A_601 : vector<16xi32>
      %swap3A_603 = arith.constant 3 : i32
      %swap3A_604 = arith.index_cast %swap3A_603 : i32 to index
      %swap3A_605 = arith.constant 0 : index
      %swap3A_606 = tpu.vector_load %arg10[%swap3A_604, %swap3A_605] {strides = array<i32>} : memref<12x128xi32, #tpu.memory_space<vmem>>, vector<16xi32>,
      tpu.vector_store %arg10[%swap3A_604, %swap3A_605], %add3A_602 {strides = array<i32>} : memref<12x128xi32, #tpu.memory_space<vmem>>, vector<16xi32>,
      %add3A_607 = arith.constant 400 : i32
      %add3A_608 = arith.addi %mul3A_11, %add3A_607 : i32
      %get3A_609 = arith.index_cast %add3A_608 : i32 to index
      %get3A_610 = tpu.vector_load %arg7[%get3A_609] {strides = array<i32>} : memref<8192xf32, #tpu.memory_space<vmem>>, vector<16xf32>,
      %add3A_611 = arith.constant 1.000000e+00 : f32
      %add3A_612 = vector.broadcast %add3A_611 : f32 to vector<16xf32>
      %add3A_613 = arith.addf %get3A_610, %add3A_612 : vector<16xf32>
      %mul3A_614 = arith.constant 3.276750e+04 : f32
      %mul3A_615 = vector.broadcast %mul3A_614 : f32 to vector<16xf32>
      %mul3A_616 = arith.mulf %add3A_613, %mul3A_615 : vector<16xf32>
      %convert_element_type3A_617 = arith.fptosi %mul3A_616 : vector<16xf32> to vector<16xi32>
      %min3A_618 = arith.constant 65535 : i32
      %min3A_619 = vector.broadcast %min3A_618 : i32 to vector<16xi32>
      %min3A_620 = arith.minsi %convert_element_type3A_617, %min3A_619 : vector<16xi32>
      %max3A_621 = arith.constant 0 : i32
      %max3A_622 = vector.broadcast %max3A_621 : i32 to vector<16xi32>
      %max3A_623 = arith.maxsi %min3A_620, %max3A_622 : vector<16xi32>
      %add3A_624 = arith.constant 0 : i32
      %add3A_625 = vector.broadcast %add3A_624 : i32 to vector<16xi32>
      %add3A_626 = arith.addi %max3A_623, %add3A_625 : vector<16xi32>
      %swap3A_627 = arith.constant 3 : i32
      %swap3A_628 = arith.index_cast %swap3A_627 : i32 to index
      %swap3A_629 = arith.constant 16 : index
      %swap3A_630 = tpu.vector_load %arg10[%swap3A_628, %swap3A_629] {strides = array<i32>} : memref<12x128xi32, #tpu.memory_space<vmem>>, vector<16xi32>,
      tpu.vector_store %arg10[%swap3A_628, %swap3A_629], %add3A_626 {strides = array<i32>} : memref<12x128xi32, #tpu.memory_space<vmem>>, vector<16xi32>,
      %add3A_631 = arith.constant 416 : i32
      %add3A_632 = arith.addi %mul3A_11, %add3A_631 : i32
      %get3A_633 = arith.index_cast %add3A_632 : i32 to index
      %get3A_634 = tpu.vector_load %arg7[%get3A_633] {strides = array<i32>} : memref<8192xf32, #tpu.memory_space<vmem>>, vector<16xf32>,
      %add3A_635 = arith.constant 1.000000e+00 : f32
      %add3A_636 = vector.broadcast %add3A_635 : f32 to vector<16xf32>
      %add3A_637 = arith.addf %get3A_634, %add3A_636 : vector<16xf32>
      %mul3A_638 = arith.constant 3.276750e+04 : f32
      %mul3A_639 = vector.broadcast %mul3A_638 : f32 to vector<16xf32>
      %mul3A_640 = arith.mulf %add3A_637, %mul3A_639 : vector<16xf32>
      %convert_element_type3A_641 = arith.fptosi %mul3A_640 : vector<16xf32> to vector<16xi32>
      %min3A_642 = arith.constant 65535 : i32
      %min3A_643 = vector.broadcast %min3A_642 : i32 to vector<16xi32>
      %min3A_644 = arith.minsi %convert_element_type3A_641, %min3A_643 : vector<16xi32>
      %max3A_645 = arith.constant 0 : i32
      %max3A_646 = vector.broadcast %max3A_645 : i32 to vector<16xi32>
      %max3A_647 = arith.maxsi %min3A_644, %max3A_646 : vector<16xi32>
      %add3A_648 = arith.constant 0 : i32
      %add3A_649 = vector.broadcast %add3A_648 : i32 to vector<16xi32>
      %add3A_650 = arith.addi %max3A_647, %add3A_649 : vector<16xi32>
      %swap3A_651 = arith.constant 3 : i32
      %swap3A_652 = arith.index_cast %swap3A_651 : i32 to index
      %swap3A_653 = arith.constant 32 : index
      %swap3A_654 = tpu.vector_load %arg10[%swap3A_652, %swap3A_653] {strides = array<i32>} : memref<12x128xi32, #tpu.memory_space<vmem>>, vector<16xi32>,
      tpu.vector_store %arg10[%swap3A_652, %swap3A_653], %add3A_650 {strides = array<i32>} : memref<12x128xi32, #tpu.memory_space<vmem>>, vector<16xi32>,
      %add3A_655 = arith.constant 432 : i32
      %add3A_656 = arith.addi %mul3A_11, %add3A_655 : i32
      %get3A_657 = arith.index_cast %add3A_656 : i32 to index
      %get3A_658 = tpu.vector_load %arg7[%get3A_657] {strides = array<i32>} : memref<8192xf32, #tpu.memory_space<vmem>>, vector<16xf32>,
      %add3A_659 = arith.constant 1.000000e+00 : f32
      %add3A_660 = vector.broadcast %add3A_659 : f32 to vector<16xf32>
      %add3A_661 = arith.addf %get3A_658, %add3A_660 : vector<16xf32>
      %mul3A_662 = arith.constant 3.276750e+04 : f32
      %mul3A_663 = vector.broadcast %mul3A_662 : f32 to vector<16xf32>
      %mul3A_664 = arith.mulf %add3A_661, %mul3A_663 : vector<16xf32>
      %convert_element_type3A_665 = arith.fptosi %mul3A_664 : vector<16xf32> to vector<16xi32>
      %min3A_666 = arith.constant 65535 : i32
      %min3A_667 = vector.broadcast %min3A_666 : i32 to vector<16xi32>
      %min3A_668 = arith.minsi %convert_element_type3A_665, %min3A_667 : vector<16xi32>
      %max3A_669 = arith.constant 0 : i32
      %max3A_670 = vector.broadcast %max3A_669 : i32 to vector<16xi32>
      %max3A_671 = arith.maxsi %min3A_668, %max3A_670 : vector<16xi32>
      %add3A_672 = arith.constant 0 : i32
      %add3A_673 = vector.broadcast %add3A_672 : i32 to vector<16xi32>
      %add3A_674 = arith.addi %max3A_671, %add3A_673 : vector<16xi32>
      %swap3A_675 = arith.constant 3 : i32
      %swap3A_676 = arith.index_cast %swap3A_675 : i32 to index
      %swap3A_677 = arith.constant 48 : index
      %swap3A_678 = tpu.vector_load %arg10[%swap3A_676, %swap3A_677] {strides = array<i32>} : memref<12x128xi32, #tpu.memory_space<vmem>>, vector<16xi32>,
      tpu.vector_store %arg10[%swap3A_676, %swap3A_677], %add3A_674 {strides = array<i32>} : memref<12x128xi32, #tpu.memory_space<vmem>>, vector<16xi32>,
      %add3A_679 = arith.constant 448 : i32
      %add3A_680 = arith.addi %mul3A_11, %add3A_679 : i32
      %get3A_681 = arith.index_cast %add3A_680 : i32 to index
      %get3A_682 = tpu.vector_load %arg7[%get3A_681] {strides = array<i32>} : memref<8192xf32, #tpu.memory_space<vmem>>, vector<16xf32>,
      %add3A_683 = arith.constant 1.000000e+00 : f32
      %add3A_684 = vector.broadcast %add3A_683 : f32 to vector<16xf32>
      %add3A_685 = arith.addf %get3A_682, %add3A_684 : vector<16xf32>
      %mul3A_686 = arith.constant 3.276750e+04 : f32
      %mul3A_687 = vector.broadcast %mul3A_686 : f32 to vector<16xf32>
      %mul3A_688 = arith.mulf %add3A_685, %mul3A_687 : vector<16xf32>
      %convert_element_type3A_689 = arith.fptosi %mul3A_688 : vector<16xf32> to vector<16xi32>
      %min3A_690 = arith.constant 65535 : i32
      %min3A_691 = vector.broadcast %min3A_690 : i32 to vector<16xi32>
      %min3A_692 = arith.minsi %convert_element_type3A_689, %min3A_691 : vector<16xi32>
      %max3A_693 = arith.constant 0 : i32
      %max3A_694 = vector.broadcast %max3A_693 : i32 to vector<16xi32>
      %max3A_695 = arith.maxsi %min3A_692, %max3A_694 : vector<16xi32>
      %add3A_696 = arith.constant 0 : i32
      %add3A_697 = vector.broadcast %add3A_696 : i32 to vector<16xi32>
      %add3A_698 = arith.addi %max3A_695, %add3A_697 : vector<16xi32>
      %swap3A_699 = arith.constant 3 : i32
      %swap3A_700 = arith.index_cast %swap3A_699 : i32 to index
      %swap3A_701 = arith.constant 64 : index
      %swap3A_702 = tpu.vector_load %arg10[%swap3A_700, %swap3A_701] {strides = array<i32>} : memref<12x128xi32, #tpu.memory_space<vmem>>, vector<16xi32>,
      tpu.vector_store %arg10[%swap3A_700, %swap3A_701], %add3A_698 {strides = array<i32>} : memref<12x128xi32, #tpu.memory_space<vmem>>, vector<16xi32>,
      %add3A_703 = arith.constant 464 : i32
      %add3A_704 = arith.addi %mul3A_11, %add3A_703 : i32
      %get3A_705 = arith.index_cast %add3A_704 : i32 to index
      %get3A_706 = tpu.vector_load %arg7[%get3A_705] {strides = array<i32>} : memref<8192xf32, #tpu.memory_space<vmem>>, vector<16xf32>,
      %add3A_707 = arith.constant 1.000000e+00 : f32
      %add3A_708 = vector.broadcast %add3A_707 : f32 to vector<16xf32>
      %add3A_709 = arith.addf %get3A_706, %add3A_708 : vector<16xf32>
      %mul3A_710 = arith.constant 3.276750e+04 : f32
      %mul3A_711 = vector.broadcast %mul3A_710 : f32 to vector<16xf32>
      %mul3A_712 = arith.mulf %add3A_709, %mul3A_711 : vector<16xf32>
      %convert_element_type3A_713 = arith.fptosi %mul3A_712 : vector<16xf32> to vector<16xi32>
      %min3A_714 = arith.constant 65535 : i32
      %min3A_715 = vector.broadcast %min3A_714 : i32 to vector<16xi32>
      %min3A_716 = arith.minsi %convert_element_type3A_713, %min3A_715 : vector<16xi32>
      %max3A_717 = arith.constant 0 : i32
      %max3A_718 = vector.broadcast %max3A_717 : i32 to vector<16xi32>
      %max3A_719 = arith.maxsi %min3A_716, %max3A_718 : vector<16xi32>
      %add3A_720 = arith.constant 0 : i32
      %add3A_721 = vector.broadcast %add3A_720 : i32 to vector<16xi32>
      %add3A_722 = arith.addi %max3A_719, %add3A_721 : vector<16xi32>
      %swap3A_723 = arith.constant 3 : i32
      %swap3A_724 = arith.index_cast %swap3A_723 : i32 to index
      %swap3A_725 = arith.constant 80 : index
      %swap3A_726 = tpu.vector_load %arg10[%swap3A_724, %swap3A_725] {strides = array<i32>} : memref<12x128xi32, #tpu.memory_space<vmem>>, vector<16xi32>,
      tpu.vector_store %arg10[%swap3A_724, %swap3A_725], %add3A_722 {strides = array<i32>} : memref<12x128xi32, #tpu.memory_space<vmem>>, vector<16xi32>,
      %add3A_727 = arith.constant 480 : i32
      %add3A_728 = arith.addi %mul3A_11, %add3A_727 : i32
      %get3A_729 = arith.index_cast %add3A_728 : i32 to index
      %get3A_730 = tpu.vector_load %arg7[%get3A_729] {strides = array<i32>} : memref<8192xf32, #tpu.memory_space<vmem>>, vector<16xf32>,
      %add3A_731 = arith.constant 1.000000e+00 : f32
      %add3A_732 = vector.broadcast %add3A_731 : f32 to vector<16xf32>
      %add3A_733 = arith.addf %get3A_730, %add3A_732 : vector<16xf32>
      %mul3A_734 = arith.constant 3.276750e+04 : f32
      %mul3A_735 = vector.broadcast %mul3A_734 : f32 to vector<16xf32>
      %mul3A_736 = arith.mulf %add3A_733, %mul3A_735 : vector<16xf32>
      %convert_element_type3A_737 = arith.fptosi %mul3A_736 : vector<16xf32> to vector<16xi32>
      %min3A_738 = arith.constant 65535 : i32
      %min3A_739 = vector.broadcast %min3A_738 : i32 to vector<16xi32>
      %min3A_740 = arith.minsi %convert_element_type3A_737, %min3A_739 : vector<16xi32>
      %max3A_741 = arith.constant 0 : i32
      %max3A_742 = vector.broadcast %max3A_741 : i32 to vector<16xi32>
      %max3A_743 = arith.maxsi %min3A_740, %max3A_742 : vector<16xi32>
      %add3A_744 = arith.constant 0 : i32
      %add3A_745 = vector.broadcast %add3A_744 : i32 to vector<16xi32>
      %add3A_746 = arith.addi %max3A_743, %add3A_745 : vector<16xi32>
      %swap3A_747 = arith.constant 3 : i32
      %swap3A_748 = arith.index_cast %swap3A_747 : i32 to index
      %swap3A_749 = arith.constant 96 : index
      %swap3A_750 = tpu.vector_load %arg10[%swap3A_748, %swap3A_749] {strides = array<i32>} : memref<12x128xi32, #tpu.memory_space<vmem>>, vector<16xi32>,
      tpu.vector_store %arg10[%swap3A_748, %swap3A_749], %add3A_746 {strides = array<i32>} : memref<12x128xi32, #tpu.memory_space<vmem>>, vector<16xi32>,
      %add3A_751 = arith.constant 496 : i32
      %add3A_752 = arith.addi %mul3A_11, %add3A_751 : i32
      %get3A_753 = arith.index_cast %add3A_752 : i32 to index
      %get3A_754 = tpu.vector_load %arg7[%get3A_753] {strides = array<i32>} : memref<8192xf32, #tpu.memory_space<vmem>>, vector<16xf32>,
      %add3A_755 = arith.constant 1.000000e+00 : f32
      %add3A_756 = vector.broadcast %add3A_755 : f32 to vector<16xf32>
      %add3A_757 = arith.addf %get3A_754, %add3A_756 : vector<16xf32>
      %mul3A_758 = arith.constant 3.276750e+04 : f32
      %mul3A_759 = vector.broadcast %mul3A_758 : f32 to vector<16xf32>
      %mul3A_760 = arith.mulf %add3A_757, %mul3A_759 : vector<16xf32>
      %convert_element_type3A_761 = arith.fptosi %mul3A_760 : vector<16xf32> to vector<16xi32>
      %min3A_762 = arith.constant 65535 : i32
      %min3A_763 = vector.broadcast %min3A_762 : i32 to vector<16xi32>
      %min3A_764 = arith.minsi %convert_element_type3A_761, %min3A_763 : vector<16xi32>
      %max3A_765 = arith.constant 0 : i32
      %max3A_766 = vector.broadcast %max3A_765 : i32 to vector<16xi32>
      %max3A_767 = arith.maxsi %min3A_764, %max3A_766 : vector<16xi32>
      %add3A_768 = arith.constant 0 : i32
      %add3A_769 = vector.broadcast %add3A_768 : i32 to vector<16xi32>
      %add3A_770 = arith.addi %max3A_767, %add3A_769 : vector<16xi32>
      %swap3A_771 = arith.constant 3 : i32
      %swap3A_772 = arith.index_cast %swap3A_771 : i32 to index
      %swap3A_773 = arith.constant 112 : index
      %swap3A_774 = tpu.vector_load %arg10[%swap3A_772, %swap3A_773] {strides = array<i32>} : memref<12x128xi32, #tpu.memory_space<vmem>>, vector<16xi32>,
      tpu.vector_store %arg10[%swap3A_772, %swap3A_773], %add3A_770 {strides = array<i32>} : memref<12x128xi32, #tpu.memory_space<vmem>>, vector<16xi32>,
      %add3A_775 = arith.constant 0 : i32
      %add3A_776 = arith.addi %mul3A_11, %add3A_775 : i32
      %get3A_777 = arith.index_cast %add3A_776 : i32 to index
      %get3A_778 = tpu.vector_load %arg8[%get3A_777] {strides = array<i32>} : memref<8192xf32, #tpu.memory_space<vmem>>, vector<16xf32>,
      %add3A_779 = arith.constant 1.000000e+00 : f32
      %add3A_780 = vector.broadcast %add3A_779 : f32 to vector<16xf32>
      %add3A_781 = arith.addf %get3A_778, %add3A_780 : vector<16xf32>
      %mul3A_782 = arith.constant 3.276750e+04 : f32
      %mul3A_783 = vector.broadcast %mul3A_782 : f32 to vector<16xf32>
      %mul3A_784 = arith.mulf %add3A_781, %mul3A_783 : vector<16xf32>
      %convert_element_type3A_785 = arith.fptosi %mul3A_784 : vector<16xf32> to vector<16xi32>
      %min3A_786 = arith.constant 65535 : i32
      %min3A_787 = vector.broadcast %min3A_786 : i32 to vector<16xi32>
      %min3A_788 = arith.minsi %convert_element_type3A_785, %min3A_787 : vector<16xi32>
      %max3A_789 = arith.constant 0 : i32
      %max3A_790 = vector.broadcast %max3A_789 : i32 to vector<16xi32>
      %max3A_791 = arith.maxsi %min3A_788, %max3A_790 : vector<16xi32>
      %add3A_792 = arith.constant 65536 : i32
      %add3A_793 = vector.broadcast %add3A_792 : i32 to vector<16xi32>
      %add3A_794 = arith.addi %max3A_791, %add3A_793 : vector<16xi32>
      %swap3A_795 = arith.constant 4 : i32
      %swap3A_796 = arith.index_cast %swap3A_795 : i32 to index
      %swap3A_797 = arith.constant 0 : index
      %swap3A_798 = tpu.vector_load %arg10[%swap3A_796, %swap3A_797] {strides = array<i32>} : memref<12x128xi32, #tpu.memory_space<vmem>>, vector<16xi32>,
      tpu.vector_store %arg10[%swap3A_796, %swap3A_797], %add3A_794 {strides = array<i32>} : memref<12x128xi32, #tpu.memory_space<vmem>>, vector<16xi32>,
      %add3A_799 = arith.constant 16 : i32
      %add3A_800 = arith.addi %mul3A_11, %add3A_799 : i32
      %get3A_801 = arith.index_cast %add3A_800 : i32 to index
      %get3A_802 = tpu.vector_load %arg8[%get3A_801] {strides = array<i32>} : memref<8192xf32, #tpu.memory_space<vmem>>, vector<16xf32>,
      %add3A_803 = arith.constant 1.000000e+00 : f32
      %add3A_804 = vector.broadcast %add3A_803 : f32 to vector<16xf32>
      %add3A_805 = arith.addf %get3A_802, %add3A_804 : vector<16xf32>
      %mul3A_806 = arith.constant 3.276750e+04 : f32
      %mul3A_807 = vector.broadcast %mul3A_806 : f32 to vector<16xf32>
      %mul3A_808 = arith.mulf %add3A_805, %mul3A_807 : vector<16xf32>
      %convert_element_type3A_809 = arith.fptosi %mul3A_808 : vector<16xf32> to vector<16xi32>
      %min3A_810 = arith.constant 65535 : i32
      %min3A_811 = vector.broadcast %min3A_810 : i32 to vector<16xi32>
      %min3A_812 = arith.minsi %convert_element_type3A_809, %min3A_811 : vector<16xi32>
      %max3A_813 = arith.constant 0 : i32
      %max3A_814 = vector.broadcast %max3A_813 : i32 to vector<16xi32>
      %max3A_815 = arith.maxsi %min3A_812, %max3A_814 : vector<16xi32>
      %add3A_816 = arith.constant 65536 : i32
      %add3A_817 = vector.broadcast %add3A_816 : i32 to vector<16xi32>
      %add3A_818 = arith.addi %max3A_815, %add3A_817 : vector<16xi32>
      %swap3A_819 = arith.constant 4 : i32
      %swap3A_820 = arith.index_cast %swap3A_819 : i32 to index
      %swap3A_821 = arith.constant 16 : index
      %swap3A_822 = tpu.vector_load %arg10[%swap3A_820, %swap3A_821] {strides = array<i32>} : memref<12x128xi32, #tpu.memory_space<vmem>>, vector<16xi32>,
      tpu.vector_store %arg10[%swap3A_820, %swap3A_821], %add3A_818 {strides = array<i32>} : memref<12x128xi32, #tpu.memory_space<vmem>>, vector<16xi32>,
      %add3A_823 = arith.constant 32 : i32
      %add3A_824 = arith.addi %mul3A_11, %add3A_823 : i32
      %get3A_825 = arith.index_cast %add3A_824 : i32 to index
      %get3A_826 = tpu.vector_load %arg8[%get3A_825] {strides = array<i32>} : memref<8192xf32, #tpu.memory_space<vmem>>, vector<16xf32>,
      %add3A_827 = arith.constant 1.000000e+00 : f32
      %add3A_828 = vector.broadcast %add3A_827 : f32 to vector<16xf32>
      %add3A_829 = arith.addf %get3A_826, %add3A_828 : vector<16xf32>
      %mul3A_830 = arith.constant 3.276750e+04 : f32
      %mul3A_831 = vector.broadcast %mul3A_830 : f32 to vector<16xf32>
      %mul3A_832 = arith.mulf %add3A_829, %mul3A_831 : vector<16xf32>
      %convert_element_type3A_833 = arith.fptosi %mul3A_832 : vector<16xf32> to vector<16xi32>
      %min3A_834 = arith.constant 65535 : i32
      %min3A_835 = vector.broadcast %min3A_834 : i32 to vector<16xi32>
      %min3A_836 = arith.minsi %convert_element_type3A_833, %min3A_835 : vector<16xi32>
      %max3A_837 = arith.constant 0 : i32
      %max3A_838 = vector.broadcast %max3A_837 : i32 to vector<16xi32>
      %max3A_839 = arith.maxsi %min3A_836, %max3A_838 : vector<16xi32>
      %add3A_840 = arith.constant 65536 : i32
      %add3A_841 = vector.broadcast %add3A_840 : i32 to vector<16xi32>
      %add3A_842 = arith.addi %max3A_839, %add3A_841 : vector<16xi32>
      %swap3A_843 = arith.constant 4 : i32
      %swap3A_844 = arith.index_cast %swap3A_843 : i32 to index
      %swap3A_845 = arith.constant 32 : index
      %swap3A_846 = tpu.vector_load %arg10[%swap3A_844, %swap3A_845] {strides = array<i32>} : memref<12x128xi32, #tpu.memory_space<vmem>>, vector<16xi32>,
      tpu.vector_store %arg10[%swap3A_844, %swap3A_845], %add3A_842 {strides = array<i32>} : memref<12x128xi32, #tpu.memory_space<vmem>>, vector<16xi32>,
      %add3A_847 = arith.constant 48 : i32
      %add3A_848 = arith.addi %mul3A_11, %add3A_847 : i32
      %get3A_849 = arith.index_cast %add3A_848 : i32 to index
      %get3A_850 = tpu.vector_load %arg8[%get3A_849] {strides = array<i32>} : memref<8192xf32, #tpu.memory_space<vmem>>, vector<16xf32>,
      %add3A_851 = arith.constant 1.000000e+00 : f32
      %add3A_852 = vector.broadcast %add3A_851 : f32 to vector<16xf32>
      %add3A_853 = arith.addf %get3A_850, %add3A_852 : vector<16xf32>
      %mul3A_854 = arith.constant 3.276750e+04 : f32
      %mul3A_855 = vector.broadcast %mul3A_854 : f32 to vector<16xf32>
      %mul3A_856 = arith.mulf %add3A_853, %mul3A_855 : vector<16xf32>
      %convert_element_type3A_857 = arith.fptosi %mul3A_856 : vector<16xf32> to vector<16xi32>
      %min3A_858 = arith.constant 65535 : i32
      %min3A_859 = vector.broadcast %min3A_858 : i32 to vector<16xi32>
      %min3A_860 = arith.minsi %convert_element_type3A_857, %min3A_859 : vector<16xi32>
      %max3A_861 = arith.constant 0 : i32
      %max3A_862 = vector.broadcast %max3A_861 : i32 to vector<16xi32>
      %max3A_863 = arith.maxsi %min3A_860, %max3A_862 : vector<16xi32>
      %add3A_864 = arith.constant 65536 : i32
      %add3A_865 = vector.broadcast %add3A_864 : i32 to vector<16xi32>
      %add3A_866 = arith.addi %max3A_863, %add3A_865 : vector<16xi32>
      %swap3A_867 = arith.constant 4 : i32
      %swap3A_868 = arith.index_cast %swap3A_867 : i32 to index
      %swap3A_869 = arith.constant 48 : index
      %swap3A_870 = tpu.vector_load %arg10[%swap3A_868, %swap3A_869] {strides = array<i32>} : memref<12x128xi32, #tpu.memory_space<vmem>>, vector<16xi32>,
      tpu.vector_store %arg10[%swap3A_868, %swap3A_869], %add3A_866 {strides = array<i32>} : memref<12x128xi32, #tpu.memory_space<vmem>>, vector<16xi32>,
      %add3A_871 = arith.constant 64 : i32
      %add3A_872 = arith.addi %mul3A_11, %add3A_871 : i32
      %get3A_873 = arith.index_cast %add3A_872 : i32 to index
      %get3A_874 = tpu.vector_load %arg8[%get3A_873] {strides = array<i32>} : memref<8192xf32, #tpu.memory_space<vmem>>, vector<16xf32>,
      %add3A_875 = arith.constant 1.000000e+00 : f32
      %add3A_876 = vector.broadcast %add3A_875 : f32 to vector<16xf32>
      %add3A_877 = arith.addf %get3A_874, %add3A_876 : vector<16xf32>
      %mul3A_878 = arith.constant 3.276750e+04 : f32
      %mul3A_879 = vector.broadcast %mul3A_878 : f32 to vector<16xf32>
      %mul3A_880 = arith.mulf %add3A_877, %mul3A_879 : vector<16xf32>
      %convert_element_type3A_881 = arith.fptosi %mul3A_880 : vector<16xf32> to vector<16xi32>
      %min3A_882 = arith.constant 65535 : i32
      %min3A_883 = vector.broadcast %min3A_882 : i32 to vector<16xi32>
      %min3A_884 = arith.minsi %convert_element_type3A_881, %min3A_883 : vector<16xi32>
      %max3A_885 = arith.constant 0 : i32
      %max3A_886 = vector.broadcast %max3A_885 : i32 to vector<16xi32>
      %max3A_887 = arith.maxsi %min3A_884, %max3A_886 : vector<16xi32>
      %add3A_888 = arith.constant 65536 : i32
      %add3A_889 = vector.broadcast %add3A_888 : i32 to vector<16xi32>
      %add3A_890 = arith.addi %max3A_887, %add3A_889 : vector<16xi32>
      %swap3A_891 = arith.constant 4 : i32
      %swap3A_892 = arith.index_cast %swap3A_891 : i32 to index
      %swap3A_893 = arith.constant 64 : index
      %swap3A_894 = tpu.vector_load %arg10[%swap3A_892, %swap3A_893] {strides = array<i32>} : memref<12x128xi32, #tpu.memory_space<vmem>>, vector<16xi32>,
      tpu.vector_store %arg10[%swap3A_892, %swap3A_893], %add3A_890 {strides = array<i32>} : memref<12x128xi32, #tpu.memory_space<vmem>>, vector<16xi32>,
      %add3A_895 = arith.constant 80 : i32
      %add3A_896 = arith.addi %mul3A_11, %add3A_895 : i32
      %get3A_897 = arith.index_cast %add3A_896 : i32 to index
      %get3A_898 = tpu.vector_load %arg8[%get3A_897] {strides = array<i32>} : memref<8192xf32, #tpu.memory_space<vmem>>, vector<16xf32>,
      %add3A_899 = arith.constant 1.000000e+00 : f32
      %add3A_900 = vector.broadcast %add3A_899 : f32 to vector<16xf32>
      %add3A_901 = arith.addf %get3A_898, %add3A_900 : vector<16xf32>
      %mul3A_902 = arith.constant 3.276750e+04 : f32
      %mul3A_903 = vector.broadcast %mul3A_902 : f32 to vector<16xf32>
      %mul3A_904 = arith.mulf %add3A_901, %mul3A_903 : vector<16xf32>
      %convert_element_type3A_905 = arith.fptosi %mul3A_904 : vector<16xf32> to vector<16xi32>
      %min3A_906 = arith.constant 65535 : i32
      %min3A_907 = vector.broadcast %min3A_906 : i32 to vector<16xi32>
      %min3A_908 = arith.minsi %convert_element_type3A_905, %min3A_907 : vector<16xi32>
      %max3A_909 = arith.constant 0 : i32
      %max3A_910 = vector.broadcast %max3A_909 : i32 to vector<16xi32>
      %max3A_911 = arith.maxsi %min3A_908, %max3A_910 : vector<16xi32>
      %add3A_912 = arith.constant 65536 : i32
      %add3A_913 = vector.broadcast %add3A_912 : i32 to vector<16xi32>
      %add3A_914 = arith.addi %max3A_911, %add3A_913 : vector<16xi32>
      %swap3A_915 = arith.constant 4 : i32
      %swap3A_916 = arith.index_cast %swap3A_915 : i32 to index
      %swap3A_917 = arith.constant 80 : index
      %swap3A_918 = tpu.vector_load %arg10[%swap3A_916, %swap3A_917] {strides = array<i32>} : memref<12x128xi32, #tpu.memory_space<vmem>>, vector<16xi32>,
      tpu.vector_store %arg10[%swap3A_916, %swap3A_917], %add3A_914 {strides = array<i32>} : memref<12x128xi32, #tpu.memory_space<vmem>>, vector<16xi32>,
      %add3A_919 = arith.constant 96 : i32
      %add3A_920 = arith.addi %mul3A_11, %add3A_919 : i32
      %get3A_921 = arith.index_cast %add3A_920 : i32 to index
      %get3A_922 = tpu.vector_load %arg8[%get3A_921] {strides = array<i32>} : memref<8192xf32, #tpu.memory_space<vmem>>, vector<16xf32>,
      %add3A_923 = arith.constant 1.000000e+00 : f32
      %add3A_924 = vector.broadcast %add3A_923 : f32 to vector<16xf32>
      %add3A_925 = arith.addf %get3A_922, %add3A_924 : vector<16xf32>
      %mul3A_926 = arith.constant 3.276750e+04 : f32
      %mul3A_927 = vector.broadcast %mul3A_926 : f32 to vector<16xf32>
      %mul3A_928 = arith.mulf %add3A_925, %mul3A_927 : vector<16xf32>
      %convert_element_type3A_929 = arith.fptosi %mul3A_928 : vector<16xf32> to vector<16xi32>
      %min3A_930 = arith.constant 65535 : i32
      %min3A_931 = vector.broadcast %min3A_930 : i32 to vector<16xi32>
      %min3A_932 = arith.minsi %convert_element_type3A_929, %min3A_931 : vector<16xi32>
      %max3A_933 = arith.constant 0 : i32
      %max3A_934 = vector.broadcast %max3A_933 : i32 to vector<16xi32>
      %max3A_935 = arith.maxsi %min3A_932, %max3A_934 : vector<16xi32>
      %add3A_936 = arith.constant 65536 : i32
      %add3A_937 = vector.broadcast %add3A_936 : i32 to vector<16xi32>
      %add3A_938 = arith.addi %max3A_935, %add3A_937 : vector<16xi32>
      %swap3A_939 = arith.constant 4 : i32
      %swap3A_940 = arith.index_cast %swap3A_939 : i32 to index
      %swap3A_941 = arith.constant 96 : index
      %swap3A_942 = tpu.vector_load %arg10[%swap3A_940, %swap3A_941] {strides = array<i32>} : memref<12x128xi32, #tpu.memory_space<vmem>>, vector<16xi32>,
      tpu.vector_store %arg10[%swap3A_940, %swap3A_941], %add3A_938 {strides = array<i32>} : memref<12x128xi32, #tpu.memory_space<vmem>>, vector<16xi32>,
      %add3A_943 = arith.constant 112 : i32
      %add3A_944 = arith.addi %mul3A_11, %add3A_943 : i32
      %get3A_945 = arith.index_cast %add3A_944 : i32 to index
      %get3A_946 = tpu.vector_load %arg8[%get3A_945] {strides = array<i32>} : memref<8192xf32, #tpu.memory_space<vmem>>, vector<16xf32>,
      %add3A_947 = arith.constant 1.000000e+00 : f32
      %add3A_948 = vector.broadcast %add3A_947 : f32 to vector<16xf32>
      %add3A_949 = arith.addf %get3A_946, %add3A_948 : vector<16xf32>
      %mul3A_950 = arith.constant 3.276750e+04 : f32
      %mul3A_951 = vector.broadcast %mul3A_950 : f32 to vector<16xf32>
      %mul3A_952 = arith.mulf %add3A_949, %mul3A_951 : vector<16xf32>
      %convert_element_type3A_953 = arith.fptosi %mul3A_952 : vector<16xf32> to vector<16xi32>
      %min3A_954 = arith.constant 65535 : i32
      %min3A_955 = vector.broadcast %min3A_954 : i32 to vector<16xi32>
      %min3A_956 = arith.minsi %convert_element_type3A_953, %min3A_955 : vector<16xi32>
      %max3A_957 = arith.constant 0 : i32
      %max3A_958 = vector.broadcast %max3A_957 : i32 to vector<16xi32>
      %max3A_959 = arith.maxsi %min3A_956, %max3A_958 : vector<16xi32>
      %add3A_960 = arith.constant 65536 : i32
      %add3A_961 = vector.broadcast %add3A_960 : i32 to vector<16xi32>
      %add3A_962 = arith.addi %max3A_959, %add3A_961 : vector<16xi32>
      %swap3A_963 = arith.constant 4 : i32
      %swap3A_964 = arith.index_cast %swap3A_963 : i32 to index
      %swap3A_965 = arith.constant 112 : index
      %swap3A_966 = tpu.vector_load %arg10[%swap3A_964, %swap3A_965] {strides = array<i32>} : memref<12x128xi32, #tpu.memory_space<vmem>>, vector<16xi32>,
      tpu.vector_store %arg10[%swap3A_964, %swap3A_965], %add3A_962 {strides = array<i32>} : memref<12x128xi32, #tpu.memory_space<vmem>>, vector<16xi32>,
      %add3A_967 = arith.constant 128 : i32
      %add3A_968 = arith.addi %mul3A_11, %add3A_967 : i32
      %get3A_969 = arith.index_cast %add3A_968 : i32 to index
      %get3A_970 = tpu.vector_load %arg8[%get3A_969] {strides = array<i32>} : memref<8192xf32, #tpu.memory_space<vmem>>, vector<16xf32>,
      %add3A_971 = arith.constant 1.000000e+00 : f32
      %add3A_972 = vector.broadcast %add3A_971 : f32 to vector<16xf32>
      %add3A_973 = arith.addf %get3A_970, %add3A_972 : vector<16xf32>
      %mul3A_974 = arith.constant 3.276750e+04 : f32
      %mul3A_975 = vector.broadcast %mul3A_974 : f32 to vector<16xf32>
      %mul3A_976 = arith.mulf %add3A_973, %mul3A_975 : vector<16xf32>
      %convert_element_type3A_977 = arith.fptosi %mul3A_976 : vector<16xf32> to vector<16xi32>
      %min3A_978 = arith.constant 65535 : i32
      %min3A_979 = vector.broadcast %min3A_978 : i32 to vector<16xi32>
      %min3A_980 = arith.minsi %convert_element_type3A_977, %min3A_979 : vector<16xi32>
      %max3A_981 = arith.constant 0 : i32
      %max3A_982 = vector.broadcast %max3A_981 : i32 to vector<16xi32>
      %max3A_983 = arith.maxsi %min3A_980, %max3A_982 : vector<16xi32>
      %add3A_984 = arith.constant 65536 : i32
      %add3A_985 = vector.broadcast %add3A_984 : i32 to vector<16xi32>
      %add3A_986 = arith.addi %max3A_983, %add3A_985 : vector<16xi32>
      %swap3A_987 = arith.constant 5 : i32
      %swap3A_988 = arith.index_cast %swap3A_987 : i32 to index
      %swap3A_989 = arith.constant 0 : index
      %swap3A_990 = tpu.vector_load %arg10[%swap3A_988, %swap3A_989] {strides = array<i32>} : memref<12x128xi32, #tpu.memory_space<vmem>>, vector<16xi32>,
      tpu.vector_store %arg10[%swap3A_988, %swap3A_989], %add3A_986 {strides = array<i32>} : memref<12x128xi32, #tpu.memory_space<vmem>>, vector<16xi32>,
      %add3A_991 = arith.constant 144 : i32
      %add3A_992 = arith.addi %mul3A_11, %add3A_991 : i32
      %get3A_993 = arith.index_cast %add3A_992 : i32 to index
      %get3A_994 = tpu.vector_load %arg8[%get3A_993] {strides = array<i32>} : memref<8192xf32, #tpu.memory_space<vmem>>, vector<16xf32>,
      %add3A_995 = arith.constant 1.000000e+00 : f32
      %add3A_996 = vector.broadcast %add3A_995 : f32 to vector<16xf32>
      %add3A_997 = arith.addf %get3A_994, %add3A_996 : vector<16xf32>
      %mul3A_998 = arith.constant 3.276750e+04 : f32
      %mul3A_999 = vector.broadcast %mul3A_998 : f32 to vector<16xf32>
      %mul3A_1000 = arith.mulf %add3A_997, %mul3A_999 : vector<16xf32>
      %convert_element_type3A_1001 = arith.fptosi %mul3A_1000 : vector<16xf32> to vector<16xi32>
      %min3A_1002 = arith.constant 65535 : i32
      %min3A_1003 = vector.broadcast %min3A_1002 : i32 to vector<16xi32>
      %min3A_1004 = arith.minsi %convert_element_type3A_1001, %min3A_1003 : vector<16xi32>
      %max3A_1005 = arith.constant 0 : i32
      %max3A_1006 = vector.broadcast %max3A_1005 : i32 to vector<16xi32>
      %max3A_1007 = arith.maxsi %min3A_1004, %max3A_1006 : vector<16xi32>
      %add3A_1008 = arith.constant 65536 : i32
      %add3A_1009 = vector.broadcast %add3A_1008 : i32 to vector<16xi32>
      %add3A_1010 = arith.addi %max3A_1007, %add3A_1009 : vector<16xi32>
      %swap3A_1011 = arith.constant 5 : i32
      %swap3A_1012 = arith.index_cast %swap3A_1011 : i32 to index
      %swap3A_1013 = arith.constant 16 : index
      %swap3A_1014 = tpu.vector_load %arg10[%swap3A_1012, %swap3A_1013] {strides = array<i32>} : memref<12x128xi32, #tpu.memory_space<vmem>>, vector<16xi32>,
      tpu.vector_store %arg10[%swap3A_1012, %swap3A_1013], %add3A_1010 {strides = array<i32>} : memref<12x128xi32, #tpu.memory_space<vmem>>, vector<16xi32>,
      %add3A_1015 = arith.constant 160 : i32
      %add3A_1016 = arith.addi %mul3A_11, %add3A_1015 : i32
      %get3A_1017 = arith.index_cast %add3A_1016 : i32 to index
      %get3A_1018 = tpu.vector_load %arg8[%get3A_1017] {strides = array<i32>} : memref<8192xf32, #tpu.memory_space<vmem>>, vector<16xf32>,
      %add3A_1019 = arith.constant 1.000000e+00 : f32
      %add3A_1020 = vector.broadcast %add3A_1019 : f32 to vector<16xf32>
      %add3A_1021 = arith.addf %get3A_1018, %add3A_1020 : vector<16xf32>
      %mul3A_1022 = arith.constant 3.276750e+04 : f32
      %mul3A_1023 = vector.broadcast %mul3A_1022 : f32 to vector<16xf32>
      %mul3A_1024 = arith.mulf %add3A_1021, %mul3A_1023 : vector<16xf32>
      %convert_element_type3A_1025 = arith.fptosi %mul3A_1024 : vector<16xf32> to vector<16xi32>
      %min3A_1026 = arith.constant 65535 : i32
      %min3A_1027 = vector.broadcast %min3A_1026 : i32 to vector<16xi32>
      %min3A_1028 = arith.minsi %convert_element_type3A_1025, %min3A_1027 : vector<16xi32>
      %max3A_1029 = arith.constant 0 : i32
      %max3A_1030 = vector.broadcast %max3A_1029 : i32 to vector<16xi32>
      %max3A_1031 = arith.maxsi %min3A_1028, %max3A_1030 : vector<16xi32>
      %add3A_1032 = arith.constant 65536 : i32
      %add3A_1033 = vector.broadcast %add3A_1032 : i32 to vector<16xi32>
      %add3A_1034 = arith.addi %max3A_1031, %add3A_1033 : vector<16xi32>
      %swap3A_1035 = arith.constant 5 : i32
      %swap3A_1036 = arith.index_cast %swap3A_1035 : i32 to index
      %swap3A_1037 = arith.constant 32 : index
      %swap3A_1038 = tpu.vector_load %arg10[%swap3A_1036, %swap3A_1037] {strides = array<i32>} : memref<12x128xi32, #tpu.memory_space<vmem>>, vector<16xi32>,
      tpu.vector_store %arg10[%swap3A_1036, %swap3A_1037], %add3A_1034 {strides = array<i32>} : memref<12x128xi32, #tpu.memory_space<vmem>>, vector<16xi32>,
      %add3A_1039 = arith.constant 176 : i32
      %add3A_1040 = arith.addi %mul3A_11, %add3A_1039 : i32
      %get3A_1041 = arith.index_cast %add3A_1040 : i32 to index
      %get3A_1042 = tpu.vector_load %arg8[%get3A_1041] {strides = array<i32>} : memref<8192xf32, #tpu.memory_space<vmem>>, vector<16xf32>,
      %add3A_1043 = arith.constant 1.000000e+00 : f32
      %add3A_1044 = vector.broadcast %add3A_1043 : f32 to vector<16xf32>
      %add3A_1045 = arith.addf %get3A_1042, %add3A_1044 : vector<16xf32>
      %mul3A_1046 = arith.constant 3.276750e+04 : f32
      %mul3A_1047 = vector.broadcast %mul3A_1046 : f32 to vector<16xf32>
      %mul3A_1048 = arith.mulf %add3A_1045, %mul3A_1047 : vector<16xf32>
      %convert_element_type3A_1049 = arith.fptosi %mul3A_1048 : vector<16xf32> to vector<16xi32>
      %min3A_1050 = arith.constant 65535 : i32
      %min3A_1051 = vector.broadcast %min3A_1050 : i32 to vector<16xi32>
      %min3A_1052 = arith.minsi %convert_element_type3A_1049, %min3A_1051 : vector<16xi32>
      %max3A_1053 = arith.constant 0 : i32
      %max3A_1054 = vector.broadcast %max3A_1053 : i32 to vector<16xi32>
      %max3A_1055 = arith.maxsi %min3A_1052, %max3A_1054 : vector<16xi32>
      %add3A_1056 = arith.constant 65536 : i32
      %add3A_1057 = vector.broadcast %add3A_1056 : i32 to vector<16xi32>
      %add3A_1058 = arith.addi %max3A_1055, %add3A_1057 : vector<16xi32>
      %swap3A_1059 = arith.constant 5 : i32
      %swap3A_1060 = arith.index_cast %swap3A_1059 : i32 to index
      %swap3A_1061 = arith.constant 48 : index
      %swap3A_1062 = tpu.vector_load %arg10[%swap3A_1060, %swap3A_1061] {strides = array<i32>} : memref<12x128xi32, #tpu.memory_space<vmem>>, vector<16xi32>,
      tpu.vector_store %arg10[%swap3A_1060, %swap3A_1061], %add3A_1058 {strides = array<i32>} : memref<12x128xi32, #tpu.memory_space<vmem>>, vector<16xi32>,
      %add3A_1063 = arith.constant 192 : i32
      %add3A_1064 = arith.addi %mul3A_11, %add3A_1063 : i32
      %get3A_1065 = arith.index_cast %add3A_1064 : i32 to index
      %get3A_1066 = tpu.vector_load %arg8[%get3A_1065] {strides = array<i32>} : memref<8192xf32, #tpu.memory_space<vmem>>, vector<16xf32>,
      %add3A_1067 = arith.constant 1.000000e+00 : f32
      %add3A_1068 = vector.broadcast %add3A_1067 : f32 to vector<16xf32>
      %add3A_1069 = arith.addf %get3A_1066, %add3A_1068 : vector<16xf32>
      %mul3A_1070 = arith.constant 3.276750e+04 : f32
      %mul3A_1071 = vector.broadcast %mul3A_1070 : f32 to vector<16xf32>
      %mul3A_1072 = arith.mulf %add3A_1069, %mul3A_1071 : vector<16xf32>
      %convert_element_type3A_1073 = arith.fptosi %mul3A_1072 : vector<16xf32> to vector<16xi32>
      %min3A_1074 = arith.constant 65535 : i32
      %min3A_1075 = vector.broadcast %min3A_1074 : i32 to vector<16xi32>
      %min3A_1076 = arith.minsi %convert_element_type3A_1073, %min3A_1075 : vector<16xi32>
      %max3A_1077 = arith.constant 0 : i32
      %max3A_1078 = vector.broadcast %max3A_1077 : i32 to vector<16xi32>
      %max3A_1079 = arith.maxsi %min3A_1076, %max3A_1078 : vector<16xi32>
      %add3A_1080 = arith.constant 65536 : i32
      %add3A_1081 = vector.broadcast %add3A_1080 : i32 to vector<16xi32>
      %add3A_1082 = arith.addi %max3A_1079, %add3A_1081 : vector<16xi32>
      %swap3A_1083 = arith.constant 5 : i32
      %swap3A_1084 = arith.index_cast %swap3A_1083 : i32 to index
      %swap3A_1085 = arith.constant 64 : index
      %swap3A_1086 = tpu.vector_load %arg10[%swap3A_1084, %swap3A_1085] {strides = array<i32>} : memref<12x128xi32, #tpu.memory_space<vmem>>, vector<16xi32>,
      tpu.vector_store %arg10[%swap3A_1084, %swap3A_1085], %add3A_1082 {strides = array<i32>} : memref<12x128xi32, #tpu.memory_space<vmem>>, vector<16xi32>,
      %add3A_1087 = arith.constant 208 : i32
      %add3A_1088 = arith.addi %mul3A_11, %add3A_1087 : i32
      %get3A_1089 = arith.index_cast %add3A_1088 : i32 to index
      %get3A_1090 = tpu.vector_load %arg8[%get3A_1089] {strides = array<i32>} : memref<8192xf32, #tpu.memory_space<vmem>>, vector<16xf32>,
      %add3A_1091 = arith.constant 1.000000e+00 : f32
      %add3A_1092 = vector.broadcast %add3A_1091 : f32 to vector<16xf32>
      %add3A_1093 = arith.addf %get3A_1090, %add3A_1092 : vector<16xf32>
      %mul3A_1094 = arith.constant 3.276750e+04 : f32
      %mul3A_1095 = vector.broadcast %mul3A_1094 : f32 to vector<16xf32>
      %mul3A_1096 = arith.mulf %add3A_1093, %mul3A_1095 : vector<16xf32>
      %convert_element_type3A_1097 = arith.fptosi %mul3A_1096 : vector<16xf32> to vector<16xi32>
      %min3A_1098 = arith.constant 65535 : i32
      %min3A_1099 = vector.broadcast %min3A_1098 : i32 to vector<16xi32>
      %min3A_1100 = arith.minsi %convert_element_type3A_1097, %min3A_1099 : vector<16xi32>
      %max3A_1101 = arith.constant 0 : i32
      %max3A_1102 = vector.broadcast %max3A_1101 : i32 to vector<16xi32>
      %max3A_1103 = arith.maxsi %min3A_1100, %max3A_1102 : vector<16xi32>
      %add3A_1104 = arith.constant 65536 : i32
      %add3A_1105 = vector.broadcast %add3A_1104 : i32 to vector<16xi32>
      %add3A_1106 = arith.addi %max3A_1103, %add3A_1105 : vector<16xi32>
      %swap3A_1107 = arith.constant 5 : i32
      %swap3A_1108 = arith.index_cast %swap3A_1107 : i32 to index
      %swap3A_1109 = arith.constant 80 : index
      %swap3A_1110 = tpu.vector_load %arg10[%swap3A_1108, %swap3A_1109] {strides = array<i32>} : memref<12x128xi32, #tpu.memory_space<vmem>>, vector<16xi32>,
      tpu.vector_store %arg10[%swap3A_1108, %swap3A_1109], %add3A_1106 {strides = array<i32>} : memref<12x128xi32, #tpu.memory_space<vmem>>, vector<16xi32>,
      %add3A_1111 = arith.constant 224 : i32
      %add3A_1112 = arith.addi %mul3A_11, %add3A_1111 : i32
      %get3A_1113 = arith.index_cast %add3A_1112 : i32 to index
      %get3A_1114 = tpu.vector_load %arg8[%get3A_1113] {strides = array<i32>} : memref<8192xf32, #tpu.memory_space<vmem>>, vector<16xf32>,
      %add3A_1115 = arith.constant 1.000000e+00 : f32
      %add3A_1116 = vector.broadcast %add3A_1115 : f32 to vector<16xf32>
      %add3A_1117 = arith.addf %get3A_1114, %add3A_1116 : vector<16xf32>
      %mul3A_1118 = arith.constant 3.276750e+04 : f32
      %mul3A_1119 = vector.broadcast %mul3A_1118 : f32 to vector<16xf32>
      %mul3A_1120 = arith.mulf %add3A_1117, %mul3A_1119 : vector<16xf32>
      %convert_element_type3A_1121 = arith.fptosi %mul3A_1120 : vector<16xf32> to vector<16xi32>
      %min3A_1122 = arith.constant 65535 : i32
      %min3A_1123 = vector.broadcast %min3A_1122 : i32 to vector<16xi32>
      %min3A_1124 = arith.minsi %convert_element_type3A_1121, %min3A_1123 : vector<16xi32>
      %max3A_1125 = arith.constant 0 : i32
      %max3A_1126 = vector.broadcast %max3A_1125 : i32 to vector<16xi32>
      %max3A_1127 = arith.maxsi %min3A_1124, %max3A_1126 : vector<16xi32>
      %add3A_1128 = arith.constant 65536 : i32
      %add3A_1129 = vector.broadcast %add3A_1128 : i32 to vector<16xi32>
      %add3A_1130 = arith.addi %max3A_1127, %add3A_1129 : vector<16xi32>
      %swap3A_1131 = arith.constant 5 : i32
      %swap3A_1132 = arith.index_cast %swap3A_1131 : i32 to index
      %swap3A_1133 = arith.constant 96 : index
      %swap3A_1134 = tpu.vector_load %arg10[%swap3A_1132, %swap3A_1133] {strides = array<i32>} : memref<12x128xi32, #tpu.memory_space<vmem>>, vector<16xi32>,
      tpu.vector_store %arg10[%swap3A_1132, %swap3A_1133], %add3A_1130 {strides = array<i32>} : memref<12x128xi32, #tpu.memory_space<vmem>>, vector<16xi32>,
      %add3A_1135 = arith.constant 240 : i32
      %add3A_1136 = arith.addi %mul3A_11, %add3A_1135 : i32
      %get3A_1137 = arith.index_cast %add3A_1136 : i32 to index
      %get3A_1138 = tpu.vector_load %arg8[%get3A_1137] {strides = array<i32>} : memref<8192xf32, #tpu.memory_space<vmem>>, vector<16xf32>,
      %add3A_1139 = arith.constant 1.000000e+00 : f32
      %add3A_1140 = vector.broadcast %add3A_1139 : f32 to vector<16xf32>
      %add3A_1141 = arith.addf %get3A_1138, %add3A_1140 : vector<16xf32>
      %mul3A_1142 = arith.constant 3.276750e+04 : f32
      %mul3A_1143 = vector.broadcast %mul3A_1142 : f32 to vector<16xf32>
      %mul3A_1144 = arith.mulf %add3A_1141, %mul3A_1143 : vector<16xf32>
      %convert_element_type3A_1145 = arith.fptosi %mul3A_1144 : vector<16xf32> to vector<16xi32>
      %min3A_1146 = arith.constant 65535 : i32
      %min3A_1147 = vector.broadcast %min3A_1146 : i32 to vector<16xi32>
      %min3A_1148 = arith.minsi %convert_element_type3A_1145, %min3A_1147 : vector<16xi32>
      %max3A_1149 = arith.constant 0 : i32
      %max3A_1150 = vector.broadcast %max3A_1149 : i32 to vector<16xi32>
      %max3A_1151 = arith.maxsi %min3A_1148, %max3A_1150 : vector<16xi32>
      %add3A_1152 = arith.constant 65536 : i32
      %add3A_1153 = vector.broadcast %add3A_1152 : i32 to vector<16xi32>
      %add3A_1154 = arith.addi %max3A_1151, %add3A_1153 : vector<16xi32>
      %swap3A_1155 = arith.constant 5 : i32
      %swap3A_1156 = arith.index_cast %swap3A_1155 : i32 to index
      %swap3A_1157 = arith.constant 112 : index
      %swap3A_1158 = tpu.vector_load %arg10[%swap3A_1156, %swap3A_1157] {strides = array<i32>} : memref<12x128xi32, #tpu.memory_space<vmem>>, vector<16xi32>,
      tpu.vector_store %arg10[%swap3A_1156, %swap3A_1157], %add3A_1154 {strides = array<i32>} : memref<12x128xi32, #tpu.memory_space<vmem>>, vector<16xi32>,
      %add3A_1159 = arith.constant 256 : i32
      %add3A_1160 = arith.addi %mul3A_11, %add3A_1159 : i32
      %get3A_1161 = arith.index_cast %add3A_1160 : i32 to index
      %get3A_1162 = tpu.vector_load %arg8[%get3A_1161] {strides = array<i32>} : memref<8192xf32, #tpu.memory_space<vmem>>, vector<16xf32>,
      %add3A_1163 = arith.constant 1.000000e+00 : f32
      %add3A_1164 = vector.broadcast %add3A_1163 : f32 to vector<16xf32>
      %add3A_1165 = arith.addf %get3A_1162, %add3A_1164 : vector<16xf32>
      %mul3A_1166 = arith.constant 3.276750e+04 : f32
      %mul3A_1167 = vector.broadcast %mul3A_1166 : f32 to vector<16xf32>
      %mul3A_1168 = arith.mulf %add3A_1165, %mul3A_1167 : vector<16xf32>
      %convert_element_type3A_1169 = arith.fptosi %mul3A_1168 : vector<16xf32> to vector<16xi32>
      %min3A_1170 = arith.constant 65535 : i32
      %min3A_1171 = vector.broadcast %min3A_1170 : i32 to vector<16xi32>
      %min3A_1172 = arith.minsi %convert_element_type3A_1169, %min3A_1171 : vector<16xi32>
      %max3A_1173 = arith.constant 0 : i32
      %max3A_1174 = vector.broadcast %max3A_1173 : i32 to vector<16xi32>
      %max3A_1175 = arith.maxsi %min3A_1172, %max3A_1174 : vector<16xi32>
      %add3A_1176 = arith.constant 65536 : i32
      %add3A_1177 = vector.broadcast %add3A_1176 : i32 to vector<16xi32>
      %add3A_1178 = arith.addi %max3A_1175, %add3A_1177 : vector<16xi32>
      %swap3A_1179 = arith.constant 6 : i32
      %swap3A_1180 = arith.index_cast %swap3A_1179 : i32 to index
      %swap3A_1181 = arith.constant 0 : index
      %swap3A_1182 = tpu.vector_load %arg10[%swap3A_1180, %swap3A_1181] {strides = array<i32>} : memref<12x128xi32, #tpu.memory_space<vmem>>, vector<16xi32>,
      tpu.vector_store %arg10[%swap3A_1180, %swap3A_1181], %add3A_1178 {strides = array<i32>} : memref<12x128xi32, #tpu.memory_space<vmem>>, vector<16xi32>,
      %add3A_1183 = arith.constant 272 : i32
      %add3A_1184 = arith.addi %mul3A_11, %add3A_1183 : i32
      %get3A_1185 = arith.index_cast %add3A_1184 : i32 to index
      %get3A_1186 = tpu.vector_load %arg8[%get3A_1185] {strides = array<i32>} : memref<8192xf32, #tpu.memory_space<vmem>>, vector<16xf32>,
      %add3A_1187 = arith.constant 1.000000e+00 : f32
      %add3A_1188 = vector.broadcast %add3A_1187 : f32 to vector<16xf32>
      %add3A_1189 = arith.addf %get3A_1186, %add3A_1188 : vector<16xf32>
      %mul3A_1190 = arith.constant 3.276750e+04 : f32
      %mul3A_1191 = vector.broadcast %mul3A_1190 : f32 to vector<16xf32>
      %mul3A_1192 = arith.mulf %add3A_1189, %mul3A_1191 : vector<16xf32>
      %convert_element_type3A_1193 = arith.fptosi %mul3A_1192 : vector<16xf32> to vector<16xi32>
      %min3A_1194 = arith.constant 65535 : i32
      %min3A_1195 = vector.broadcast %min3A_1194 : i32 to vector<16xi32>
      %min3A_1196 = arith.minsi %convert_element_type3A_1193, %min3A_1195 : vector<16xi32>
      %max3A_1197 = arith.constant 0 : i32
      %max3A_1198 = vector.broadcast %max3A_1197 : i32 to vector<16xi32>
      %max3A_1199 = arith.maxsi %min3A_1196, %max3A_1198 : vector<16xi32>
      %add3A_1200 = arith.constant 65536 : i32
      %add3A_1201 = vector.broadcast %add3A_1200 : i32 to vector<16xi32>
      %add3A_1202 = arith.addi %max3A_1199, %add3A_1201 : vector<16xi32>
      %swap3A_1203 = arith.constant 6 : i32
      %swap3A_1204 = arith.index_cast %swap3A_1203 : i32 to index
      %swap3A_1205 = arith.constant 16 : index
      %swap3A_1206 = tpu.vector_load %arg10[%swap3A_1204, %swap3A_1205] {strides = array<i32>} : memref<12x128xi32, #tpu.memory_space<vmem>>, vector<16xi32>,
      tpu.vector_store %arg10[%swap3A_1204, %swap3A_1205], %add3A_1202 {strides = array<i32>} : memref<12x128xi32, #tpu.memory_space<vmem>>, vector<16xi32>,
      %add3A_1207 = arith.constant 288 : i32
      %add3A_1208 = arith.addi %mul3A_11, %add3A_1207 : i32
      %get3A_1209 = arith.index_cast %add3A_1208 : i32 to index
      %get3A_1210 = tpu.vector_load %arg8[%get3A_1209] {strides = array<i32>} : memref<8192xf32, #tpu.memory_space<vmem>>, vector<16xf32>,
      %add3A_1211 = arith.constant 1.000000e+00 : f32
      %add3A_1212 = vector.broadcast %add3A_1211 : f32 to vector<16xf32>
      %add3A_1213 = arith.addf %get3A_1210, %add3A_1212 : vector<16xf32>
      %mul3A_1214 = arith.constant 3.276750e+04 : f32
      %mul3A_1215 = vector.broadcast %mul3A_1214 : f32 to vector<16xf32>
      %mul3A_1216 = arith.mulf %add3A_1213, %mul3A_1215 : vector<16xf32>
      %convert_element_type3A_1217 = arith.fptosi %mul3A_1216 : vector<16xf32> to vector<16xi32>
      %min3A_1218 = arith.constant 65535 : i32
      %min3A_1219 = vector.broadcast %min3A_1218 : i32 to vector<16xi32>
      %min3A_1220 = arith.minsi %convert_element_type3A_1217, %min3A_1219 : vector<16xi32>
      %max3A_1221 = arith.constant 0 : i32
      %max3A_1222 = vector.broadcast %max3A_1221 : i32 to vector<16xi32>
      %max3A_1223 = arith.maxsi %min3A_1220, %max3A_1222 : vector<16xi32>
      %add3A_1224 = arith.constant 65536 : i32
      %add3A_1225 = vector.broadcast %add3A_1224 : i32 to vector<16xi32>
      %add3A_1226 = arith.addi %max3A_1223, %add3A_1225 : vector<16xi32>
      %swap3A_1227 = arith.constant 6 : i32
      %swap3A_1228 = arith.index_cast %swap3A_1227 : i32 to index
      %swap3A_1229 = arith.constant 32 : index
      %swap3A_1230 = tpu.vector_load %arg10[%swap3A_1228, %swap3A_1229] {strides = array<i32>} : memref<12x128xi32, #tpu.memory_space<vmem>>, vector<16xi32>,
      tpu.vector_store %arg10[%swap3A_1228, %swap3A_1229], %add3A_1226 {strides = array<i32>} : memref<12x128xi32, #tpu.memory_space<vmem>>, vector<16xi32>,
      %add3A_1231 = arith.constant 304 : i32
      %add3A_1232 = arith.addi %mul3A_11, %add3A_1231 : i32
      %get3A_1233 = arith.index_cast %add3A_1232 : i32 to index
      %get3A_1234 = tpu.vector_load %arg8[%get3A_1233] {strides = array<i32>} : memref<8192xf32, #tpu.memory_space<vmem>>, vector<16xf32>,
      %add3A_1235 = arith.constant 1.000000e+00 : f32
      %add3A_1236 = vector.broadcast %add3A_1235 : f32 to vector<16xf32>
      %add3A_1237 = arith.addf %get3A_1234, %add3A_1236 : vector<16xf32>
      %mul3A_1238 = arith.constant 3.276750e+04 : f32
      %mul3A_1239 = vector.broadcast %mul3A_1238 : f32 to vector<16xf32>
      %mul3A_1240 = arith.mulf %add3A_1237, %mul3A_1239 : vector<16xf32>
      %convert_element_type3A_1241 = arith.fptosi %mul3A_1240 : vector<16xf32> to vector<16xi32>
      %min3A_1242 = arith.constant 65535 : i32
      %min3A_1243 = vector.broadcast %min3A_1242 : i32 to vector<16xi32>
      %min3A_1244 = arith.minsi %convert_element_type3A_1241, %min3A_1243 : vector<16xi32>
      %max3A_1245 = arith.constant 0 : i32
      %max3A_1246 = vector.broadcast %max3A_1245 : i32 to vector<16xi32>
      %max3A_1247 = arith.maxsi %min3A_1244, %max3A_1246 : vector<16xi32>
      %add3A_1248 = arith.constant 65536 : i32
      %add3A_1249 = vector.broadcast %add3A_1248 : i32 to vector<16xi32>
      %add3A_1250 = arith.addi %max3A_1247, %add3A_1249 : vector<16xi32>
      %swap3A_1251 = arith.constant 6 : i32
      %swap3A_1252 = arith.index_cast %swap3A_1251 : i32 to index
      %swap3A_1253 = arith.constant 48 : index
      %swap3A_1254 = tpu.vector_load %arg10[%swap3A_1252, %swap3A_1253] {strides = array<i32>} : memref<12x128xi32, #tpu.memory_space<vmem>>, vector<16xi32>,
      tpu.vector_store %arg10[%swap3A_1252, %swap3A_1253], %add3A_1250 {strides = array<i32>} : memref<12x128xi32, #tpu.memory_space<vmem>>, vector<16xi32>,
      %add3A_1255 = arith.constant 320 : i32
      %add3A_1256 = arith.addi %mul3A_11, %add3A_1255 : i32
      %get3A_1257 = arith.index_cast %add3A_1256 : i32 to index
      %get3A_1258 = tpu.vector_load %arg8[%get3A_1257] {strides = array<i32>} : memref<8192xf32, #tpu.memory_space<vmem>>, vector<16xf32>,
      %add3A_1259 = arith.constant 1.000000e+00 : f32
      %add3A_1260 = vector.broadcast %add3A_1259 : f32 to vector<16xf32>
      %add3A_1261 = arith.addf %get3A_1258, %add3A_1260 : vector<16xf32>
      %mul3A_1262 = arith.constant 3.276750e+04 : f32
      %mul3A_1263 = vector.broadcast %mul3A_1262 : f32 to vector<16xf32>
      %mul3A_1264 = arith.mulf %add3A_1261, %mul3A_1263 : vector<16xf32>
      %convert_element_type3A_1265 = arith.fptosi %mul3A_1264 : vector<16xf32> to vector<16xi32>
      %min3A_1266 = arith.constant 65535 : i32
      %min3A_1267 = vector.broadcast %min3A_1266 : i32 to vector<16xi32>
      %min3A_1268 = arith.minsi %convert_element_type3A_1265, %min3A_1267 : vector<16xi32>
      %max3A_1269 = arith.constant 0 : i32
      %max3A_1270 = vector.broadcast %max3A_1269 : i32 to vector<16xi32>
      %max3A_1271 = arith.maxsi %min3A_1268, %max3A_1270 : vector<16xi32>
      %add3A_1272 = arith.constant 65536 : i32
      %add3A_1273 = vector.broadcast %add3A_1272 : i32 to vector<16xi32>
      %add3A_1274 = arith.addi %max3A_1271, %add3A_1273 : vector<16xi32>
      %swap3A_1275 = arith.constant 6 : i32
      %swap3A_1276 = arith.index_cast %swap3A_1275 : i32 to index
      %swap3A_1277 = arith.constant 64 : index
      %swap3A_1278 = tpu.vector_load %arg10[%swap3A_1276, %swap3A_1277] {strides = array<i32>} : memref<12x128xi32, #tpu.memory_space<vmem>>, vector<16xi32>,
      tpu.vector_store %arg10[%swap3A_1276, %swap3A_1277], %add3A_1274 {strides = array<i32>} : memref<12x128xi32, #tpu.memory_space<vmem>>, vector<16xi32>,
      %add3A_1279 = arith.constant 336 : i32
      %add3A_1280 = arith.addi %mul3A_11, %add3A_1279 : i32
      %get3A_1281 = arith.index_cast %add3A_1280 : i32 to index
      %get3A_1282 = tpu.vector_load %arg8[%get3A_1281] {strides = array<i32>} : memref<8192xf32, #tpu.memory_space<vmem>>, vector<16xf32>,
      %add3A_1283 = arith.constant 1.000000e+00 : f32
      %add3A_1284 = vector.broadcast %add3A_1283 : f32 to vector<16xf32>
      %add3A_1285 = arith.addf %get3A_1282, %add3A_1284 : vector<16xf32>
      %mul3A_1286 = arith.constant 3.276750e+04 : f32
      %mul3A_1287 = vector.broadcast %mul3A_1286 : f32 to vector<16xf32>
      %mul3A_1288 = arith.mulf %add3A_1285, %mul3A_1287 : vector<16xf32>
      %convert_element_type3A_1289 = arith.fptosi %mul3A_1288 : vector<16xf32> to vector<16xi32>
      %min3A_1290 = arith.constant 65535 : i32
      %min3A_1291 = vector.broadcast %min3A_1290 : i32 to vector<16xi32>
      %min3A_1292 = arith.minsi %convert_element_type3A_1289, %min3A_1291 : vector<16xi32>
      %max3A_1293 = arith.constant 0 : i32
      %max3A_1294 = vector.broadcast %max3A_1293 : i32 to vector<16xi32>
      %max3A_1295 = arith.maxsi %min3A_1292, %max3A_1294 : vector<16xi32>
      %add3A_1296 = arith.constant 65536 : i32
      %add3A_1297 = vector.broadcast %add3A_1296 : i32 to vector<16xi32>
      %add3A_1298 = arith.addi %max3A_1295, %add3A_1297 : vector<16xi32>
      %swap3A_1299 = arith.constant 6 : i32
      %swap3A_1300 = arith.index_cast %swap3A_1299 : i32 to index
      %swap3A_1301 = arith.constant 80 : index
      %swap3A_1302 = tpu.vector_load %arg10[%swap3A_1300, %swap3A_1301] {strides = array<i32>} : memref<12x128xi32, #tpu.memory_space<vmem>>, vector<16xi32>,
      tpu.vector_store %arg10[%swap3A_1300, %swap3A_1301], %add3A_1298 {strides = array<i32>} : memref<12x128xi32, #tpu.memory_space<vmem>>, vector<16xi32>,
      %add3A_1303 = arith.constant 352 : i32
      %add3A_1304 = arith.addi %mul3A_11, %add3A_1303 : i32
      %get3A_1305 = arith.index_cast %add3A_1304 : i32 to index
      %get3A_1306 = tpu.vector_load %arg8[%get3A_1305] {strides = array<i32>} : memref<8192xf32, #tpu.memory_space<vmem>>, vector<16xf32>,
      %add3A_1307 = arith.constant 1.000000e+00 : f32
      %add3A_1308 = vector.broadcast %add3A_1307 : f32 to vector<16xf32>
      %add3A_1309 = arith.addf %get3A_1306, %add3A_1308 : vector<16xf32>
      %mul3A_1310 = arith.constant 3.276750e+04 : f32
      %mul3A_1311 = vector.broadcast %mul3A_1310 : f32 to vector<16xf32>
      %mul3A_1312 = arith.mulf %add3A_1309, %mul3A_1311 : vector<16xf32>
      %convert_element_type3A_1313 = arith.fptosi %mul3A_1312 : vector<16xf32> to vector<16xi32>
      %min3A_1314 = arith.constant 65535 : i32
      %min3A_1315 = vector.broadcast %min3A_1314 : i32 to vector<16xi32>
      %min3A_1316 = arith.minsi %convert_element_type3A_1313, %min3A_1315 : vector<16xi32>
      %max3A_1317 = arith.constant 0 : i32
      %max3A_1318 = vector.broadcast %max3A_1317 : i32 to vector<16xi32>
      %max3A_1319 = arith.maxsi %min3A_1316, %max3A_1318 : vector<16xi32>
      %add3A_1320 = arith.constant 65536 : i32
      %add3A_1321 = vector.broadcast %add3A_1320 : i32 to vector<16xi32>
      %add3A_1322 = arith.addi %max3A_1319, %add3A_1321 : vector<16xi32>
      %swap3A_1323 = arith.constant 6 : i32
      %swap3A_1324 = arith.index_cast %swap3A_1323 : i32 to index
      %swap3A_1325 = arith.constant 96 : index
      %swap3A_1326 = tpu.vector_load %arg10[%swap3A_1324, %swap3A_1325] {strides = array<i32>} : memref<12x128xi32, #tpu.memory_space<vmem>>, vector<16xi32>,
      tpu.vector_store %arg10[%swap3A_1324, %swap3A_1325], %add3A_1322 {strides = array<i32>} : memref<12x128xi32, #tpu.memory_space<vmem>>, vector<16xi32>,
      %add3A_1327 = arith.constant 368 : i32
      %add3A_1328 = arith.addi %mul3A_11, %add3A_1327 : i32
      %get3A_1329 = arith.index_cast %add3A_1328 : i32 to index
      %get3A_1330 = tpu.vector_load %arg8[%get3A_1329] {strides = array<i32>} : memref<8192xf32, #tpu.memory_space<vmem>>, vector<16xf32>,
      %add3A_1331 = arith.constant 1.000000e+00 : f32
      %add3A_1332 = vector.broadcast %add3A_1331 : f32 to vector<16xf32>
      %add3A_1333 = arith.addf %get3A_1330, %add3A_1332 : vector<16xf32>
      %mul3A_1334 = arith.constant 3.276750e+04 : f32
      %mul3A_1335 = vector.broadcast %mul3A_1334 : f32 to vector<16xf32>
      %mul3A_1336 = arith.mulf %add3A_1333, %mul3A_1335 : vector<16xf32>
      %convert_element_type3A_1337 = arith.fptosi %mul3A_1336 : vector<16xf32> to vector<16xi32>
      %min3A_1338 = arith.constant 65535 : i32
      %min3A_1339 = vector.broadcast %min3A_1338 : i32 to vector<16xi32>
      %min3A_1340 = arith.minsi %convert_element_type3A_1337, %min3A_1339 : vector<16xi32>
      %max3A_1341 = arith.constant 0 : i32
      %max3A_1342 = vector.broadcast %max3A_1341 : i32 to vector<16xi32>
      %max3A_1343 = arith.maxsi %min3A_1340, %max3A_1342 : vector<16xi32>
      %add3A_1344 = arith.constant 65536 : i32
      %add3A_1345 = vector.broadcast %add3A_1344 : i32 to vector<16xi32>
      %add3A_1346 = arith.addi %max3A_1343, %add3A_1345 : vector<16xi32>
      %swap3A_1347 = arith.constant 6 : i32
      %swap3A_1348 = arith.index_cast %swap3A_1347 : i32 to index
      %swap3A_1349 = arith.constant 112 : index
      %swap3A_1350 = tpu.vector_load %arg10[%swap3A_1348, %swap3A_1349] {strides = array<i32>} : memref<12x128xi32, #tpu.memory_space<vmem>>, vector<16xi32>,
      tpu.vector_store %arg10[%swap3A_1348, %swap3A_1349], %add3A_1346 {strides = array<i32>} : memref<12x128xi32, #tpu.memory_space<vmem>>, vector<16xi32>,
      %add3A_1351 = arith.constant 384 : i32
      %add3A_1352 = arith.addi %mul3A_11, %add3A_1351 : i32
      %get3A_1353 = arith.index_cast %add3A_1352 : i32 to index
      %get3A_1354 = tpu.vector_load %arg8[%get3A_1353] {strides = array<i32>} : memref<8192xf32, #tpu.memory_space<vmem>>, vector<16xf32>,
      %add3A_1355 = arith.constant 1.000000e+00 : f32
      %add3A_1356 = vector.broadcast %add3A_1355 : f32 to vector<16xf32>
      %add3A_1357 = arith.addf %get3A_1354, %add3A_1356 : vector<16xf32>
      %mul3A_1358 = arith.constant 3.276750e+04 : f32
      %mul3A_1359 = vector.broadcast %mul3A_1358 : f32 to vector<16xf32>
      %mul3A_1360 = arith.mulf %add3A_1357, %mul3A_1359 : vector<16xf32>
      %convert_element_type3A_1361 = arith.fptosi %mul3A_1360 : vector<16xf32> to vector<16xi32>
      %min3A_1362 = arith.constant 65535 : i32
      %min3A_1363 = vector.broadcast %min3A_1362 : i32 to vector<16xi32>
      %min3A_1364 = arith.minsi %convert_element_type3A_1361, %min3A_1363 : vector<16xi32>
      %max3A_1365 = arith.constant 0 : i32
      %max3A_1366 = vector.broadcast %max3A_1365 : i32 to vector<16xi32>
      %max3A_1367 = arith.maxsi %min3A_1364, %max3A_1366 : vector<16xi32>
      %add3A_1368 = arith.constant 65536 : i32
      %add3A_1369 = vector.broadcast %add3A_1368 : i32 to vector<16xi32>
      %add3A_1370 = arith.addi %max3A_1367, %add3A_1369 : vector<16xi32>
      %swap3A_1371 = arith.constant 7 : i32
      %swap3A_1372 = arith.index_cast %swap3A_1371 : i32 to index
      %swap3A_1373 = arith.constant 0 : index
      %swap3A_1374 = tpu.vector_load %arg10[%swap3A_1372, %swap3A_1373] {strides = array<i32>} : memref<12x128xi32, #tpu.memory_space<vmem>>, vector<16xi32>,
      tpu.vector_store %arg10[%swap3A_1372, %swap3A_1373], %add3A_1370 {strides = array<i32>} : memref<12x128xi32, #tpu.memory_space<vmem>>, vector<16xi32>,
      %add3A_1375 = arith.constant 400 : i32
      %add3A_1376 = arith.addi %mul3A_11, %add3A_1375 : i32
      %get3A_1377 = arith.index_cast %add3A_1376 : i32 to index
      %get3A_1378 = tpu.vector_load %arg8[%get3A_1377] {strides = array<i32>} : memref<8192xf32, #tpu.memory_space<vmem>>, vector<16xf32>,
      %add3A_1379 = arith.constant 1.000000e+00 : f32
      %add3A_1380 = vector.broadcast %add3A_1379 : f32 to vector<16xf32>
      %add3A_1381 = arith.addf %get3A_1378, %add3A_1380 : vector<16xf32>
      %mul3A_1382 = arith.constant 3.276750e+04 : f32
      %mul3A_1383 = vector.broadcast %mul3A_1382 : f32 to vector<16xf32>
      %mul3A_1384 = arith.mulf %add3A_1381, %mul3A_1383 : vector<16xf32>
      %convert_element_type3A_1385 = arith.fptosi %mul3A_1384 : vector<16xf32> to vector<16xi32>
      %min3A_1386 = arith.constant 65535 : i32
      %min3A_1387 = vector.broadcast %min3A_1386 : i32 to vector<16xi32>
      %min3A_1388 = arith.minsi %convert_element_type3A_1385, %min3A_1387 : vector<16xi32>
      %max3A_1389 = arith.constant 0 : i32
      %max3A_1390 = vector.broadcast %max3A_1389 : i32 to vector<16xi32>
      %max3A_1391 = arith.maxsi %min3A_1388, %max3A_1390 : vector<16xi32>
      %add3A_1392 = arith.constant 65536 : i32
      %add3A_1393 = vector.broadcast %add3A_1392 : i32 to vector<16xi32>
      %add3A_1394 = arith.addi %max3A_1391, %add3A_1393 : vector<16xi32>
      %swap3A_1395 = arith.constant 7 : i32
      %swap3A_1396 = arith.index_cast %swap3A_1395 : i32 to index
      %swap3A_1397 = arith.constant 16 : index
      %swap3A_1398 = tpu.vector_load %arg10[%swap3A_1396, %swap3A_1397] {strides = array<i32>} : memref<12x128xi32, #tpu.memory_space<vmem>>, vector<16xi32>,
      tpu.vector_store %arg10[%swap3A_1396, %swap3A_1397], %add3A_1394 {strides = array<i32>} : memref<12x128xi32, #tpu.memory_space<vmem>>, vector<16xi32>,
      %add3A_1399 = arith.constant 416 : i32
      %add3A_1400 = arith.addi %mul3A_11, %add3A_1399 : i32
      %get3A_1401 = arith.index_cast %add3A_1400 : i32 to index
      %get3A_1402 = tpu.vector_load %arg8[%get3A_1401] {strides = array<i32>} : memref<8192xf32, #tpu.memory_space<vmem>>, vector<16xf32>,
      %add3A_1403 = arith.constant 1.000000e+00 : f32
      %add3A_1404 = vector.broadcast %add3A_1403 : f32 to vector<16xf32>
      %add3A_1405 = arith.addf %get3A_1402, %add3A_1404 : vector<16xf32>
      %mul3A_1406 = arith.constant 3.276750e+04 : f32
      %mul3A_1407 = vector.broadcast %mul3A_1406 : f32 to vector<16xf32>
      %mul3A_1408 = arith.mulf %add3A_1405, %mul3A_1407 : vector<16xf32>
      %convert_element_type3A_1409 = arith.fptosi %mul3A_1408 : vector<16xf32> to vector<16xi32>
      %min3A_1410 = arith.constant 65535 : i32
      %min3A_1411 = vector.broadcast %min3A_1410 : i32 to vector<16xi32>
      %min3A_1412 = arith.minsi %convert_element_type3A_1409, %min3A_1411 : vector<16xi32>
      %max3A_1413 = arith.constant 0 : i32
      %max3A_1414 = vector.broadcast %max3A_1413 : i32 to vector<16xi32>
      %max3A_1415 = arith.maxsi %min3A_1412, %max3A_1414 : vector<16xi32>
      %add3A_1416 = arith.constant 65536 : i32
      %add3A_1417 = vector.broadcast %add3A_1416 : i32 to vector<16xi32>
      %add3A_1418 = arith.addi %max3A_1415, %add3A_1417 : vector<16xi32>
      %swap3A_1419 = arith.constant 7 : i32
      %swap3A_1420 = arith.index_cast %swap3A_1419 : i32 to index
      %swap3A_1421 = arith.constant 32 : index
      %swap3A_1422 = tpu.vector_load %arg10[%swap3A_1420, %swap3A_1421] {strides = array<i32>} : memref<12x128xi32, #tpu.memory_space<vmem>>, vector<16xi32>,
      tpu.vector_store %arg10[%swap3A_1420, %swap3A_1421], %add3A_1418 {strides = array<i32>} : memref<12x128xi32, #tpu.memory_space<vmem>>, vector<16xi32>,
      %add3A_1423 = arith.constant 432 : i32
      %add3A_1424 = arith.addi %mul3A_11, %add3A_1423 : i32
      %get3A_1425 = arith.index_cast %add3A_1424 : i32 to index
      %get3A_1426 = tpu.vector_load %arg8[%get3A_1425] {strides = array<i32>} : memref<8192xf32, #tpu.memory_space<vmem>>, vector<16xf32>,
      %add3A_1427 = arith.constant 1.000000e+00 : f32
      %add3A_1428 = vector.broadcast %add3A_1427 : f32 to vector<16xf32>
      %add3A_1429 = arith.addf %get3A_1426, %add3A_1428 : vector<16xf32>
      %mul3A_1430 = arith.constant 3.276750e+04 : f32
      %mul3A_1431 = vector.broadcast %mul3A_1430 : f32 to vector<16xf32>
      %mul3A_1432 = arith.mulf %add3A_1429, %mul3A_1431 : vector<16xf32>
      %convert_element_type3A_1433 = arith.fptosi %mul3A_1432 : vector<16xf32> to vector<16xi32>
      %min3A_1434 = arith.constant 65535 : i32
      %min3A_1435 = vector.broadcast %min3A_1434 : i32 to vector<16xi32>
      %min3A_1436 = arith.minsi %convert_element_type3A_1433, %min3A_1435 : vector<16xi32>
      %max3A_1437 = arith.constant 0 : i32
      %max3A_1438 = vector.broadcast %max3A_1437 : i32 to vector<16xi32>
      %max3A_1439 = arith.maxsi %min3A_1436, %max3A_1438 : vector<16xi32>
      %add3A_1440 = arith.constant 65536 : i32
      %add3A_1441 = vector.broadcast %add3A_1440 : i32 to vector<16xi32>
      %add3A_1442 = arith.addi %max3A_1439, %add3A_1441 : vector<16xi32>
      %swap3A_1443 = arith.constant 7 : i32
      %swap3A_1444 = arith.index_cast %swap3A_1443 : i32 to index
      %swap3A_1445 = arith.constant 48 : index
      %swap3A_1446 = tpu.vector_load %arg10[%swap3A_1444, %swap3A_1445] {strides = array<i32>} : memref<12x128xi32, #tpu.memory_space<vmem>>, vector<16xi32>,
      tpu.vector_store %arg10[%swap3A_1444, %swap3A_1445], %add3A_1442 {strides = array<i32>} : memref<12x128xi32, #tpu.memory_space<vmem>>, vector<16xi32>,
      %add3A_1447 = arith.constant 448 : i32
      %add3A_1448 = arith.addi %mul3A_11, %add3A_1447 : i32
      %get3A_1449 = arith.index_cast %add3A_1448 : i32 to index
      %get3A_1450 = tpu.vector_load %arg8[%get3A_1449] {strides = array<i32>} : memref<8192xf32, #tpu.memory_space<vmem>>, vector<16xf32>,
      %add3A_1451 = arith.constant 1.000000e+00 : f32
      %add3A_1452 = vector.broadcast %add3A_1451 : f32 to vector<16xf32>
      %add3A_1453 = arith.addf %get3A_1450, %add3A_1452 : vector<16xf32>
      %mul3A_1454 = arith.constant 3.276750e+04 : f32
      %mul3A_1455 = vector.broadcast %mul3A_1454 : f32 to vector<16xf32>
      %mul3A_1456 = arith.mulf %add3A_1453, %mul3A_1455 : vector<16xf32>
      %convert_element_type3A_1457 = arith.fptosi %mul3A_1456 : vector<16xf32> to vector<16xi32>
      %min3A_1458 = arith.constant 65535 : i32
      %min3A_1459 = vector.broadcast %min3A_1458 : i32 to vector<16xi32>
      %min3A_1460 = arith.minsi %convert_element_type3A_1457, %min3A_1459 : vector<16xi32>
      %max3A_1461 = arith.constant 0 : i32
      %max3A_1462 = vector.broadcast %max3A_1461 : i32 to vector<16xi32>
      %max3A_1463 = arith.maxsi %min3A_1460, %max3A_1462 : vector<16xi32>
      %add3A_1464 = arith.constant 65536 : i32
      %add3A_1465 = vector.broadcast %add3A_1464 : i32 to vector<16xi32>
      %add3A_1466 = arith.addi %max3A_1463, %add3A_1465 : vector<16xi32>
      %swap3A_1467 = arith.constant 7 : i32
      %swap3A_1468 = arith.index_cast %swap3A_1467 : i32 to index
      %swap3A_1469 = arith.constant 64 : index
      %swap3A_1470 = tpu.vector_load %arg10[%swap3A_1468, %swap3A_1469] {strides = array<i32>} : memref<12x128xi32, #tpu.memory_space<vmem>>, vector<16xi32>,
      tpu.vector_store %arg10[%swap3A_1468, %swap3A_1469], %add3A_1466 {strides = array<i32>} : memref<12x128xi32, #tpu.memory_space<vmem>>, vector<16xi32>,
      %add3A_1471 = arith.constant 464 : i32
      %add3A_1472 = arith.addi %mul3A_11, %add3A_1471 : i32
      %get3A_1473 = arith.index_cast %add3A_1472 : i32 to index
      %get3A_1474 = tpu.vector_load %arg8[%get3A_1473] {strides = array<i32>} : memref<8192xf32, #tpu.memory_space<vmem>>, vector<16xf32>,
      %add3A_1475 = arith.constant 1.000000e+00 : f32
      %add3A_1476 = vector.broadcast %add3A_1475 : f32 to vector<16xf32>
      %add3A_1477 = arith.addf %get3A_1474, %add3A_1476 : vector<16xf32>
      %mul3A_1478 = arith.constant 3.276750e+04 : f32
      %mul3A_1479 = vector.broadcast %mul3A_1478 : f32 to vector<16xf32>
      %mul3A_1480 = arith.mulf %add3A_1477, %mul3A_1479 : vector<16xf32>
      %convert_element_type3A_1481 = arith.fptosi %mul3A_1480 : vector<16xf32> to vector<16xi32>
      %min3A_1482 = arith.constant 65535 : i32
      %min3A_1483 = vector.broadcast %min3A_1482 : i32 to vector<16xi32>
      %min3A_1484 = arith.minsi %convert_element_type3A_1481, %min3A_1483 : vector<16xi32>
      %max3A_1485 = arith.constant 0 : i32
      %max3A_1486 = vector.broadcast %max3A_1485 : i32 to vector<16xi32>
      %max3A_1487 = arith.maxsi %min3A_1484, %max3A_1486 : vector<16xi32>
      %add3A_1488 = arith.constant 65536 : i32
      %add3A_1489 = vector.broadcast %add3A_1488 : i32 to vector<16xi32>
      %add3A_1490 = arith.addi %max3A_1487, %add3A_1489 : vector<16xi32>
      %swap3A_1491 = arith.constant 7 : i32
      %swap3A_1492 = arith.index_cast %swap3A_1491 : i32 to index
      %swap3A_1493 = arith.constant 80 : index
      %swap3A_1494 = tpu.vector_load %arg10[%swap3A_1492, %swap3A_1493] {strides = array<i32>} : memref<12x128xi32, #tpu.memory_space<vmem>>, vector<16xi32>,
      tpu.vector_store %arg10[%swap3A_1492, %swap3A_1493], %add3A_1490 {strides = array<i32>} : memref<12x128xi32, #tpu.memory_space<vmem>>, vector<16xi32>,
      %add3A_1495 = arith.constant 480 : i32
      %add3A_1496 = arith.addi %mul3A_11, %add3A_1495 : i32
      %get3A_1497 = arith.index_cast %add3A_1496 : i32 to index
      %get3A_1498 = tpu.vector_load %arg8[%get3A_1497] {strides = array<i32>} : memref<8192xf32, #tpu.memory_space<vmem>>, vector<16xf32>,
      %add3A_1499 = arith.constant 1.000000e+00 : f32
      %add3A_1500 = vector.broadcast %add3A_1499 : f32 to vector<16xf32>
      %add3A_1501 = arith.addf %get3A_1498, %add3A_1500 : vector<16xf32>
      %mul3A_1502 = arith.constant 3.276750e+04 : f32
      %mul3A_1503 = vector.broadcast %mul3A_1502 : f32 to vector<16xf32>
      %mul3A_1504 = arith.mulf %add3A_1501, %mul3A_1503 : vector<16xf32>
      %convert_element_type3A_1505 = arith.fptosi %mul3A_1504 : vector<16xf32> to vector<16xi32>
      %min3A_1506 = arith.constant 65535 : i32
      %min3A_1507 = vector.broadcast %min3A_1506 : i32 to vector<16xi32>
      %min3A_1508 = arith.minsi %convert_element_type3A_1505, %min3A_1507 : vector<16xi32>
      %max3A_1509 = arith.constant 0 : i32
      %max3A_1510 = vector.broadcast %max3A_1509 : i32 to vector<16xi32>
      %max3A_1511 = arith.maxsi %min3A_1508, %max3A_1510 : vector<16xi32>
      %add3A_1512 = arith.constant 65536 : i32
      %add3A_1513 = vector.broadcast %add3A_1512 : i32 to vector<16xi32>
      %add3A_1514 = arith.addi %max3A_1511, %add3A_1513 : vector<16xi32>
      %swap3A_1515 = arith.constant 7 : i32
      %swap3A_1516 = arith.index_cast %swap3A_1515 : i32 to index
      %swap3A_1517 = arith.constant 96 : index
      %swap3A_1518 = tpu.vector_load %arg10[%swap3A_1516, %swap3A_1517] {strides = array<i32>} : memref<12x128xi32, #tpu.memory_space<vmem>>, vector<16xi32>,
      tpu.vector_store %arg10[%swap3A_1516, %swap3A_1517], %add3A_1514 {strides = array<i32>} : memref<12x128xi32, #tpu.memory_space<vmem>>, vector<16xi32>,
      %add3A_1519 = arith.constant 496 : i32
      %add3A_1520 = arith.addi %mul3A_11, %add3A_1519 : i32
      %get3A_1521 = arith.index_cast %add3A_1520 : i32 to index
      %get3A_1522 = tpu.vector_load %arg8[%get3A_1521] {strides = array<i32>} : memref<8192xf32, #tpu.memory_space<vmem>>, vector<16xf32>,
      %add3A_1523 = arith.constant 1.000000e+00 : f32
      %add3A_1524 = vector.broadcast %add3A_1523 : f32 to vector<16xf32>
      %add3A_1525 = arith.addf %get3A_1522, %add3A_1524 : vector<16xf32>
      %mul3A_1526 = arith.constant 3.276750e+04 : f32
      %mul3A_1527 = vector.broadcast %mul3A_1526 : f32 to vector<16xf32>
      %mul3A_1528 = arith.mulf %add3A_1525, %mul3A_1527 : vector<16xf32>
      %convert_element_type3A_1529 = arith.fptosi %mul3A_1528 : vector<16xf32> to vector<16xi32>
      %min3A_1530 = arith.constant 65535 : i32
      %min3A_1531 = vector.broadcast %min3A_1530 : i32 to vector<16xi32>
      %min3A_1532 = arith.minsi %convert_element_type3A_1529, %min3A_1531 : vector<16xi32>
      %max3A_1533 = arith.constant 0 : i32
      %max3A_1534 = vector.broadcast %max3A_1533 : i32 to vector<16xi32>
      %max3A_1535 = arith.maxsi %min3A_1532, %max3A_1534 : vector<16xi32>
      %add3A_1536 = arith.constant 65536 : i32
      %add3A_1537 = vector.broadcast %add3A_1536 : i32 to vector<16xi32>
      %add3A_1538 = arith.addi %max3A_1535, %add3A_1537 : vector<16xi32>
      %swap3A_1539 = arith.constant 7 : i32
      %swap3A_1540 = arith.index_cast %swap3A_1539 : i32 to index
      %swap3A_1541 = arith.constant 112 : index
      %swap3A_1542 = tpu.vector_load %arg10[%swap3A_1540, %swap3A_1541] {strides = array<i32>} : memref<12x128xi32, #tpu.memory_space<vmem>>, vector<16xi32>,
      tpu.vector_store %arg10[%swap3A_1540, %swap3A_1541], %add3A_1538 {strides = array<i32>} : memref<12x128xi32, #tpu.memory_space<vmem>>, vector<16xi32>,
      %add3A_1543 = arith.constant 0 : i32
      %add3A_1544 = arith.addi %mul3A_11, %add3A_1543 : i32
      %get3A_1545 = arith.index_cast %add3A_1544 : i32 to index
      %get3A_1546 = tpu.vector_load %arg9[%get3A_1545] {strides = array<i32>} : memref<8192xf32, #tpu.memory_space<vmem>>, vector<16xf32>,
      %add3A_1547 = arith.constant 1.000000e+00 : f32
      %add3A_1548 = vector.broadcast %add3A_1547 : f32 to vector<16xf32>
      %add3A_1549 = arith.addf %get3A_1546, %add3A_1548 : vector<16xf32>
      %mul3A_1550 = arith.constant 3.276750e+04 : f32
      %mul3A_1551 = vector.broadcast %mul3A_1550 : f32 to vector<16xf32>
      %mul3A_1552 = arith.mulf %add3A_1549, %mul3A_1551 : vector<16xf32>
      %convert_element_type3A_1553 = arith.fptosi %mul3A_1552 : vector<16xf32> to vector<16xi32>
      %min3A_1554 = arith.constant 65535 : i32
      %min3A_1555 = vector.broadcast %min3A_1554 : i32 to vector<16xi32>
      %min3A_1556 = arith.minsi %convert_element_type3A_1553, %min3A_1555 : vector<16xi32>
      %max3A_1557 = arith.constant 0 : i32
      %max3A_1558 = vector.broadcast %max3A_1557 : i32 to vector<16xi32>
      %max3A_1559 = arith.maxsi %min3A_1556, %max3A_1558 : vector<16xi32>
      %add3A_1560 = arith.constant 131072 : i32
      %add3A_1561 = vector.broadcast %add3A_1560 : i32 to vector<16xi32>
      %add3A_1562 = arith.addi %max3A_1559, %add3A_1561 : vector<16xi32>
      %swap3A_1563 = arith.constant 8 : i32
      %swap3A_1564 = arith.index_cast %swap3A_1563 : i32 to index
      %swap3A_1565 = arith.constant 0 : index
      %swap3A_1566 = tpu.vector_load %arg10[%swap3A_1564, %swap3A_1565] {strides = array<i32>} : memref<12x128xi32, #tpu.memory_space<vmem>>, vector<16xi32>,
      tpu.vector_store %arg10[%swap3A_1564, %swap3A_1565], %add3A_1562 {strides = array<i32>} : memref<12x128xi32, #tpu.memory_space<vmem>>, vector<16xi32>,
      %add3A_1567 = arith.constant 16 : i32
      %add3A_1568 = arith.addi %mul3A_11, %add3A_1567 : i32
      %get3A_1569 = arith.index_cast %add3A_1568 : i32 to index
      %get3A_1570 = tpu.vector_load %arg9[%get3A_1569] {strides = array<i32>} : memref<8192xf32, #tpu.memory_space<vmem>>, vector<16xf32>,
      %add3A_1571 = arith.constant 1.000000e+00 : f32
      %add3A_1572 = vector.broadcast %add3A_1571 : f32 to vector<16xf32>
      %add3A_1573 = arith.addf %get3A_1570, %add3A_1572 : vector<16xf32>
      %mul3A_1574 = arith.constant 3.276750e+04 : f32
      %mul3A_1575 = vector.broadcast %mul3A_1574 : f32 to vector<16xf32>
      %mul3A_1576 = arith.mulf %add3A_1573, %mul3A_1575 : vector<16xf32>
      %convert_element_type3A_1577 = arith.fptosi %mul3A_1576 : vector<16xf32> to vector<16xi32>
      %min3A_1578 = arith.constant 65535 : i32
      %min3A_1579 = vector.broadcast %min3A_1578 : i32 to vector<16xi32>
      %min3A_1580 = arith.minsi %convert_element_type3A_1577, %min3A_1579 : vector<16xi32>
      %max3A_1581 = arith.constant 0 : i32
      %max3A_1582 = vector.broadcast %max3A_1581 : i32 to vector<16xi32>
      %max3A_1583 = arith.maxsi %min3A_1580, %max3A_1582 : vector<16xi32>
      %add3A_1584 = arith.constant 131072 : i32
      %add3A_1585 = vector.broadcast %add3A_1584 : i32 to vector<16xi32>
      %add3A_1586 = arith.addi %max3A_1583, %add3A_1585 : vector<16xi32>
      %swap3A_1587 = arith.constant 8 : i32
      %swap3A_1588 = arith.index_cast %swap3A_1587 : i32 to index
      %swap3A_1589 = arith.constant 16 : index
      %swap3A_1590 = tpu.vector_load %arg10[%swap3A_1588, %swap3A_1589] {strides = array<i32>} : memref<12x128xi32, #tpu.memory_space<vmem>>, vector<16xi32>,
      tpu.vector_store %arg10[%swap3A_1588, %swap3A_1589], %add3A_1586 {strides = array<i32>} : memref<12x128xi32, #tpu.memory_space<vmem>>, vector<16xi32>,
      %add3A_1591 = arith.constant 32 : i32
      %add3A_1592 = arith.addi %mul3A_11, %add3A_1591 : i32
      %get3A_1593 = arith.index_cast %add3A_1592 : i32 to index
      %get3A_1594 = tpu.vector_load %arg9[%get3A_1593] {strides = array<i32>} : memref<8192xf32, #tpu.memory_space<vmem>>, vector<16xf32>,
      %add3A_1595 = arith.constant 1.000000e+00 : f32
      %add3A_1596 = vector.broadcast %add3A_1595 : f32 to vector<16xf32>
      %add3A_1597 = arith.addf %get3A_1594, %add3A_1596 : vector<16xf32>
      %mul3A_1598 = arith.constant 3.276750e+04 : f32
      %mul3A_1599 = vector.broadcast %mul3A_1598 : f32 to vector<16xf32>
      %mul3A_1600 = arith.mulf %add3A_1597, %mul3A_1599 : vector<16xf32>
      %convert_element_type3A_1601 = arith.fptosi %mul3A_1600 : vector<16xf32> to vector<16xi32>
      %min3A_1602 = arith.constant 65535 : i32
      %min3A_1603 = vector.broadcast %min3A_1602 : i32 to vector<16xi32>
      %min3A_1604 = arith.minsi %convert_element_type3A_1601, %min3A_1603 : vector<16xi32>
      %max3A_1605 = arith.constant 0 : i32
      %max3A_1606 = vector.broadcast %max3A_1605 : i32 to vector<16xi32>
      %max3A_1607 = arith.maxsi %min3A_1604, %max3A_1606 : vector<16xi32>
      %add3A_1608 = arith.constant 131072 : i32
      %add3A_1609 = vector.broadcast %add3A_1608 : i32 to vector<16xi32>
      %add3A_1610 = arith.addi %max3A_1607, %add3A_1609 : vector<16xi32>
      %swap3A_1611 = arith.constant 8 : i32
      %swap3A_1612 = arith.index_cast %swap3A_1611 : i32 to index
      %swap3A_1613 = arith.constant 32 : index
      %swap3A_1614 = tpu.vector_load %arg10[%swap3A_1612, %swap3A_1613] {strides = array<i32>} : memref<12x128xi32, #tpu.memory_space<vmem>>, vector<16xi32>,
      tpu.vector_store %arg10[%swap3A_1612, %swap3A_1613], %add3A_1610 {strides = array<i32>} : memref<12x128xi32, #tpu.memory_space<vmem>>, vector<16xi32>,
      %add3A_1615 = arith.constant 48 : i32
      %add3A_1616 = arith.addi %mul3A_11, %add3A_1615 : i32
      %get3A_1617 = arith.index_cast %add3A_1616 : i32 to index
      %get3A_1618 = tpu.vector_load %arg9[%get3A_1617] {strides = array<i32>} : memref<8192xf32, #tpu.memory_space<vmem>>, vector<16xf32>,
      %add3A_1619 = arith.constant 1.000000e+00 : f32
      %add3A_1620 = vector.broadcast %add3A_1619 : f32 to vector<16xf32>
      %add3A_1621 = arith.addf %get3A_1618, %add3A_1620 : vector<16xf32>
      %mul3A_1622 = arith.constant 3.276750e+04 : f32
      %mul3A_1623 = vector.broadcast %mul3A_1622 : f32 to vector<16xf32>
      %mul3A_1624 = arith.mulf %add3A_1621, %mul3A_1623 : vector<16xf32>
      %convert_element_type3A_1625 = arith.fptosi %mul3A_1624 : vector<16xf32> to vector<16xi32>
      %min3A_1626 = arith.constant 65535 : i32
      %min3A_1627 = vector.broadcast %min3A_1626 : i32 to vector<16xi32>
      %min3A_1628 = arith.minsi %convert_element_type3A_1625, %min3A_1627 : vector<16xi32>
      %max3A_1629 = arith.constant 0 : i32
      %max3A_1630 = vector.broadcast %max3A_1629 : i32 to vector<16xi32>
      %max3A_1631 = arith.maxsi %min3A_1628, %max3A_1630 : vector<16xi32>
      %add3A_1632 = arith.constant 131072 : i32
      %add3A_1633 = vector.broadcast %add3A_1632 : i32 to vector<16xi32>
      %add3A_1634 = arith.addi %max3A_1631, %add3A_1633 : vector<16xi32>
      %swap3A_1635 = arith.constant 8 : i32
      %swap3A_1636 = arith.index_cast %swap3A_1635 : i32 to index
      %swap3A_1637 = arith.constant 48 : index
      %swap3A_1638 = tpu.vector_load %arg10[%swap3A_1636, %swap3A_1637] {strides = array<i32>} : memref<12x128xi32, #tpu.memory_space<vmem>>, vector<16xi32>,
      tpu.vector_store %arg10[%swap3A_1636, %swap3A_1637], %add3A_1634 {strides = array<i32>} : memref<12x128xi32, #tpu.memory_space<vmem>>, vector<16xi32>,
      %add3A_1639 = arith.constant 64 : i32
      %add3A_1640 = arith.addi %mul3A_11, %add3A_1639 : i32
      %get3A_1641 = arith.index_cast %add3A_1640 : i32 to index
      %get3A_1642 = tpu.vector_load %arg9[%get3A_1641] {strides = array<i32>} : memref<8192xf32, #tpu.memory_space<vmem>>, vector<16xf32>,
      %add3A_1643 = arith.constant 1.000000e+00 : f32
      %add3A_1644 = vector.broadcast %add3A_1643 : f32 to vector<16xf32>
      %add3A_1645 = arith.addf %get3A_1642, %add3A_1644 : vector<16xf32>
      %mul3A_1646 = arith.constant 3.276750e+04 : f32
      %mul3A_1647 = vector.broadcast %mul3A_1646 : f32 to vector<16xf32>
      %mul3A_1648 = arith.mulf %add3A_1645, %mul3A_1647 : vector<16xf32>
      %convert_element_type3A_1649 = arith.fptosi %mul3A_1648 : vector<16xf32> to vector<16xi32>
      %min3A_1650 = arith.constant 65535 : i32
      %min3A_1651 = vector.broadcast %min3A_1650 : i32 to vector<16xi32>
      %min3A_1652 = arith.minsi %convert_element_type3A_1649, %min3A_1651 : vector<16xi32>
      %max3A_1653 = arith.constant 0 : i32
      %max3A_1654 = vector.broadcast %max3A_1653 : i32 to vector<16xi32>
      %max3A_1655 = arith.maxsi %min3A_1652, %max3A_1654 : vector<16xi32>
      %add3A_1656 = arith.constant 131072 : i32
      %add3A_1657 = vector.broadcast %add3A_1656 : i32 to vector<16xi32>
      %add3A_1658 = arith.addi %max3A_1655, %add3A_1657 : vector<16xi32>
      %swap3A_1659 = arith.constant 8 : i32
      %swap3A_1660 = arith.index_cast %swap3A_1659 : i32 to index
      %swap3A_1661 = arith.constant 64 : index
      %swap3A_1662 = tpu.vector_load %arg10[%swap3A_1660, %swap3A_1661] {strides = array<i32>} : memref<12x128xi32, #tpu.memory_space<vmem>>, vector<16xi32>,
      tpu.vector_store %arg10[%swap3A_1660, %swap3A_1661], %add3A_1658 {strides = array<i32>} : memref<12x128xi32, #tpu.memory_space<vmem>>, vector<16xi32>,
      %add3A_1663 = arith.constant 80 : i32
      %add3A_1664 = arith.addi %mul3A_11, %add3A_1663 : i32
      %get3A_1665 = arith.index_cast %add3A_1664 : i32 to index
      %get3A_1666 = tpu.vector_load %arg9[%get3A_1665] {strides = array<i32>} : memref<8192xf32, #tpu.memory_space<vmem>>, vector<16xf32>,
      %add3A_1667 = arith.constant 1.000000e+00 : f32
      %add3A_1668 = vector.broadcast %add3A_1667 : f32 to vector<16xf32>
      %add3A_1669 = arith.addf %get3A_1666, %add3A_1668 : vector<16xf32>
      %mul3A_1670 = arith.constant 3.276750e+04 : f32
      %mul3A_1671 = vector.broadcast %mul3A_1670 : f32 to vector<16xf32>
      %mul3A_1672 = arith.mulf %add3A_1669, %mul3A_1671 : vector<16xf32>
      %convert_element_type3A_1673 = arith.fptosi %mul3A_1672 : vector<16xf32> to vector<16xi32>
      %min3A_1674 = arith.constant 65535 : i32
      %min3A_1675 = vector.broadcast %min3A_1674 : i32 to vector<16xi32>
      %min3A_1676 = arith.minsi %convert_element_type3A_1673, %min3A_1675 : vector<16xi32>
      %max3A_1677 = arith.constant 0 : i32
      %max3A_1678 = vector.broadcast %max3A_1677 : i32 to vector<16xi32>
      %max3A_1679 = arith.maxsi %min3A_1676, %max3A_1678 : vector<16xi32>
      %add3A_1680 = arith.constant 131072 : i32
      %add3A_1681 = vector.broadcast %add3A_1680 : i32 to vector<16xi32>
      %add3A_1682 = arith.addi %max3A_1679, %add3A_1681 : vector<16xi32>
      %swap3A_1683 = arith.constant 8 : i32
      %swap3A_1684 = arith.index_cast %swap3A_1683 : i32 to index
      %swap3A_1685 = arith.constant 80 : index
      %swap3A_1686 = tpu.vector_load %arg10[%swap3A_1684, %swap3A_1685] {strides = array<i32>} : memref<12x128xi32, #tpu.memory_space<vmem>>, vector<16xi32>,
      tpu.vector_store %arg10[%swap3A_1684, %swap3A_1685], %add3A_1682 {strides = array<i32>} : memref<12x128xi32, #tpu.memory_space<vmem>>, vector<16xi32>,
      %add3A_1687 = arith.constant 96 : i32
      %add3A_1688 = arith.addi %mul3A_11, %add3A_1687 : i32
      %get3A_1689 = arith.index_cast %add3A_1688 : i32 to index
      %get3A_1690 = tpu.vector_load %arg9[%get3A_1689] {strides = array<i32>} : memref<8192xf32, #tpu.memory_space<vmem>>, vector<16xf32>,
      %add3A_1691 = arith.constant 1.000000e+00 : f32
      %add3A_1692 = vector.broadcast %add3A_1691 : f32 to vector<16xf32>
      %add3A_1693 = arith.addf %get3A_1690, %add3A_1692 : vector<16xf32>
      %mul3A_1694 = arith.constant 3.276750e+04 : f32
      %mul3A_1695 = vector.broadcast %mul3A_1694 : f32 to vector<16xf32>
      %mul3A_1696 = arith.mulf %add3A_1693, %mul3A_1695 : vector<16xf32>
      %convert_element_type3A_1697 = arith.fptosi %mul3A_1696 : vector<16xf32> to vector<16xi32>
      %min3A_1698 = arith.constant 65535 : i32
      %min3A_1699 = vector.broadcast %min3A_1698 : i32 to vector<16xi32>
      %min3A_1700 = arith.minsi %convert_element_type3A_1697, %min3A_1699 : vector<16xi32>
      %max3A_1701 = arith.constant 0 : i32
      %max3A_1702 = vector.broadcast %max3A_1701 : i32 to vector<16xi32>
      %max3A_1703 = arith.maxsi %min3A_1700, %max3A_1702 : vector<16xi32>
      %add3A_1704 = arith.constant 131072 : i32
      %add3A_1705 = vector.broadcast %add3A_1704 : i32 to vector<16xi32>
      %add3A_1706 = arith.addi %max3A_1703, %add3A_1705 : vector<16xi32>
      %swap3A_1707 = arith.constant 8 : i32
      %swap3A_1708 = arith.index_cast %swap3A_1707 : i32 to index
      %swap3A_1709 = arith.constant 96 : index
      %swap3A_1710 = tpu.vector_load %arg10[%swap3A_1708, %swap3A_1709] {strides = array<i32>} : memref<12x128xi32, #tpu.memory_space<vmem>>, vector<16xi32>,
      tpu.vector_store %arg10[%swap3A_1708, %swap3A_1709], %add3A_1706 {strides = array<i32>} : memref<12x128xi32, #tpu.memory_space<vmem>>, vector<16xi32>,
      %add3A_1711 = arith.constant 112 : i32
      %add3A_1712 = arith.addi %mul3A_11, %add3A_1711 : i32
      %get3A_1713 = arith.index_cast %add3A_1712 : i32 to index
      %get3A_1714 = tpu.vector_load %arg9[%get3A_1713] {strides = array<i32>} : memref<8192xf32, #tpu.memory_space<vmem>>, vector<16xf32>,
      %add3A_1715 = arith.constant 1.000000e+00 : f32
      %add3A_1716 = vector.broadcast %add3A_1715 : f32 to vector<16xf32>
      %add3A_1717 = arith.addf %get3A_1714, %add3A_1716 : vector<16xf32>
      %mul3A_1718 = arith.constant 3.276750e+04 : f32
      %mul3A_1719 = vector.broadcast %mul3A_1718 : f32 to vector<16xf32>
      %mul3A_1720 = arith.mulf %add3A_1717, %mul3A_1719 : vector<16xf32>
      %convert_element_type3A_1721 = arith.fptosi %mul3A_1720 : vector<16xf32> to vector<16xi32>
      %min3A_1722 = arith.constant 65535 : i32
      %min3A_1723 = vector.broadcast %min3A_1722 : i32 to vector<16xi32>
      %min3A_1724 = arith.minsi %convert_element_type3A_1721, %min3A_1723 : vector<16xi32>
      %max3A_1725 = arith.constant 0 : i32
      %max3A_1726 = vector.broadcast %max3A_1725 : i32 to vector<16xi32>
      %max3A_1727 = arith.maxsi %min3A_1724, %max3A_1726 : vector<16xi32>
      %add3A_1728 = arith.constant 131072 : i32
      %add3A_1729 = vector.broadcast %add3A_1728 : i32 to vector<16xi32>
      %add3A_1730 = arith.addi %max3A_1727, %add3A_1729 : vector<16xi32>
      %swap3A_1731 = arith.constant 8 : i32
      %swap3A_1732 = arith.index_cast %swap3A_1731 : i32 to index
      %swap3A_1733 = arith.constant 112 : index
      %swap3A_1734 = tpu.vector_load %arg10[%swap3A_1732, %swap3A_1733] {strides = array<i32>} : memref<12x128xi32, #tpu.memory_space<vmem>>, vector<16xi32>,
      tpu.vector_store %arg10[%swap3A_1732, %swap3A_1733], %add3A_1730 {strides = array<i32>} : memref<12x128xi32, #tpu.memory_space<vmem>>, vector<16xi32>,
      %add3A_1735 = arith.constant 128 : i32
      %add3A_1736 = arith.addi %mul3A_11, %add3A_1735 : i32
      %get3A_1737 = arith.index_cast %add3A_1736 : i32 to index
      %get3A_1738 = tpu.vector_load %arg9[%get3A_1737] {strides = array<i32>} : memref<8192xf32, #tpu.memory_space<vmem>>, vector<16xf32>,
      %add3A_1739 = arith.constant 1.000000e+00 : f32
      %add3A_1740 = vector.broadcast %add3A_1739 : f32 to vector<16xf32>
      %add3A_1741 = arith.addf %get3A_1738, %add3A_1740 : vector<16xf32>
      %mul3A_1742 = arith.constant 3.276750e+04 : f32
      %mul3A_1743 = vector.broadcast %mul3A_1742 : f32 to vector<16xf32>
      %mul3A_1744 = arith.mulf %add3A_1741, %mul3A_1743 : vector<16xf32>
      %convert_element_type3A_1745 = arith.fptosi %mul3A_1744 : vector<16xf32> to vector<16xi32>
      %min3A_1746 = arith.constant 65535 : i32
      %min3A_1747 = vector.broadcast %min3A_1746 : i32 to vector<16xi32>
      %min3A_1748 = arith.minsi %convert_element_type3A_1745, %min3A_1747 : vector<16xi32>
      %max3A_1749 = arith.constant 0 : i32
      %max3A_1750 = vector.broadcast %max3A_1749 : i32 to vector<16xi32>
      %max3A_1751 = arith.maxsi %min3A_1748, %max3A_1750 : vector<16xi32>
      %add3A_1752 = arith.constant 131072 : i32
      %add3A_1753 = vector.broadcast %add3A_1752 : i32 to vector<16xi32>
      %add3A_1754 = arith.addi %max3A_1751, %add3A_1753 : vector<16xi32>
      %swap3A_1755 = arith.constant 9 : i32
      %swap3A_1756 = arith.index_cast %swap3A_1755 : i32 to index
      %swap3A_1757 = arith.constant 0 : index
      %swap3A_1758 = tpu.vector_load %arg10[%swap3A_1756, %swap3A_1757] {strides = array<i32>} : memref<12x128xi32, #tpu.memory_space<vmem>>, vector<16xi32>,
      tpu.vector_store %arg10[%swap3A_1756, %swap3A_1757], %add3A_1754 {strides = array<i32>} : memref<12x128xi32, #tpu.memory_space<vmem>>, vector<16xi32>,
      %add3A_1759 = arith.constant 144 : i32
      %add3A_1760 = arith.addi %mul3A_11, %add3A_1759 : i32
      %get3A_1761 = arith.index_cast %add3A_1760 : i32 to index
      %get3A_1762 = tpu.vector_load %arg9[%get3A_1761] {strides = array<i32>} : memref<8192xf32, #tpu.memory_space<vmem>>, vector<16xf32>,
      %add3A_1763 = arith.constant 1.000000e+00 : f32
      %add3A_1764 = vector.broadcast %add3A_1763 : f32 to vector<16xf32>
      %add3A_1765 = arith.addf %get3A_1762, %add3A_1764 : vector<16xf32>
      %mul3A_1766 = arith.constant 3.276750e+04 : f32
      %mul3A_1767 = vector.broadcast %mul3A_1766 : f32 to vector<16xf32>
      %mul3A_1768 = arith.mulf %add3A_1765, %mul3A_1767 : vector<16xf32>
      %convert_element_type3A_1769 = arith.fptosi %mul3A_1768 : vector<16xf32> to vector<16xi32>
      %min3A_1770 = arith.constant 65535 : i32
      %min3A_1771 = vector.broadcast %min3A_1770 : i32 to vector<16xi32>
      %min3A_1772 = arith.minsi %convert_element_type3A_1769, %min3A_1771 : vector<16xi32>
      %max3A_1773 = arith.constant 0 : i32
      %max3A_1774 = vector.broadcast %max3A_1773 : i32 to vector<16xi32>
      %max3A_1775 = arith.maxsi %min3A_1772, %max3A_1774 : vector<16xi32>
      %add3A_1776 = arith.constant 131072 : i32
      %add3A_1777 = vector.broadcast %add3A_1776 : i32 to vector<16xi32>
      %add3A_1778 = arith.addi %max3A_1775, %add3A_1777 : vector<16xi32>
      %swap3A_1779 = arith.constant 9 : i32
      %swap3A_1780 = arith.index_cast %swap3A_1779 : i32 to index
      %swap3A_1781 = arith.constant 16 : index
      %swap3A_1782 = tpu.vector_load %arg10[%swap3A_1780, %swap3A_1781] {strides = array<i32>} : memref<12x128xi32, #tpu.memory_space<vmem>>, vector<16xi32>,
      tpu.vector_store %arg10[%swap3A_1780, %swap3A_1781], %add3A_1778 {strides = array<i32>} : memref<12x128xi32, #tpu.memory_space<vmem>>, vector<16xi32>,
      %add3A_1783 = arith.constant 160 : i32
      %add3A_1784 = arith.addi %mul3A_11, %add3A_1783 : i32
      %get3A_1785 = arith.index_cast %add3A_1784 : i32 to index
      %get3A_1786 = tpu.vector_load %arg9[%get3A_1785] {strides = array<i32>} : memref<8192xf32, #tpu.memory_space<vmem>>, vector<16xf32>,
      %add3A_1787 = arith.constant 1.000000e+00 : f32
      %add3A_1788 = vector.broadcast %add3A_1787 : f32 to vector<16xf32>
      %add3A_1789 = arith.addf %get3A_1786, %add3A_1788 : vector<16xf32>
      %mul3A_1790 = arith.constant 3.276750e+04 : f32
      %mul3A_1791 = vector.broadcast %mul3A_1790 : f32 to vector<16xf32>
      %mul3A_1792 = arith.mulf %add3A_1789, %mul3A_1791 : vector<16xf32>
      %convert_element_type3A_1793 = arith.fptosi %mul3A_1792 : vector<16xf32> to vector<16xi32>
      %min3A_1794 = arith.constant 65535 : i32
      %min3A_1795 = vector.broadcast %min3A_1794 : i32 to vector<16xi32>
      %min3A_1796 = arith.minsi %convert_element_type3A_1793, %min3A_1795 : vector<16xi32>
      %max3A_1797 = arith.constant 0 : i32
      %max3A_1798 = vector.broadcast %max3A_1797 : i32 to vector<16xi32>
      %max3A_1799 = arith.maxsi %min3A_1796, %max3A_1798 : vector<16xi32>
      %add3A_1800 = arith.constant 131072 : i32
      %add3A_1801 = vector.broadcast %add3A_1800 : i32 to vector<16xi32>
      %add3A_1802 = arith.addi %max3A_1799, %add3A_1801 : vector<16xi32>
      %swap3A_1803 = arith.constant 9 : i32
      %swap3A_1804 = arith.index_cast %swap3A_1803 : i32 to index
      %swap3A_1805 = arith.constant 32 : index
      %swap3A_1806 = tpu.vector_load %arg10[%swap3A_1804, %swap3A_1805] {strides = array<i32>} : memref<12x128xi32, #tpu.memory_space<vmem>>, vector<16xi32>,
      tpu.vector_store %arg10[%swap3A_1804, %swap3A_1805], %add3A_1802 {strides = array<i32>} : memref<12x128xi32, #tpu.memory_space<vmem>>, vector<16xi32>,
      %add3A_1807 = arith.constant 176 : i32
      %add3A_1808 = arith.addi %mul3A_11, %add3A_1807 : i32
      %get3A_1809 = arith.index_cast %add3A_1808 : i32 to index
      %get3A_1810 = tpu.vector_load %arg9[%get3A_1809] {strides = array<i32>} : memref<8192xf32, #tpu.memory_space<vmem>>, vector<16xf32>,
      %add3A_1811 = arith.constant 1.000000e+00 : f32
      %add3A_1812 = vector.broadcast %add3A_1811 : f32 to vector<16xf32>
      %add3A_1813 = arith.addf %get3A_1810, %add3A_1812 : vector<16xf32>
      %mul3A_1814 = arith.constant 3.276750e+04 : f32
      %mul3A_1815 = vector.broadcast %mul3A_1814 : f32 to vector<16xf32>
      %mul3A_1816 = arith.mulf %add3A_1813, %mul3A_1815 : vector<16xf32>
      %convert_element_type3A_1817 = arith.fptosi %mul3A_1816 : vector<16xf32> to vector<16xi32>
      %min3A_1818 = arith.constant 65535 : i32
      %min3A_1819 = vector.broadcast %min3A_1818 : i32 to vector<16xi32>
      %min3A_1820 = arith.minsi %convert_element_type3A_1817, %min3A_1819 : vector<16xi32>
      %max3A_1821 = arith.constant 0 : i32
      %max3A_1822 = vector.broadcast %max3A_1821 : i32 to vector<16xi32>
      %max3A_1823 = arith.maxsi %min3A_1820, %max3A_1822 : vector<16xi32>
      %add3A_1824 = arith.constant 131072 : i32
      %add3A_1825 = vector.broadcast %add3A_1824 : i32 to vector<16xi32>
      %add3A_1826 = arith.addi %max3A_1823, %add3A_1825 : vector<16xi32>
      %swap3A_1827 = arith.constant 9 : i32
      %swap3A_1828 = arith.index_cast %swap3A_1827 : i32 to index
      %swap3A_1829 = arith.constant 48 : index
      %swap3A_1830 = tpu.vector_load %arg10[%swap3A_1828, %swap3A_1829] {strides = array<i32>} : memref<12x128xi32, #tpu.memory_space<vmem>>, vector<16xi32>,
      tpu.vector_store %arg10[%swap3A_1828, %swap3A_1829], %add3A_1826 {strides = array<i32>} : memref<12x128xi32, #tpu.memory_space<vmem>>, vector<16xi32>,
      %add3A_1831 = arith.constant 192 : i32
      %add3A_1832 = arith.addi %mul3A_11, %add3A_1831 : i32
      %get3A_1833 = arith.index_cast %add3A_1832 : i32 to index
      %get3A_1834 = tpu.vector_load %arg9[%get3A_1833] {strides = array<i32>} : memref<8192xf32, #tpu.memory_space<vmem>>, vector<16xf32>,
      %add3A_1835 = arith.constant 1.000000e+00 : f32
      %add3A_1836 = vector.broadcast %add3A_1835 : f32 to vector<16xf32>
      %add3A_1837 = arith.addf %get3A_1834, %add3A_1836 : vector<16xf32>
      %mul3A_1838 = arith.constant 3.276750e+04 : f32
      %mul3A_1839 = vector.broadcast %mul3A_1838 : f32 to vector<16xf32>
      %mul3A_1840 = arith.mulf %add3A_1837, %mul3A_1839 : vector<16xf32>
      %convert_element_type3A_1841 = arith.fptosi %mul3A_1840 : vector<16xf32> to vector<16xi32>
      %min3A_1842 = arith.constant 65535 : i32
      %min3A_1843 = vector.broadcast %min3A_1842 : i32 to vector<16xi32>
      %min3A_1844 = arith.minsi %convert_element_type3A_1841, %min3A_1843 : vector<16xi32>
      %max3A_1845 = arith.constant 0 : i32
      %max3A_1846 = vector.broadcast %max3A_1845 : i32 to vector<16xi32>
      %max3A_1847 = arith.maxsi %min3A_1844, %max3A_1846 : vector<16xi32>
      %add3A_1848 = arith.constant 131072 : i32
      %add3A_1849 = vector.broadcast %add3A_1848 : i32 to vector<16xi32>
      %add3A_1850 = arith.addi %max3A_1847, %add3A_1849 : vector<16xi32>
      %swap3A_1851 = arith.constant 9 : i32
      %swap3A_1852 = arith.index_cast %swap3A_1851 : i32 to index
      %swap3A_1853 = arith.constant 64 : index
      %swap3A_1854 = tpu.vector_load %arg10[%swap3A_1852, %swap3A_1853] {strides = array<i32>} : memref<12x128xi32, #tpu.memory_space<vmem>>, vector<16xi32>,
      tpu.vector_store %arg10[%swap3A_1852, %swap3A_1853], %add3A_1850 {strides = array<i32>} : memref<12x128xi32, #tpu.memory_space<vmem>>, vector<16xi32>,
      %add3A_1855 = arith.constant 208 : i32
      %add3A_1856 = arith.addi %mul3A_11, %add3A_1855 : i32
      %get3A_1857 = arith.index_cast %add3A_1856 : i32 to index
      %get3A_1858 = tpu.vector_load %arg9[%get3A_1857] {strides = array<i32>} : memref<8192xf32, #tpu.memory_space<vmem>>, vector<16xf32>,
      %add3A_1859 = arith.constant 1.000000e+00 : f32
      %add3A_1860 = vector.broadcast %add3A_1859 : f32 to vector<16xf32>
      %add3A_1861 = arith.addf %get3A_1858, %add3A_1860 : vector<16xf32>
      %mul3A_1862 = arith.constant 3.276750e+04 : f32
      %mul3A_1863 = vector.broadcast %mul3A_1862 : f32 to vector<16xf32>
      %mul3A_1864 = arith.mulf %add3A_1861, %mul3A_1863 : vector<16xf32>
      %convert_element_type3A_1865 = arith.fptosi %mul3A_1864 : vector<16xf32> to vector<16xi32>
      %min3A_1866 = arith.constant 65535 : i32
      %min3A_1867 = vector.broadcast %min3A_1866 : i32 to vector<16xi32>
      %min3A_1868 = arith.minsi %convert_element_type3A_1865, %min3A_1867 : vector<16xi32>
      %max3A_1869 = arith.constant 0 : i32
      %max3A_1870 = vector.broadcast %max3A_1869 : i32 to vector<16xi32>
      %max3A_1871 = arith.maxsi %min3A_1868, %max3A_1870 : vector<16xi32>
      %add3A_1872 = arith.constant 131072 : i32
      %add3A_1873 = vector.broadcast %add3A_1872 : i32 to vector<16xi32>
      %add3A_1874 = arith.addi %max3A_1871, %add3A_1873 : vector<16xi32>
      %swap3A_1875 = arith.constant 9 : i32
      %swap3A_1876 = arith.index_cast %swap3A_1875 : i32 to index
      %swap3A_1877 = arith.constant 80 : index
      %swap3A_1878 = tpu.vector_load %arg10[%swap3A_1876, %swap3A_1877] {strides = array<i32>} : memref<12x128xi32, #tpu.memory_space<vmem>>, vector<16xi32>,
      tpu.vector_store %arg10[%swap3A_1876, %swap3A_1877], %add3A_1874 {strides = array<i32>} : memref<12x128xi32, #tpu.memory_space<vmem>>, vector<16xi32>,
      %add3A_1879 = arith.constant 224 : i32
      %add3A_1880 = arith.addi %mul3A_11, %add3A_1879 : i32
      %get3A_1881 = arith.index_cast %add3A_1880 : i32 to index
      %get3A_1882 = tpu.vector_load %arg9[%get3A_1881] {strides = array<i32>} : memref<8192xf32, #tpu.memory_space<vmem>>, vector<16xf32>,
      %add3A_1883 = arith.constant 1.000000e+00 : f32
      %add3A_1884 = vector.broadcast %add3A_1883 : f32 to vector<16xf32>
      %add3A_1885 = arith.addf %get3A_1882, %add3A_1884 : vector<16xf32>
      %mul3A_1886 = arith.constant 3.276750e+04 : f32
      %mul3A_1887 = vector.broadcast %mul3A_1886 : f32 to vector<16xf32>
      %mul3A_1888 = arith.mulf %add3A_1885, %mul3A_1887 : vector<16xf32>
      %convert_element_type3A_1889 = arith.fptosi %mul3A_1888 : vector<16xf32> to vector<16xi32>
      %min3A_1890 = arith.constant 65535 : i32
      %min3A_1891 = vector.broadcast %min3A_1890 : i32 to vector<16xi32>
      %min3A_1892 = arith.minsi %convert_element_type3A_1889, %min3A_1891 : vector<16xi32>
      %max3A_1893 = arith.constant 0 : i32
      %max3A_1894 = vector.broadcast %max3A_1893 : i32 to vector<16xi32>
      %max3A_1895 = arith.maxsi %min3A_1892, %max3A_1894 : vector<16xi32>
      %add3A_1896 = arith.constant 131072 : i32
      %add3A_1897 = vector.broadcast %add3A_1896 : i32 to vector<16xi32>
      %add3A_1898 = arith.addi %max3A_1895, %add3A_1897 : vector<16xi32>
      %swap3A_1899 = arith.constant 9 : i32
      %swap3A_1900 = arith.index_cast %swap3A_1899 : i32 to index
      %swap3A_1901 = arith.constant 96 : index
      %swap3A_1902 = tpu.vector_load %arg10[%swap3A_1900, %swap3A_1901] {strides = array<i32>} : memref<12x128xi32, #tpu.memory_space<vmem>>, vector<16xi32>,
      tpu.vector_store %arg10[%swap3A_1900, %swap3A_1901], %add3A_1898 {strides = array<i32>} : memref<12x128xi32, #tpu.memory_space<vmem>>, vector<16xi32>,
      %add3A_1903 = arith.constant 240 : i32
      %add3A_1904 = arith.addi %mul3A_11, %add3A_1903 : i32
      %get3A_1905 = arith.index_cast %add3A_1904 : i32 to index
      %get3A_1906 = tpu.vector_load %arg9[%get3A_1905] {strides = array<i32>} : memref<8192xf32, #tpu.memory_space<vmem>>, vector<16xf32>,
      %add3A_1907 = arith.constant 1.000000e+00 : f32
      %add3A_1908 = vector.broadcast %add3A_1907 : f32 to vector<16xf32>
      %add3A_1909 = arith.addf %get3A_1906, %add3A_1908 : vector<16xf32>
      %mul3A_1910 = arith.constant 3.276750e+04 : f32
      %mul3A_1911 = vector.broadcast %mul3A_1910 : f32 to vector<16xf32>
      %mul3A_1912 = arith.mulf %add3A_1909, %mul3A_1911 : vector<16xf32>
      %convert_element_type3A_1913 = arith.fptosi %mul3A_1912 : vector<16xf32> to vector<16xi32>
      %min3A_1914 = arith.constant 65535 : i32
      %min3A_1915 = vector.broadcast %min3A_1914 : i32 to vector<16xi32>
      %min3A_1916 = arith.minsi %convert_element_type3A_1913, %min3A_1915 : vector<16xi32>
      %max3A_1917 = arith.constant 0 : i32
      %max3A_1918 = vector.broadcast %max3A_1917 : i32 to vector<16xi32>
      %max3A_1919 = arith.maxsi %min3A_1916, %max3A_1918 : vector<16xi32>
      %add3A_1920 = arith.constant 131072 : i32
      %add3A_1921 = vector.broadcast %add3A_1920 : i32 to vector<16xi32>
      %add3A_1922 = arith.addi %max3A_1919, %add3A_1921 : vector<16xi32>
      %swap3A_1923 = arith.constant 9 : i32
      %swap3A_1924 = arith.index_cast %swap3A_1923 : i32 to index
      %swap3A_1925 = arith.constant 112 : index
      %swap3A_1926 = tpu.vector_load %arg10[%swap3A_1924, %swap3A_1925] {strides = array<i32>} : memref<12x128xi32, #tpu.memory_space<vmem>>, vector<16xi32>,
      tpu.vector_store %arg10[%swap3A_1924, %swap3A_1925], %add3A_1922 {strides = array<i32>} : memref<12x128xi32, #tpu.memory_space<vmem>>, vector<16xi32>,
      %add3A_1927 = arith.constant 256 : i32
      %add3A_1928 = arith.addi %mul3A_11, %add3A_1927 : i32
      %get3A_1929 = arith.index_cast %add3A_1928 : i32 to index
      %get3A_1930 = tpu.vector_load %arg9[%get3A_1929] {strides = array<i32>} : memref<8192xf32, #tpu.memory_space<vmem>>, vector<16xf32>,
      %add3A_1931 = arith.constant 1.000000e+00 : f32
      %add3A_1932 = vector.broadcast %add3A_1931 : f32 to vector<16xf32>
      %add3A_1933 = arith.addf %get3A_1930, %add3A_1932 : vector<16xf32>
      %mul3A_1934 = arith.constant 3.276750e+04 : f32
      %mul3A_1935 = vector.broadcast %mul3A_1934 : f32 to vector<16xf32>
      %mul3A_1936 = arith.mulf %add3A_1933, %mul3A_1935 : vector<16xf32>
      %convert_element_type3A_1937 = arith.fptosi %mul3A_1936 : vector<16xf32> to vector<16xi32>
      %min3A_1938 = arith.constant 65535 : i32
      %min3A_1939 = vector.broadcast %min3A_1938 : i32 to vector<16xi32>
      %min3A_1940 = arith.minsi %convert_element_type3A_1937, %min3A_1939 : vector<16xi32>
      %max3A_1941 = arith.constant 0 : i32
      %max3A_1942 = vector.broadcast %max3A_1941 : i32 to vector<16xi32>
      %max3A_1943 = arith.maxsi %min3A_1940, %max3A_1942 : vector<16xi32>
      %add3A_1944 = arith.constant 131072 : i32
      %add3A_1945 = vector.broadcast %add3A_1944 : i32 to vector<16xi32>
      %add3A_1946 = arith.addi %max3A_1943, %add3A_1945 : vector<16xi32>
      %swap3A_1947 = arith.constant 10 : i32
      %swap3A_1948 = arith.index_cast %swap3A_1947 : i32 to index
      %swap3A_1949 = arith.constant 0 : index
      %swap3A_1950 = tpu.vector_load %arg10[%swap3A_1948, %swap3A_1949] {strides = array<i32>} : memref<12x128xi32, #tpu.memory_space<vmem>>, vector<16xi32>,
      tpu.vector_store %arg10[%swap3A_1948, %swap3A_1949], %add3A_1946 {strides = array<i32>} : memref<12x128xi32, #tpu.memory_space<vmem>>, vector<16xi32>,
      %add3A_1951 = arith.constant 272 : i32
      %add3A_1952 = arith.addi %mul3A_11, %add3A_1951 : i32
      %get3A_1953 = arith.index_cast %add3A_1952 : i32 to index
      %get3A_1954 = tpu.vector_load %arg9[%get3A_1953] {strides = array<i32>} : memref<8192xf32, #tpu.memory_space<vmem>>, vector<16xf32>,
      %add3A_1955 = arith.constant 1.000000e+00 : f32
      %add3A_1956 = vector.broadcast %add3A_1955 : f32 to vector<16xf32>
      %add3A_1957 = arith.addf %get3A_1954, %add3A_1956 : vector<16xf32>
      %mul3A_1958 = arith.constant 3.276750e+04 : f32
      %mul3A_1959 = vector.broadcast %mul3A_1958 : f32 to vector<16xf32>
      %mul3A_1960 = arith.mulf %add3A_1957, %mul3A_1959 : vector<16xf32>
      %convert_element_type3A_1961 = arith.fptosi %mul3A_1960 : vector<16xf32> to vector<16xi32>
      %min3A_1962 = arith.constant 65535 : i32
      %min3A_1963 = vector.broadcast %min3A_1962 : i32 to vector<16xi32>
      %min3A_1964 = arith.minsi %convert_element_type3A_1961, %min3A_1963 : vector<16xi32>
      %max3A_1965 = arith.constant 0 : i32
      %max3A_1966 = vector.broadcast %max3A_1965 : i32 to vector<16xi32>
      %max3A_1967 = arith.maxsi %min3A_1964, %max3A_1966 : vector<16xi32>
      %add3A_1968 = arith.constant 131072 : i32
      %add3A_1969 = vector.broadcast %add3A_1968 : i32 to vector<16xi32>
      %add3A_1970 = arith.addi %max3A_1967, %add3A_1969 : vector<16xi32>
      %swap3A_1971 = arith.constant 10 : i32
      %swap3A_1972 = arith.index_cast %swap3A_1971 : i32 to index
      %swap3A_1973 = arith.constant 16 : index
      %swap3A_1974 = tpu.vector_load %arg10[%swap3A_1972, %swap3A_1973] {strides = array<i32>} : memref<12x128xi32, #tpu.memory_space<vmem>>, vector<16xi32>,
      tpu.vector_store %arg10[%swap3A_1972, %swap3A_1973], %add3A_1970 {strides = array<i32>} : memref<12x128xi32, #tpu.memory_space<vmem>>, vector<16xi32>,
      %add3A_1975 = arith.constant 288 : i32
      %add3A_1976 = arith.addi %mul3A_11, %add3A_1975 : i32
      %get3A_1977 = arith.index_cast %add3A_1976 : i32 to index
      %get3A_1978 = tpu.vector_load %arg9[%get3A_1977] {strides = array<i32>} : memref<8192xf32, #tpu.memory_space<vmem>>, vector<16xf32>,
      %add3A_1979 = arith.constant 1.000000e+00 : f32
      %add3A_1980 = vector.broadcast %add3A_1979 : f32 to vector<16xf32>
      %add3A_1981 = arith.addf %get3A_1978, %add3A_1980 : vector<16xf32>
      %mul3A_1982 = arith.constant 3.276750e+04 : f32
      %mul3A_1983 = vector.broadcast %mul3A_1982 : f32 to vector<16xf32>
      %mul3A_1984 = arith.mulf %add3A_1981, %mul3A_1983 : vector<16xf32>
      %convert_element_type3A_1985 = arith.fptosi %mul3A_1984 : vector<16xf32> to vector<16xi32>
      %min3A_1986 = arith.constant 65535 : i32
      %min3A_1987 = vector.broadcast %min3A_1986 : i32 to vector<16xi32>
      %min3A_1988 = arith.minsi %convert_element_type3A_1985, %min3A_1987 : vector<16xi32>
      %max3A_1989 = arith.constant 0 : i32
      %max3A_1990 = vector.broadcast %max3A_1989 : i32 to vector<16xi32>
      %max3A_1991 = arith.maxsi %min3A_1988, %max3A_1990 : vector<16xi32>
      %add3A_1992 = arith.constant 131072 : i32
      %add3A_1993 = vector.broadcast %add3A_1992 : i32 to vector<16xi32>
      %add3A_1994 = arith.addi %max3A_1991, %add3A_1993 : vector<16xi32>
      %swap3A_1995 = arith.constant 10 : i32
      %swap3A_1996 = arith.index_cast %swap3A_1995 : i32 to index
      %swap3A_1997 = arith.constant 32 : index
      %swap3A_1998 = tpu.vector_load %arg10[%swap3A_1996, %swap3A_1997] {strides = array<i32>} : memref<12x128xi32, #tpu.memory_space<vmem>>, vector<16xi32>,
      tpu.vector_store %arg10[%swap3A_1996, %swap3A_1997], %add3A_1994 {strides = array<i32>} : memref<12x128xi32, #tpu.memory_space<vmem>>, vector<16xi32>,
      %add3A_1999 = arith.constant 304 : i32
      %add3A_2000 = arith.addi %mul3A_11, %add3A_1999 : i32
      %get3A_2001 = arith.index_cast %add3A_2000 : i32 to index
      %get3A_2002 = tpu.vector_load %arg9[%get3A_2001] {strides = array<i32>} : memref<8192xf32, #tpu.memory_space<vmem>>, vector<16xf32>,
      %add3A_2003 = arith.constant 1.000000e+00 : f32
      %add3A_2004 = vector.broadcast %add3A_2003 : f32 to vector<16xf32>
      %add3A_2005 = arith.addf %get3A_2002, %add3A_2004 : vector<16xf32>
      %mul3A_2006 = arith.constant 3.276750e+04 : f32
      %mul3A_2007 = vector.broadcast %mul3A_2006 : f32 to vector<16xf32>
      %mul3A_2008 = arith.mulf %add3A_2005, %mul3A_2007 : vector<16xf32>
      %convert_element_type3A_2009 = arith.fptosi %mul3A_2008 : vector<16xf32> to vector<16xi32>
      %min3A_2010 = arith.constant 65535 : i32
      %min3A_2011 = vector.broadcast %min3A_2010 : i32 to vector<16xi32>
      %min3A_2012 = arith.minsi %convert_element_type3A_2009, %min3A_2011 : vector<16xi32>
      %max3A_2013 = arith.constant 0 : i32
      %max3A_2014 = vector.broadcast %max3A_2013 : i32 to vector<16xi32>
      %max3A_2015 = arith.maxsi %min3A_2012, %max3A_2014 : vector<16xi32>
      %add3A_2016 = arith.constant 131072 : i32
      %add3A_2017 = vector.broadcast %add3A_2016 : i32 to vector<16xi32>
      %add3A_2018 = arith.addi %max3A_2015, %add3A_2017 : vector<16xi32>
      %swap3A_2019 = arith.constant 10 : i32
      %swap3A_2020 = arith.index_cast %swap3A_2019 : i32 to index
      %swap3A_2021 = arith.constant 48 : index
      %swap3A_2022 = tpu.vector_load %arg10[%swap3A_2020, %swap3A_2021] {strides = array<i32>} : memref<12x128xi32, #tpu.memory_space<vmem>>, vector<16xi32>,
      tpu.vector_store %arg10[%swap3A_2020, %swap3A_2021], %add3A_2018 {strides = array<i32>} : memref<12x128xi32, #tpu.memory_space<vmem>>, vector<16xi32>,
      %add3A_2023 = arith.constant 320 : i32
      %add3A_2024 = arith.addi %mul3A_11, %add3A_2023 : i32
      %get3A_2025 = arith.index_cast %add3A_2024 : i32 to index
      %get3A_2026 = tpu.vector_load %arg9[%get3A_2025] {strides = array<i32>} : memref<8192xf32, #tpu.memory_space<vmem>>, vector<16xf32>,
      %add3A_2027 = arith.constant 1.000000e+00 : f32
      %add3A_2028 = vector.broadcast %add3A_2027 : f32 to vector<16xf32>
      %add3A_2029 = arith.addf %get3A_2026, %add3A_2028 : vector<16xf32>
      %mul3A_2030 = arith.constant 3.276750e+04 : f32
      %mul3A_2031 = vector.broadcast %mul3A_2030 : f32 to vector<16xf32>
      %mul3A_2032 = arith.mulf %add3A_2029, %mul3A_2031 : vector<16xf32>
      %convert_element_type3A_2033 = arith.fptosi %mul3A_2032 : vector<16xf32> to vector<16xi32>
      %min3A_2034 = arith.constant 65535 : i32
      %min3A_2035 = vector.broadcast %min3A_2034 : i32 to vector<16xi32>
      %min3A_2036 = arith.minsi %convert_element_type3A_2033, %min3A_2035 : vector<16xi32>
      %max3A_2037 = arith.constant 0 : i32
      %max3A_2038 = vector.broadcast %max3A_2037 : i32 to vector<16xi32>
      %max3A_2039 = arith.maxsi %min3A_2036, %max3A_2038 : vector<16xi32>
      %add3A_2040 = arith.constant 131072 : i32
      %add3A_2041 = vector.broadcast %add3A_2040 : i32 to vector<16xi32>
      %add3A_2042 = arith.addi %max3A_2039, %add3A_2041 : vector<16xi32>
      %swap3A_2043 = arith.constant 10 : i32
      %swap3A_2044 = arith.index_cast %swap3A_2043 : i32 to index
      %swap3A_2045 = arith.constant 64 : index
      %swap3A_2046 = tpu.vector_load %arg10[%swap3A_2044, %swap3A_2045] {strides = array<i32>} : memref<12x128xi32, #tpu.memory_space<vmem>>, vector<16xi32>,
      tpu.vector_store %arg10[%swap3A_2044, %swap3A_2045], %add3A_2042 {strides = array<i32>} : memref<12x128xi32, #tpu.memory_space<vmem>>, vector<16xi32>,
      %add3A_2047 = arith.constant 336 : i32
      %add3A_2048 = arith.addi %mul3A_11, %add3A_2047 : i32
      %get3A_2049 = arith.index_cast %add3A_2048 : i32 to index
      %get3A_2050 = tpu.vector_load %arg9[%get3A_2049] {strides = array<i32>} : memref<8192xf32, #tpu.memory_space<vmem>>, vector<16xf32>,
      %add3A_2051 = arith.constant 1.000000e+00 : f32
      %add3A_2052 = vector.broadcast %add3A_2051 : f32 to vector<16xf32>
      %add3A_2053 = arith.addf %get3A_2050, %add3A_2052 : vector<16xf32>
      %mul3A_2054 = arith.constant 3.276750e+04 : f32
      %mul3A_2055 = vector.broadcast %mul3A_2054 : f32 to vector<16xf32>
      %mul3A_2056 = arith.mulf %add3A_2053, %mul3A_2055 : vector<16xf32>
      %convert_element_type3A_2057 = arith.fptosi %mul3A_2056 : vector<16xf32> to vector<16xi32>
      %min3A_2058 = arith.constant 65535 : i32
      %min3A_2059 = vector.broadcast %min3A_2058 : i32 to vector<16xi32>
      %min3A_2060 = arith.minsi %convert_element_type3A_2057, %min3A_2059 : vector<16xi32>
      %max3A_2061 = arith.constant 0 : i32
      %max3A_2062 = vector.broadcast %max3A_2061 : i32 to vector<16xi32>
      %max3A_2063 = arith.maxsi %min3A_2060, %max3A_2062 : vector<16xi32>
      %add3A_2064 = arith.constant 131072 : i32
      %add3A_2065 = vector.broadcast %add3A_2064 : i32 to vector<16xi32>
      %add3A_2066 = arith.addi %max3A_2063, %add3A_2065 : vector<16xi32>
      %swap3A_2067 = arith.constant 10 : i32
      %swap3A_2068 = arith.index_cast %swap3A_2067 : i32 to index
      %swap3A_2069 = arith.constant 80 : index
      %swap3A_2070 = tpu.vector_load %arg10[%swap3A_2068, %swap3A_2069] {strides = array<i32>} : memref<12x128xi32, #tpu.memory_space<vmem>>, vector<16xi32>,
      tpu.vector_store %arg10[%swap3A_2068, %swap3A_2069], %add3A_2066 {strides = array<i32>} : memref<12x128xi32, #tpu.memory_space<vmem>>, vector<16xi32>,
      %add3A_2071 = arith.constant 352 : i32
      %add3A_2072 = arith.addi %mul3A_11, %add3A_2071 : i32
      %get3A_2073 = arith.index_cast %add3A_2072 : i32 to index
      %get3A_2074 = tpu.vector_load %arg9[%get3A_2073] {strides = array<i32>} : memref<8192xf32, #tpu.memory_space<vmem>>, vector<16xf32>,
      %add3A_2075 = arith.constant 1.000000e+00 : f32
      %add3A_2076 = vector.broadcast %add3A_2075 : f32 to vector<16xf32>
      %add3A_2077 = arith.addf %get3A_2074, %add3A_2076 : vector<16xf32>
      %mul3A_2078 = arith.constant 3.276750e+04 : f32
      %mul3A_2079 = vector.broadcast %mul3A_2078 : f32 to vector<16xf32>
      %mul3A_2080 = arith.mulf %add3A_2077, %mul3A_2079 : vector<16xf32>
      %convert_element_type3A_2081 = arith.fptosi %mul3A_2080 : vector<16xf32> to vector<16xi32>
      %min3A_2082 = arith.constant 65535 : i32
      %min3A_2083 = vector.broadcast %min3A_2082 : i32 to vector<16xi32>
      %min3A_2084 = arith.minsi %convert_element_type3A_2081, %min3A_2083 : vector<16xi32>
      %max3A_2085 = arith.constant 0 : i32
      %max3A_2086 = vector.broadcast %max3A_2085 : i32 to vector<16xi32>
      %max3A_2087 = arith.maxsi %min3A_2084, %max3A_2086 : vector<16xi32>
      %add3A_2088 = arith.constant 131072 : i32
      %add3A_2089 = vector.broadcast %add3A_2088 : i32 to vector<16xi32>
      %add3A_2090 = arith.addi %max3A_2087, %add3A_2089 : vector<16xi32>
      %swap3A_2091 = arith.constant 10 : i32
      %swap3A_2092 = arith.index_cast %swap3A_2091 : i32 to index
      %swap3A_2093 = arith.constant 96 : index
      %swap3A_2094 = tpu.vector_load %arg10[%swap3A_2092, %swap3A_2093] {strides = array<i32>} : memref<12x128xi32, #tpu.memory_space<vmem>>, vector<16xi32>,
      tpu.vector_store %arg10[%swap3A_2092, %swap3A_2093], %add3A_2090 {strides = array<i32>} : memref<12x128xi32, #tpu.memory_space<vmem>>, vector<16xi32>,
      %add3A_2095 = arith.constant 368 : i32
      %add3A_2096 = arith.addi %mul3A_11, %add3A_2095 : i32
      %get3A_2097 = arith.index_cast %add3A_2096 : i32 to index
      %get3A_2098 = tpu.vector_load %arg9[%get3A_2097] {strides = array<i32>} : memref<8192xf32, #tpu.memory_space<vmem>>, vector<16xf32>,
      %add3A_2099 = arith.constant 1.000000e+00 : f32
      %add3A_2100 = vector.broadcast %add3A_2099 : f32 to vector<16xf32>
      %add3A_2101 = arith.addf %get3A_2098, %add3A_2100 : vector<16xf32>
      %mul3A_2102 = arith.constant 3.276750e+04 : f32
      %mul3A_2103 = vector.broadcast %mul3A_2102 : f32 to vector<16xf32>
      %mul3A_2104 = arith.mulf %add3A_2101, %mul3A_2103 : vector<16xf32>
      %convert_element_type3A_2105 = arith.fptosi %mul3A_2104 : vector<16xf32> to vector<16xi32>
      %min3A_2106 = arith.constant 65535 : i32
      %min3A_2107 = vector.broadcast %min3A_2106 : i32 to vector<16xi32>
      %min3A_2108 = arith.minsi %convert_element_type3A_2105, %min3A_2107 : vector<16xi32>
      %max3A_2109 = arith.constant 0 : i32
      %max3A_2110 = vector.broadcast %max3A_2109 : i32 to vector<16xi32>
      %max3A_2111 = arith.maxsi %min3A_2108, %max3A_2110 : vector<16xi32>
      %add3A_2112 = arith.constant 131072 : i32
      %add3A_2113 = vector.broadcast %add3A_2112 : i32 to vector<16xi32>
      %add3A_2114 = arith.addi %max3A_2111, %add3A_2113 : vector<16xi32>
      %swap3A_2115 = arith.constant 10 : i32
      %swap3A_2116 = arith.index_cast %swap3A_2115 : i32 to index
      %swap3A_2117 = arith.constant 112 : index
      %swap3A_2118 = tpu.vector_load %arg10[%swap3A_2116, %swap3A_2117] {strides = array<i32>} : memref<12x128xi32, #tpu.memory_space<vmem>>, vector<16xi32>,
      tpu.vector_store %arg10[%swap3A_2116, %swap3A_2117], %add3A_2114 {strides = array<i32>} : memref<12x128xi32, #tpu.memory_space<vmem>>, vector<16xi32>,
      %add3A_2119 = arith.constant 384 : i32
      %add3A_2120 = arith.addi %mul3A_11, %add3A_2119 : i32
      %get3A_2121 = arith.index_cast %add3A_2120 : i32 to index
      %get3A_2122 = tpu.vector_load %arg9[%get3A_2121] {strides = array<i32>} : memref<8192xf32, #tpu.memory_space<vmem>>, vector<16xf32>,
      %add3A_2123 = arith.constant 1.000000e+00 : f32
      %add3A_2124 = vector.broadcast %add3A_2123 : f32 to vector<16xf32>
      %add3A_2125 = arith.addf %get3A_2122, %add3A_2124 : vector<16xf32>
      %mul3A_2126 = arith.constant 3.276750e+04 : f32
      %mul3A_2127 = vector.broadcast %mul3A_2126 : f32 to vector<16xf32>
      %mul3A_2128 = arith.mulf %add3A_2125, %mul3A_2127 : vector<16xf32>
      %convert_element_type3A_2129 = arith.fptosi %mul3A_2128 : vector<16xf32> to vector<16xi32>
      %min3A_2130 = arith.constant 65535 : i32
      %min3A_2131 = vector.broadcast %min3A_2130 : i32 to vector<16xi32>
      %min3A_2132 = arith.minsi %convert_element_type3A_2129, %min3A_2131 : vector<16xi32>
      %max3A_2133 = arith.constant 0 : i32
      %max3A_2134 = vector.broadcast %max3A_2133 : i32 to vector<16xi32>
      %max3A_2135 = arith.maxsi %min3A_2132, %max3A_2134 : vector<16xi32>
      %add3A_2136 = arith.constant 131072 : i32
      %add3A_2137 = vector.broadcast %add3A_2136 : i32 to vector<16xi32>
      %add3A_2138 = arith.addi %max3A_2135, %add3A_2137 : vector<16xi32>
      %swap3A_2139 = arith.constant 11 : i32
      %swap3A_2140 = arith.index_cast %swap3A_2139 : i32 to index
      %swap3A_2141 = arith.constant 0 : index
      %swap3A_2142 = tpu.vector_load %arg10[%swap3A_2140, %swap3A_2141] {strides = array<i32>} : memref<12x128xi32, #tpu.memory_space<vmem>>, vector<16xi32>,
      tpu.vector_store %arg10[%swap3A_2140, %swap3A_2141], %add3A_2138 {strides = array<i32>} : memref<12x128xi32, #tpu.memory_space<vmem>>, vector<16xi32>,
      %add3A_2143 = arith.constant 400 : i32
      %add3A_2144 = arith.addi %mul3A_11, %add3A_2143 : i32
      %get3A_2145 = arith.index_cast %add3A_2144 : i32 to index
      %get3A_2146 = tpu.vector_load %arg9[%get3A_2145] {strides = array<i32>} : memref<8192xf32, #tpu.memory_space<vmem>>, vector<16xf32>,
      %add3A_2147 = arith.constant 1.000000e+00 : f32
      %add3A_2148 = vector.broadcast %add3A_2147 : f32 to vector<16xf32>
      %add3A_2149 = arith.addf %get3A_2146, %add3A_2148 : vector<16xf32>
      %mul3A_2150 = arith.constant 3.276750e+04 : f32
      %mul3A_2151 = vector.broadcast %mul3A_2150 : f32 to vector<16xf32>
      %mul3A_2152 = arith.mulf %add3A_2149, %mul3A_2151 : vector<16xf32>
      %convert_element_type3A_2153 = arith.fptosi %mul3A_2152 : vector<16xf32> to vector<16xi32>
      %min3A_2154 = arith.constant 65535 : i32
      %min3A_2155 = vector.broadcast %min3A_2154 : i32 to vector<16xi32>
      %min3A_2156 = arith.minsi %convert_element_type3A_2153, %min3A_2155 : vector<16xi32>
      %max3A_2157 = arith.constant 0 : i32
      %max3A_2158 = vector.broadcast %max3A_2157 : i32 to vector<16xi32>
      %max3A_2159 = arith.maxsi %min3A_2156, %max3A_2158 : vector<16xi32>
      %add3A_2160 = arith.constant 131072 : i32
      %add3A_2161 = vector.broadcast %add3A_2160 : i32 to vector<16xi32>
      %add3A_2162 = arith.addi %max3A_2159, %add3A_2161 : vector<16xi32>
      %swap3A_2163 = arith.constant 11 : i32
      %swap3A_2164 = arith.index_cast %swap3A_2163 : i32 to index
      %swap3A_2165 = arith.constant 16 : index
      %swap3A_2166 = tpu.vector_load %arg10[%swap3A_2164, %swap3A_2165] {strides = array<i32>} : memref<12x128xi32, #tpu.memory_space<vmem>>, vector<16xi32>,
      tpu.vector_store %arg10[%swap3A_2164, %swap3A_2165], %add3A_2162 {strides = array<i32>} : memref<12x128xi32, #tpu.memory_space<vmem>>, vector<16xi32>,
      %add3A_2167 = arith.constant 416 : i32
      %add3A_2168 = arith.addi %mul3A_11, %add3A_2167 : i32
      %get3A_2169 = arith.index_cast %add3A_2168 : i32 to index
      %get3A_2170 = tpu.vector_load %arg9[%get3A_2169] {strides = array<i32>} : memref<8192xf32, #tpu.memory_space<vmem>>, vector<16xf32>,
      %add3A_2171 = arith.constant 1.000000e+00 : f32
      %add3A_2172 = vector.broadcast %add3A_2171 : f32 to vector<16xf32>
      %add3A_2173 = arith.addf %get3A_2170, %add3A_2172 : vector<16xf32>
      %mul3A_2174 = arith.constant 3.276750e+04 : f32
      %mul3A_2175 = vector.broadcast %mul3A_2174 : f32 to vector<16xf32>
      %mul3A_2176 = arith.mulf %add3A_2173, %mul3A_2175 : vector<16xf32>
      %convert_element_type3A_2177 = arith.fptosi %mul3A_2176 : vector<16xf32> to vector<16xi32>
      %min3A_2178 = arith.constant 65535 : i32
      %min3A_2179 = vector.broadcast %min3A_2178 : i32 to vector<16xi32>
      %min3A_2180 = arith.minsi %convert_element_type3A_2177, %min3A_2179 : vector<16xi32>
      %max3A_2181 = arith.constant 0 : i32
      %max3A_2182 = vector.broadcast %max3A_2181 : i32 to vector<16xi32>
      %max3A_2183 = arith.maxsi %min3A_2180, %max3A_2182 : vector<16xi32>
      %add3A_2184 = arith.constant 131072 : i32
      %add3A_2185 = vector.broadcast %add3A_2184 : i32 to vector<16xi32>
      %add3A_2186 = arith.addi %max3A_2183, %add3A_2185 : vector<16xi32>
      %swap3A_2187 = arith.constant 11 : i32
      %swap3A_2188 = arith.index_cast %swap3A_2187 : i32 to index
      %swap3A_2189 = arith.constant 32 : index
      %swap3A_2190 = tpu.vector_load %arg10[%swap3A_2188, %swap3A_2189] {strides = array<i32>} : memref<12x128xi32, #tpu.memory_space<vmem>>, vector<16xi32>,
      tpu.vector_store %arg10[%swap3A_2188, %swap3A_2189], %add3A_2186 {strides = array<i32>} : memref<12x128xi32, #tpu.memory_space<vmem>>, vector<16xi32>,
      %add3A_2191 = arith.constant 432 : i32
      %add3A_2192 = arith.addi %mul3A_11, %add3A_2191 : i32
      %get3A_2193 = arith.index_cast %add3A_2192 : i32 to index
      %get3A_2194 = tpu.vector_load %arg9[%get3A_2193] {strides = array<i32>} : memref<8192xf32, #tpu.memory_space<vmem>>, vector<16xf32>,
      %add3A_2195 = arith.constant 1.000000e+00 : f32
      %add3A_2196 = vector.broadcast %add3A_2195 : f32 to vector<16xf32>
      %add3A_2197 = arith.addf %get3A_2194, %add3A_2196 : vector<16xf32>
      %mul3A_2198 = arith.constant 3.276750e+04 : f32
      %mul3A_2199 = vector.broadcast %mul3A_2198 : f32 to vector<16xf32>
      %mul3A_2200 = arith.mulf %add3A_2197, %mul3A_2199 : vector<16xf32>
      %convert_element_type3A_2201 = arith.fptosi %mul3A_2200 : vector<16xf32> to vector<16xi32>
      %min3A_2202 = arith.constant 65535 : i32
      %min3A_2203 = vector.broadcast %min3A_2202 : i32 to vector<16xi32>
      %min3A_2204 = arith.minsi %convert_element_type3A_2201, %min3A_2203 : vector<16xi32>
      %max3A_2205 = arith.constant 0 : i32
      %max3A_2206 = vector.broadcast %max3A_2205 : i32 to vector<16xi32>
      %max3A_2207 = arith.maxsi %min3A_2204, %max3A_2206 : vector<16xi32>
      %add3A_2208 = arith.constant 131072 : i32
      %add3A_2209 = vector.broadcast %add3A_2208 : i32 to vector<16xi32>
      %add3A_2210 = arith.addi %max3A_2207, %add3A_2209 : vector<16xi32>
      %swap3A_2211 = arith.constant 11 : i32
      %swap3A_2212 = arith.index_cast %swap3A_2211 : i32 to index
      %swap3A_2213 = arith.constant 48 : index
      %swap3A_2214 = tpu.vector_load %arg10[%swap3A_2212, %swap3A_2213] {strides = array<i32>} : memref<12x128xi32, #tpu.memory_space<vmem>>, vector<16xi32>,
      tpu.vector_store %arg10[%swap3A_2212, %swap3A_2213], %add3A_2210 {strides = array<i32>} : memref<12x128xi32, #tpu.memory_space<vmem>>, vector<16xi32>,
      %add3A_2215 = arith.constant 448 : i32
      %add3A_2216 = arith.addi %mul3A_11, %add3A_2215 : i32
      %get3A_2217 = arith.index_cast %add3A_2216 : i32 to index
      %get3A_2218 = tpu.vector_load %arg9[%get3A_2217] {strides = array<i32>} : memref<8192xf32, #tpu.memory_space<vmem>>, vector<16xf32>,
      %add3A_2219 = arith.constant 1.000000e+00 : f32
      %add3A_2220 = vector.broadcast %add3A_2219 : f32 to vector<16xf32>
      %add3A_2221 = arith.addf %get3A_2218, %add3A_2220 : vector<16xf32>
      %mul3A_2222 = arith.constant 3.276750e+04 : f32
      %mul3A_2223 = vector.broadcast %mul3A_2222 : f32 to vector<16xf32>
      %mul3A_2224 = arith.mulf %add3A_2221, %mul3A_2223 : vector<16xf32>
      %convert_element_type3A_2225 = arith.fptosi %mul3A_2224 : vector<16xf32> to vector<16xi32>
      %min3A_2226 = arith.constant 65535 : i32
      %min3A_2227 = vector.broadcast %min3A_2226 : i32 to vector<16xi32>
      %min3A_2228 = arith.minsi %convert_element_type3A_2225, %min3A_2227 : vector<16xi32>
      %max3A_2229 = arith.constant 0 : i32
      %max3A_2230 = vector.broadcast %max3A_2229 : i32 to vector<16xi32>
      %max3A_2231 = arith.maxsi %min3A_2228, %max3A_2230 : vector<16xi32>
      %add3A_2232 = arith.constant 131072 : i32
      %add3A_2233 = vector.broadcast %add3A_2232 : i32 to vector<16xi32>
      %add3A_2234 = arith.addi %max3A_2231, %add3A_2233 : vector<16xi32>
      %swap3A_2235 = arith.constant 11 : i32
      %swap3A_2236 = arith.index_cast %swap3A_2235 : i32 to index
      %swap3A_2237 = arith.constant 64 : index
      %swap3A_2238 = tpu.vector_load %arg10[%swap3A_2236, %swap3A_2237] {strides = array<i32>} : memref<12x128xi32, #tpu.memory_space<vmem>>, vector<16xi32>,
      tpu.vector_store %arg10[%swap3A_2236, %swap3A_2237], %add3A_2234 {strides = array<i32>} : memref<12x128xi32, #tpu.memory_space<vmem>>, vector<16xi32>,
      %add3A_2239 = arith.constant 464 : i32
      %add3A_2240 = arith.addi %mul3A_11, %add3A_2239 : i32
      %get3A_2241 = arith.index_cast %add3A_2240 : i32 to index
      %get3A_2242 = tpu.vector_load %arg9[%get3A_2241] {strides = array<i32>} : memref<8192xf32, #tpu.memory_space<vmem>>, vector<16xf32>,
      %add3A_2243 = arith.constant 1.000000e+00 : f32
      %add3A_2244 = vector.broadcast %add3A_2243 : f32 to vector<16xf32>
      %add3A_2245 = arith.addf %get3A_2242, %add3A_2244 : vector<16xf32>
      %mul3A_2246 = arith.constant 3.276750e+04 : f32
      %mul3A_2247 = vector.broadcast %mul3A_2246 : f32 to vector<16xf32>
      %mul3A_2248 = arith.mulf %add3A_2245, %mul3A_2247 : vector<16xf32>
      %convert_element_type3A_2249 = arith.fptosi %mul3A_2248 : vector<16xf32> to vector<16xi32>
      %min3A_2250 = arith.constant 65535 : i32
      %min3A_2251 = vector.broadcast %min3A_2250 : i32 to vector<16xi32>
      %min3A_2252 = arith.minsi %convert_element_type3A_2249, %min3A_2251 : vector<16xi32>
      %max3A_2253 = arith.constant 0 : i32
      %max3A_2254 = vector.broadcast %max3A_2253 : i32 to vector<16xi32>
      %max3A_2255 = arith.maxsi %min3A_2252, %max3A_2254 : vector<16xi32>
      %add3A_2256 = arith.constant 131072 : i32
      %add3A_2257 = vector.broadcast %add3A_2256 : i32 to vector<16xi32>
      %add3A_2258 = arith.addi %max3A_2255, %add3A_2257 : vector<16xi32>
      %swap3A_2259 = arith.constant 11 : i32
      %swap3A_2260 = arith.index_cast %swap3A_2259 : i32 to index
      %swap3A_2261 = arith.constant 80 : index
      %swap3A_2262 = tpu.vector_load %arg10[%swap3A_2260, %swap3A_2261] {strides = array<i32>} : memref<12x128xi32, #tpu.memory_space<vmem>>, vector<16xi32>,
      tpu.vector_store %arg10[%swap3A_2260, %swap3A_2261], %add3A_2258 {strides = array<i32>} : memref<12x128xi32, #tpu.memory_space<vmem>>, vector<16xi32>,
      %add3A_2263 = arith.constant 480 : i32
      %add3A_2264 = arith.addi %mul3A_11, %add3A_2263 : i32
      %get3A_2265 = arith.index_cast %add3A_2264 : i32 to index
      %get3A_2266 = tpu.vector_load %arg9[%get3A_2265] {strides = array<i32>} : memref<8192xf32, #tpu.memory_space<vmem>>, vector<16xf32>,
      %add3A_2267 = arith.constant 1.000000e+00 : f32
      %add3A_2268 = vector.broadcast %add3A_2267 : f32 to vector<16xf32>
      %add3A_2269 = arith.addf %get3A_2266, %add3A_2268 : vector<16xf32>
      %mul3A_2270 = arith.constant 3.276750e+04 : f32
      %mul3A_2271 = vector.broadcast %mul3A_2270 : f32 to vector<16xf32>
      %mul3A_2272 = arith.mulf %add3A_2269, %mul3A_2271 : vector<16xf32>
      %convert_element_type3A_2273 = arith.fptosi %mul3A_2272 : vector<16xf32> to vector<16xi32>
      %min3A_2274 = arith.constant 65535 : i32
      %min3A_2275 = vector.broadcast %min3A_2274 : i32 to vector<16xi32>
      %min3A_2276 = arith.minsi %convert_element_type3A_2273, %min3A_2275 : vector<16xi32>
      %max3A_2277 = arith.constant 0 : i32
      %max3A_2278 = vector.broadcast %max3A_2277 : i32 to vector<16xi32>
      %max3A_2279 = arith.maxsi %min3A_2276, %max3A_2278 : vector<16xi32>
      %add3A_2280 = arith.constant 131072 : i32
      %add3A_2281 = vector.broadcast %add3A_2280 : i32 to vector<16xi32>
      %add3A_2282 = arith.addi %max3A_2279, %add3A_2281 : vector<16xi32>
      %swap3A_2283 = arith.constant 11 : i32
      %swap3A_2284 = arith.index_cast %swap3A_2283 : i32 to index
      %swap3A_2285 = arith.constant 96 : index
      %swap3A_2286 = tpu.vector_load %arg10[%swap3A_2284, %swap3A_2285] {strides = array<i32>} : memref<12x128xi32, #tpu.memory_space<vmem>>, vector<16xi32>,
      tpu.vector_store %arg10[%swap3A_2284, %swap3A_2285], %add3A_2282 {strides = array<i32>} : memref<12x128xi32, #tpu.memory_space<vmem>>, vector<16xi32>,
      %add3A_2287 = arith.constant 496 : i32
      %add3A_2288 = arith.addi %mul3A_11, %add3A_2287 : i32
      %get3A_2289 = arith.index_cast %add3A_2288 : i32 to index
      %get3A_2290 = tpu.vector_load %arg9[%get3A_2289] {strides = array<i32>} : memref<8192xf32, #tpu.memory_space<vmem>>, vector<16xf32>,
      %add3A_2291 = arith.constant 1.000000e+00 : f32
      %add3A_2292 = vector.broadcast %add3A_2291 : f32 to vector<16xf32>
      %add3A_2293 = arith.addf %get3A_2290, %add3A_2292 : vector<16xf32>
      %mul3A_2294 = arith.constant 3.276750e+04 : f32
      %mul3A_2295 = vector.broadcast %mul3A_2294 : f32 to vector<16xf32>
      %mul3A_2296 = arith.mulf %add3A_2293, %mul3A_2295 : vector<16xf32>
      %convert_element_type3A_2297 = arith.fptosi %mul3A_2296 : vector<16xf32> to vector<16xi32>
      %min3A_2298 = arith.constant 65535 : i32
      %min3A_2299 = vector.broadcast %min3A_2298 : i32 to vector<16xi32>
      %min3A_2300 = arith.minsi %convert_element_type3A_2297, %min3A_2299 : vector<16xi32>
      %max3A_2301 = arith.constant 0 : i32
      %max3A_2302 = vector.broadcast %max3A_2301 : i32 to vector<16xi32>
      %max3A_2303 = arith.maxsi %min3A_2300, %max3A_2302 : vector<16xi32>
      %add3A_2304 = arith.constant 131072 : i32
      %add3A_2305 = vector.broadcast %add3A_2304 : i32 to vector<16xi32>
      %add3A_2306 = arith.addi %max3A_2303, %add3A_2305 : vector<16xi32>
      %swap3A_2307 = arith.constant 11 : i32
      %swap3A_2308 = arith.index_cast %swap3A_2307 : i32 to index
      %swap3A_2309 = arith.constant 112 : index
      %swap3A_2310 = tpu.vector_load %arg10[%swap3A_2308, %swap3A_2309] {strides = array<i32>} : memref<12x128xi32, #tpu.memory_space<vmem>>, vector<16xi32>,
      tpu.vector_store %arg10[%swap3A_2308, %swap3A_2309], %add3A_2306 {strides = array<i32>} : memref<12x128xi32, #tpu.memory_space<vmem>>, vector<16xi32>,
      %dma_start3A = arith.constant 0 : i32
      %dma_start3A_2311 = arith.constant 0 : i32
      %dma_start3A_2312 = arith.constant 0 : i32
      %dma_start3A_2313 = tpu.memref_slice %arg11[%dma_start3A_2311, %dma_start3A_2312] : memref<512x32xbf16, #tpu.memory_space<vmem>> -> memref<128x32xbf16, #tpu.memory_space<vmem>>
      %dma_start3A_2314 = arith.constant 0 : i32
      %dma_start3A_2315 = tpu.memref_slice %arg10[%dma_start3A, %dma_start3A_2314] : memref<12x128xi32, #tpu.memory_space<vmem>> -> memref<1x128xi32, #tpu.memory_space<vmem>>
      %dma_start3A_2316 = tpu.memref_squeeze %dma_start3A_2315 : memref<1x128xi32, #tpu.memory_space<vmem>> -> memref<128xi32, #tpu.memory_space<vmem>>
      %dma_start3A_2317 = arith.constant 0 : i32
      %dma_start3A_2318 = arith.constant 0 : i32
      %dma_start3A_2319 = tpu.memref_slice %arg5[%dma_start3A_2317, %dma_start3A_2318] : memref<196608x32xbf16, #tpu.memory_space<hbm>> -> memref<196608x32xbf16, #tpu.memory_space<hbm>>
      tpu.enqueue_indirect_dma source(%dma_start3A_2319 : memref<196608x32xbf16, #tpu.memory_space<hbm>>) target(%dma_start3A_2313 : memref<128x32xbf16, #tpu.memory_space<vmem>>) offsets(%dma_start3A_2316 : memref<128xi32, #tpu.memory_space<vmem>>) semaphore(%arg15 : memref<!tpu.dma_semaphore, #tpu.memory_space<semaphore_mem>>)
      %dma_start3A_2320 = arith.constant 1 : i32
      %dma_start3A_2321 = arith.constant 128 : i32
      %dma_start3A_2322 = arith.constant 0 : i32
      %dma_start3A_2323 = tpu.memref_slice %arg11[%dma_start3A_2321, %dma_start3A_2322] : memref<512x32xbf16, #tpu.memory_space<vmem>> -> memref<128x32xbf16, #tpu.memory_space<vmem>>
      %dma_start3A_2324 = arith.constant 0 : i32
      %dma_start3A_2325 = tpu.memref_slice %arg10[%dma_start3A_2320, %dma_start3A_2324] : memref<12x128xi32, #tpu.memory_space<vmem>> -> memref<1x128xi32, #tpu.memory_space<vmem>>
      %dma_start3A_2326 = tpu.memref_squeeze %dma_start3A_2325 : memref<1x128xi32, #tpu.memory_space<vmem>> -> memref<128xi32, #tpu.memory_space<vmem>>
      %dma_start3A_2327 = arith.constant 0 : i32
      %dma_start3A_2328 = arith.constant 0 : i32
      %dma_start3A_2329 = tpu.memref_slice %arg5[%dma_start3A_2327, %dma_start3A_2328] : memref<196608x32xbf16, #tpu.memory_space<hbm>> -> memref<196608x32xbf16, #tpu.memory_space<hbm>>
      tpu.enqueue_indirect_dma source(%dma_start3A_2329 : memref<196608x32xbf16, #tpu.memory_space<hbm>>) target(%dma_start3A_2323 : memref<128x32xbf16, #tpu.memory_space<vmem>>) offsets(%dma_start3A_2326 : memref<128xi32, #tpu.memory_space<vmem>>) semaphore(%arg15 : memref<!tpu.dma_semaphore, #tpu.memory_space<semaphore_mem>>)
      %dma_start3A_2330 = arith.constant 2 : i32
      %dma_start3A_2331 = arith.constant 256 : i32
      %dma_start3A_2332 = arith.constant 0 : i32
      %dma_start3A_2333 = tpu.memref_slice %arg11[%dma_start3A_2331, %dma_start3A_2332] : memref<512x32xbf16, #tpu.memory_space<vmem>> -> memref<128x32xbf16, #tpu.memory_space<vmem>>
      %dma_start3A_2334 = arith.constant 0 : i32
      %dma_start3A_2335 = tpu.memref_slice %arg10[%dma_start3A_2330, %dma_start3A_2334] : memref<12x128xi32, #tpu.memory_space<vmem>> -> memref<1x128xi32, #tpu.memory_space<vmem>>
      %dma_start3A_2336 = tpu.memref_squeeze %dma_start3A_2335 : memref<1x128xi32, #tpu.memory_space<vmem>> -> memref<128xi32, #tpu.memory_space<vmem>>
      %dma_start3A_2337 = arith.constant 0 : i32
      %dma_start3A_2338 = arith.constant 0 : i32
      %dma_start3A_2339 = tpu.memref_slice %arg5[%dma_start3A_2337, %dma_start3A_2338] : memref<196608x32xbf16, #tpu.memory_space<hbm>> -> memref<196608x32xbf16, #tpu.memory_space<hbm>>
      tpu.enqueue_indirect_dma source(%dma_start3A_2339 : memref<196608x32xbf16, #tpu.memory_space<hbm>>) target(%dma_start3A_2333 : memref<128x32xbf16, #tpu.memory_space<vmem>>) offsets(%dma_start3A_2336 : memref<128xi32, #tpu.memory_space<vmem>>) semaphore(%arg15 : memref<!tpu.dma_semaphore, #tpu.memory_space<semaphore_mem>>)
      %dma_start3A_2340 = arith.constant 3 : i32
      %dma_start3A_2341 = arith.constant 384 : i32
      %dma_start3A_2342 = arith.constant 0 : i32
      %dma_start3A_2343 = tpu.memref_slice %arg11[%dma_start3A_2341, %dma_start3A_2342] : memref<512x32xbf16, #tpu.memory_space<vmem>> -> memref<128x32xbf16, #tpu.memory_space<vmem>>
      %dma_start3A_2344 = arith.constant 0 : i32
      %dma_start3A_2345 = tpu.memref_slice %arg10[%dma_start3A_2340, %dma_start3A_2344] : memref<12x128xi32, #tpu.memory_space<vmem>> -> memref<1x128xi32, #tpu.memory_space<vmem>>
      %dma_start3A_2346 = tpu.memref_squeeze %dma_start3A_2345 : memref<1x128xi32, #tpu.memory_space<vmem>> -> memref<128xi32, #tpu.memory_space<vmem>>
      %dma_start3A_2347 = arith.constant 0 : i32
      %dma_start3A_2348 = arith.constant 0 : i32
      %dma_start3A_2349 = tpu.memref_slice %arg5[%dma_start3A_2347, %dma_start3A_2348] : memref<196608x32xbf16, #tpu.memory_space<hbm>> -> memref<196608x32xbf16, #tpu.memory_space<hbm>>
      tpu.enqueue_indirect_dma source(%dma_start3A_2349 : memref<196608x32xbf16, #tpu.memory_space<hbm>>) target(%dma_start3A_2343 : memref<128x32xbf16, #tpu.memory_space<vmem>>) offsets(%dma_start3A_2346 : memref<128xi32, #tpu.memory_space<vmem>>) semaphore(%arg15 : memref<!tpu.dma_semaphore, #tpu.memory_space<semaphore_mem>>)
      %dma_start3A_2350 = arith.constant 4 : i32
      %dma_start3A_2351 = arith.constant 0 : i32
      %dma_start3A_2352 = arith.constant 0 : i32
      %dma_start3A_2353 = tpu.memref_slice %arg12[%dma_start3A_2351, %dma_start3A_2352] : memref<512x32xbf16, #tpu.memory_space<vmem>> -> memref<128x32xbf16, #tpu.memory_space<vmem>>
      %dma_start3A_2354 = arith.constant 0 : i32
      %dma_start3A_2355 = tpu.memref_slice %arg10[%dma_start3A_2350, %dma_start3A_2354] : memref<12x128xi32, #tpu.memory_space<vmem>> -> memref<1x128xi32, #tpu.memory_space<vmem>>
      %dma_start3A_2356 = tpu.memref_squeeze %dma_start3A_2355 : memref<1x128xi32, #tpu.memory_space<vmem>> -> memref<128xi32, #tpu.memory_space<vmem>>
      %dma_start3A_2357 = arith.constant 0 : i32
      %dma_start3A_2358 = arith.constant 0 : i32
      %dma_start3A_2359 = tpu.memref_slice %arg5[%dma_start3A_2357, %dma_start3A_2358] : memref<196608x32xbf16, #tpu.memory_space<hbm>> -> memref<196608x32xbf16, #tpu.memory_space<hbm>>
      tpu.enqueue_indirect_dma source(%dma_start3A_2359 : memref<196608x32xbf16, #tpu.memory_space<hbm>>) target(%dma_start3A_2353 : memref<128x32xbf16, #tpu.memory_space<vmem>>) offsets(%dma_start3A_2356 : memref<128xi32, #tpu.memory_space<vmem>>) semaphore(%arg15 : memref<!tpu.dma_semaphore, #tpu.memory_space<semaphore_mem>>)
      %dma_start3A_2360 = arith.constant 5 : i32
      %dma_start3A_2361 = arith.constant 128 : i32
      %dma_start3A_2362 = arith.constant 0 : i32
      %dma_start3A_2363 = tpu.memref_slice %arg12[%dma_start3A_2361, %dma_start3A_2362] : memref<512x32xbf16, #tpu.memory_space<vmem>> -> memref<128x32xbf16, #tpu.memory_space<vmem>>
      %dma_start3A_2364 = arith.constant 0 : i32
      %dma_start3A_2365 = tpu.memref_slice %arg10[%dma_start3A_2360, %dma_start3A_2364] : memref<12x128xi32, #tpu.memory_space<vmem>> -> memref<1x128xi32, #tpu.memory_space<vmem>>
      %dma_start3A_2366 = tpu.memref_squeeze %dma_start3A_2365 : memref<1x128xi32, #tpu.memory_space<vmem>> -> memref<128xi32, #tpu.memory_space<vmem>>
      %dma_start3A_2367 = arith.constant 0 : i32
      %dma_start3A_2368 = arith.constant 0 : i32
      %dma_start3A_2369 = tpu.memref_slice %arg5[%dma_start3A_2367, %dma_start3A_2368] : memref<196608x32xbf16, #tpu.memory_space<hbm>> -> memref<196608x32xbf16, #tpu.memory_space<hbm>>
      tpu.enqueue_indirect_dma source(%dma_start3A_2369 : memref<196608x32xbf16, #tpu.memory_space<hbm>>) target(%dma_start3A_2363 : memref<128x32xbf16, #tpu.memory_space<vmem>>) offsets(%dma_start3A_2366 : memref<128xi32, #tpu.memory_space<vmem>>) semaphore(%arg15 : memref<!tpu.dma_semaphore, #tpu.memory_space<semaphore_mem>>)
      %dma_start3A_2370 = arith.constant 6 : i32
      %dma_start3A_2371 = arith.constant 256 : i32
      %dma_start3A_2372 = arith.constant 0 : i32
      %dma_start3A_2373 = tpu.memref_slice %arg12[%dma_start3A_2371, %dma_start3A_2372] : memref<512x32xbf16, #tpu.memory_space<vmem>> -> memref<128x32xbf16, #tpu.memory_space<vmem>>
      %dma_start3A_2374 = arith.constant 0 : i32
      %dma_start3A_2375 = tpu.memref_slice %arg10[%dma_start3A_2370, %dma_start3A_2374] : memref<12x128xi32, #tpu.memory_space<vmem>> -> memref<1x128xi32, #tpu.memory_space<vmem>>
      %dma_start3A_2376 = tpu.memref_squeeze %dma_start3A_2375 : memref<1x128xi32, #tpu.memory_space<vmem>> -> memref<128xi32, #tpu.memory_space<vmem>>
      %dma_start3A_2377 = arith.constant 0 : i32
      %dma_start3A_2378 = arith.constant 0 : i32
      %dma_start3A_2379 = tpu.memref_slice %arg5[%dma_start3A_2377, %dma_start3A_2378] : memref<196608x32xbf16, #tpu.memory_space<hbm>> -> memref<196608x32xbf16, #tpu.memory_space<hbm>>
      tpu.enqueue_indirect_dma source(%dma_start3A_2379 : memref<196608x32xbf16, #tpu.memory_space<hbm>>) target(%dma_start3A_2373 : memref<128x32xbf16, #tpu.memory_space<vmem>>) offsets(%dma_start3A_2376 : memref<128xi32, #tpu.memory_space<vmem>>) semaphore(%arg15 : memref<!tpu.dma_semaphore, #tpu.memory_space<semaphore_mem>>)
      %dma_start3A_2380 = arith.constant 7 : i32
      %dma_start3A_2381 = arith.constant 384 : i32
      %dma_start3A_2382 = arith.constant 0 : i32
      %dma_start3A_2383 = tpu.memref_slice %arg12[%dma_start3A_2381, %dma_start3A_2382] : memref<512x32xbf16, #tpu.memory_space<vmem>> -> memref<128x32xbf16, #tpu.memory_space<vmem>>
      %dma_start3A_2384 = arith.constant 0 : i32
      %dma_start3A_2385 = tpu.memref_slice %arg10[%dma_start3A_2380, %dma_start3A_2384] : memref<12x128xi32, #tpu.memory_space<vmem>> -> memref<1x128xi32, #tpu.memory_space<vmem>>
      %dma_start3A_2386 = tpu.memref_squeeze %dma_start3A_2385 : memref<1x128xi32, #tpu.memory_space<vmem>> -> memref<128xi32, #tpu.memory_space<vmem>>
      %dma_start3A_2387 = arith.constant 0 : i32
      %dma_start3A_2388 = arith.constant 0 : i32
      %dma_start3A_2389 = tpu.memref_slice %arg5[%dma_start3A_2387, %dma_start3A_2388] : memref<196608x32xbf16, #tpu.memory_space<hbm>> -> memref<196608x32xbf16, #tpu.memory_space<hbm>>
      tpu.enqueue_indirect_dma source(%dma_start3A_2389 : memref<196608x32xbf16, #tpu.memory_space<hbm>>) target(%dma_start3A_2383 : memref<128x32xbf16, #tpu.memory_space<vmem>>) offsets(%dma_start3A_2386 : memref<128xi32, #tpu.memory_space<vmem>>) semaphore(%arg15 : memref<!tpu.dma_semaphore, #tpu.memory_space<semaphore_mem>>)
      %dma_start3A_2390 = arith.constant 8 : i32
      %dma_start3A_2391 = arith.constant 0 : i32
      %dma_start3A_2392 = arith.constant 0 : i32
      %dma_start3A_2393 = tpu.memref_slice %arg13[%dma_start3A_2391, %dma_start3A_2392] : memref<512x32xbf16, #tpu.memory_space<vmem>> -> memref<128x32xbf16, #tpu.memory_space<vmem>>
      %dma_start3A_2394 = arith.constant 0 : i32
      %dma_start3A_2395 = tpu.memref_slice %arg10[%dma_start3A_2390, %dma_start3A_2394] : memref<12x128xi32, #tpu.memory_space<vmem>> -> memref<1x128xi32, #tpu.memory_space<vmem>>
      %dma_start3A_2396 = tpu.memref_squeeze %dma_start3A_2395 : memref<1x128xi32, #tpu.memory_space<vmem>> -> memref<128xi32, #tpu.memory_space<vmem>>
      %dma_start3A_2397 = arith.constant 0 : i32
      %dma_start3A_2398 = arith.constant 0 : i32
      %dma_start3A_2399 = tpu.memref_slice %arg5[%dma_start3A_2397, %dma_start3A_2398] : memref<196608x32xbf16, #tpu.memory_space<hbm>> -> memref<196608x32xbf16, #tpu.memory_space<hbm>>
      tpu.enqueue_indirect_dma source(%dma_start3A_2399 : memref<196608x32xbf16, #tpu.memory_space<hbm>>) target(%dma_start3A_2393 : memref<128x32xbf16, #tpu.memory_space<vmem>>) offsets(%dma_start3A_2396 : memref<128xi32, #tpu.memory_space<vmem>>) semaphore(%arg15 : memref<!tpu.dma_semaphore, #tpu.memory_space<semaphore_mem>>)
      %dma_start3A_2400 = arith.constant 9 : i32
      %dma_start3A_2401 = arith.constant 128 : i32
      %dma_start3A_2402 = arith.constant 0 : i32
      %dma_start3A_2403 = tpu.memref_slice %arg13[%dma_start3A_2401, %dma_start3A_2402] : memref<512x32xbf16, #tpu.memory_space<vmem>> -> memref<128x32xbf16, #tpu.memory_space<vmem>>
      %dma_start3A_2404 = arith.constant 0 : i32
      %dma_start3A_2405 = tpu.memref_slice %arg10[%dma_start3A_2400, %dma_start3A_2404] : memref<12x128xi32, #tpu.memory_space<vmem>> -> memref<1x128xi32, #tpu.memory_space<vmem>>
      %dma_start3A_2406 = tpu.memref_squeeze %dma_start3A_2405 : memref<1x128xi32, #tpu.memory_space<vmem>> -> memref<128xi32, #tpu.memory_space<vmem>>
      %dma_start3A_2407 = arith.constant 0 : i32
      %dma_start3A_2408 = arith.constant 0 : i32
      %dma_start3A_2409 = tpu.memref_slice %arg5[%dma_start3A_2407, %dma_start3A_2408] : memref<196608x32xbf16, #tpu.memory_space<hbm>> -> memref<196608x32xbf16, #tpu.memory_space<hbm>>
      tpu.enqueue_indirect_dma source(%dma_start3A_2409 : memref<196608x32xbf16, #tpu.memory_space<hbm>>) target(%dma_start3A_2403 : memref<128x32xbf16, #tpu.memory_space<vmem>>) offsets(%dma_start3A_2406 : memref<128xi32, #tpu.memory_space<vmem>>) semaphore(%arg15 : memref<!tpu.dma_semaphore, #tpu.memory_space<semaphore_mem>>)
      %dma_start3A_2410 = arith.constant 10 : i32
      %dma_start3A_2411 = arith.constant 256 : i32
      %dma_start3A_2412 = arith.constant 0 : i32
      %dma_start3A_2413 = tpu.memref_slice %arg13[%dma_start3A_2411, %dma_start3A_2412] : memref<512x32xbf16, #tpu.memory_space<vmem>> -> memref<128x32xbf16, #tpu.memory_space<vmem>>
      %dma_start3A_2414 = arith.constant 0 : i32
      %dma_start3A_2415 = tpu.memref_slice %arg10[%dma_start3A_2410, %dma_start3A_2414] : memref<12x128xi32, #tpu.memory_space<vmem>> -> memref<1x128xi32, #tpu.memory_space<vmem>>
      %dma_start3A_2416 = tpu.memref_squeeze %dma_start3A_2415 : memref<1x128xi32, #tpu.memory_space<vmem>> -> memref<128xi32, #tpu.memory_space<vmem>>
      %dma_start3A_2417 = arith.constant 0 : i32
      %dma_start3A_2418 = arith.constant 0 : i32
      %dma_start3A_2419 = tpu.memref_slice %arg5[%dma_start3A_2417, %dma_start3A_2418] : memref<196608x32xbf16, #tpu.memory_space<hbm>> -> memref<196608x32xbf16, #tpu.memory_space<hbm>>
      tpu.enqueue_indirect_dma source(%dma_start3A_2419 : memref<196608x32xbf16, #tpu.memory_space<hbm>>) target(%dma_start3A_2413 : memref<128x32xbf16, #tpu.memory_space<vmem>>) offsets(%dma_start3A_2416 : memref<128xi32, #tpu.memory_space<vmem>>) semaphore(%arg15 : memref<!tpu.dma_semaphore, #tpu.memory_space<semaphore_mem>>)
      %dma_start3A_2420 = arith.constant 11 : i32
      %dma_start3A_2421 = arith.constant 384 : i32
      %dma_start3A_2422 = arith.constant 0 : i32
      %dma_start3A_2423 = tpu.memref_slice %arg13[%dma_start3A_2421, %dma_start3A_2422] : memref<512x32xbf16, #tpu.memory_space<vmem>> -> memref<128x32xbf16, #tpu.memory_space<vmem>>
      %dma_start3A_2424 = arith.constant 0 : i32
      %dma_start3A_2425 = tpu.memref_slice %arg10[%dma_start3A_2420, %dma_start3A_2424] : memref<12x128xi32, #tpu.memory_space<vmem>> -> memref<1x128xi32, #tpu.memory_space<vmem>>
      %dma_start3A_2426 = tpu.memref_squeeze %dma_start3A_2425 : memref<1x128xi32, #tpu.memory_space<vmem>> -> memref<128xi32, #tpu.memory_space<vmem>>
      %dma_start3A_2427 = arith.constant 0 : i32
      %dma_start3A_2428 = arith.constant 0 : i32
      %dma_start3A_2429 = tpu.memref_slice %arg5[%dma_start3A_2427, %dma_start3A_2428] : memref<196608x32xbf16, #tpu.memory_space<hbm>> -> memref<196608x32xbf16, #tpu.memory_space<hbm>>
      tpu.enqueue_indirect_dma source(%dma_start3A_2429 : memref<196608x32xbf16, #tpu.memory_space<hbm>>) target(%dma_start3A_2423 : memref<128x32xbf16, #tpu.memory_space<vmem>>) offsets(%dma_start3A_2426 : memref<128xi32, #tpu.memory_space<vmem>>) semaphore(%arg15 : memref<!tpu.dma_semaphore, #tpu.memory_space<semaphore_mem>>)
      %dma_wait3A = arith.constant 0 : i32
      %dma_wait3A_2430 = arith.constant 0 : i32
      %dma_wait3A_2431 = arith.constant 0 : i32
      %dma_wait3A_2432 = tpu.memref_slice %arg11[%dma_wait3A_2430, %dma_wait3A_2431] : memref<512x32xbf16, #tpu.memory_space<vmem>> -> memref<128x32xbf16, #tpu.memory_space<vmem>>
      %dma_wait3A_2433 = arith.constant 0 : i32
      %dma_wait3A_2434 = tpu.memref_slice %arg10[%dma_wait3A, %dma_wait3A_2433] : memref<12x128xi32, #tpu.memory_space<vmem>> -> memref<1x128xi32, #tpu.memory_space<vmem>>
      %dma_wait3A_2435 = tpu.memref_squeeze %dma_wait3A_2434 : memref<1x128xi32, #tpu.memory_space<vmem>> -> memref<128xi32, #tpu.memory_space<vmem>>
      %dma_wait3A_2436 = arith.constant 0 : i32
      %dma_wait3A_2437 = arith.constant 0 : i32
      %dma_wait3A_2438 = tpu.memref_slice %arg5[%dma_wait3A_2436, %dma_wait3A_2437] : memref<196608x32xbf16, #tpu.memory_space<hbm>> -> memref<196608x32xbf16, #tpu.memory_space<hbm>>
      tpu.wait_indirect_dma semaphore(%arg15 : memref<!tpu.dma_semaphore, #tpu.memory_space<semaphore_mem>>) src(%dma_wait3A_2438 : memref<196608x32xbf16, #tpu.memory_space<hbm>>) dst(%dma_wait3A_2432 : memref<128x32xbf16, #tpu.memory_space<vmem>>)
      %dma_wait3A_2439 = arith.constant 1 : i32
      %dma_wait3A_2440 = arith.constant 128 : i32
      %dma_wait3A_2441 = arith.constant 0 : i32
      %dma_wait3A_2442 = tpu.memref_slice %arg11[%dma_wait3A_2440, %dma_wait3A_2441] : memref<512x32xbf16, #tpu.memory_space<vmem>> -> memref<128x32xbf16, #tpu.memory_space<vmem>>
      %dma_wait3A_2443 = arith.constant 0 : i32
      %dma_wait3A_2444 = tpu.memref_slice %arg10[%dma_wait3A_2439, %dma_wait3A_2443] : memref<12x128xi32, #tpu.memory_space<vmem>> -> memref<1x128xi32, #tpu.memory_space<vmem>>
      %dma_wait3A_2445 = tpu.memref_squeeze %dma_wait3A_2444 : memref<1x128xi32, #tpu.memory_space<vmem>> -> memref<128xi32, #tpu.memory_space<vmem>>
      %dma_wait3A_2446 = arith.constant 0 : i32
      %dma_wait3A_2447 = arith.constant 0 : i32
      %dma_wait3A_2448 = tpu.memref_slice %arg5[%dma_wait3A_2446, %dma_wait3A_2447] : memref<196608x32xbf16, #tpu.memory_space<hbm>> -> memref<196608x32xbf16, #tpu.memory_space<hbm>>
      tpu.wait_indirect_dma semaphore(%arg15 : memref<!tpu.dma_semaphore, #tpu.memory_space<semaphore_mem>>) src(%dma_wait3A_2448 : memref<196608x32xbf16, #tpu.memory_space<hbm>>) dst(%dma_wait3A_2442 : memref<128x32xbf16, #tpu.memory_space<vmem>>)
      %dma_wait3A_2449 = arith.constant 2 : i32
      %dma_wait3A_2450 = arith.constant 256 : i32
      %dma_wait3A_2451 = arith.constant 0 : i32
      %dma_wait3A_2452 = tpu.memref_slice %arg11[%dma_wait3A_2450, %dma_wait3A_2451] : memref<512x32xbf16, #tpu.memory_space<vmem>> -> memref<128x32xbf16, #tpu.memory_space<vmem>>
      %dma_wait3A_2453 = arith.constant 0 : i32
      %dma_wait3A_2454 = tpu.memref_slice %arg10[%dma_wait3A_2449, %dma_wait3A_2453] : memref<12x128xi32, #tpu.memory_space<vmem>> -> memref<1x128xi32, #tpu.memory_space<vmem>>
      %dma_wait3A_2455 = tpu.memref_squeeze %dma_wait3A_2454 : memref<1x128xi32, #tpu.memory_space<vmem>> -> memref<128xi32, #tpu.memory_space<vmem>>
      %dma_wait3A_2456 = arith.constant 0 : i32
      %dma_wait3A_2457 = arith.constant 0 : i32
      %dma_wait3A_2458 = tpu.memref_slice %arg5[%dma_wait3A_2456, %dma_wait3A_2457] : memref<196608x32xbf16, #tpu.memory_space<hbm>> -> memref<196608x32xbf16, #tpu.memory_space<hbm>>
      tpu.wait_indirect_dma semaphore(%arg15 : memref<!tpu.dma_semaphore, #tpu.memory_space<semaphore_mem>>) src(%dma_wait3A_2458 : memref<196608x32xbf16, #tpu.memory_space<hbm>>) dst(%dma_wait3A_2452 : memref<128x32xbf16, #tpu.memory_space<vmem>>)
      %dma_wait3A_2459 = arith.constant 3 : i32
      %dma_wait3A_2460 = arith.constant 384 : i32
      %dma_wait3A_2461 = arith.constant 0 : i32
      %dma_wait3A_2462 = tpu.memref_slice %arg11[%dma_wait3A_2460, %dma_wait3A_2461] : memref<512x32xbf16, #tpu.memory_space<vmem>> -> memref<128x32xbf16, #tpu.memory_space<vmem>>
      %dma_wait3A_2463 = arith.constant 0 : i32
      %dma_wait3A_2464 = tpu.memref_slice %arg10[%dma_wait3A_2459, %dma_wait3A_2463] : memref<12x128xi32, #tpu.memory_space<vmem>> -> memref<1x128xi32, #tpu.memory_space<vmem>>
      %dma_wait3A_2465 = tpu.memref_squeeze %dma_wait3A_2464 : memref<1x128xi32, #tpu.memory_space<vmem>> -> memref<128xi32, #tpu.memory_space<vmem>>
      %dma_wait3A_2466 = arith.constant 0 : i32
      %dma_wait3A_2467 = arith.constant 0 : i32
      %dma_wait3A_2468 = tpu.memref_slice %arg5[%dma_wait3A_2466, %dma_wait3A_2467] : memref<196608x32xbf16, #tpu.memory_space<hbm>> -> memref<196608x32xbf16, #tpu.memory_space<hbm>>
      tpu.wait_indirect_dma semaphore(%arg15 : memref<!tpu.dma_semaphore, #tpu.memory_space<semaphore_mem>>) src(%dma_wait3A_2468 : memref<196608x32xbf16, #tpu.memory_space<hbm>>) dst(%dma_wait3A_2462 : memref<128x32xbf16, #tpu.memory_space<vmem>>)
      %dma_wait3A_2469 = arith.constant 4 : i32
      %dma_wait3A_2470 = arith.constant 0 : i32
      %dma_wait3A_2471 = arith.constant 0 : i32
      %dma_wait3A_2472 = tpu.memref_slice %arg12[%dma_wait3A_2470, %dma_wait3A_2471] : memref<512x32xbf16, #tpu.memory_space<vmem>> -> memref<128x32xbf16, #tpu.memory_space<vmem>>
      %dma_wait3A_2473 = arith.constant 0 : i32
      %dma_wait3A_2474 = tpu.memref_slice %arg10[%dma_wait3A_2469, %dma_wait3A_2473] : memref<12x128xi32, #tpu.memory_space<vmem>> -> memref<1x128xi32, #tpu.memory_space<vmem>>
      %dma_wait3A_2475 = tpu.memref_squeeze %dma_wait3A_2474 : memref<1x128xi32, #tpu.memory_space<vmem>> -> memref<128xi32, #tpu.memory_space<vmem>>
      %dma_wait3A_2476 = arith.constant 0 : i32
      %dma_wait3A_2477 = arith.constant 0 : i32
      %dma_wait3A_2478 = tpu.memref_slice %arg5[%dma_wait3A_2476, %dma_wait3A_2477] : memref<196608x32xbf16, #tpu.memory_space<hbm>> -> memref<196608x32xbf16, #tpu.memory_space<hbm>>
      tpu.wait_indirect_dma semaphore(%arg15 : memref<!tpu.dma_semaphore, #tpu.memory_space<semaphore_mem>>) src(%dma_wait3A_2478 : memref<196608x32xbf16, #tpu.memory_space<hbm>>) dst(%dma_wait3A_2472 : memref<128x32xbf16, #tpu.memory_space<vmem>>)
      %dma_wait3A_2479 = arith.constant 5 : i32
      %dma_wait3A_2480 = arith.constant 128 : i32
      %dma_wait3A_2481 = arith.constant 0 : i32
      %dma_wait3A_2482 = tpu.memref_slice %arg12[%dma_wait3A_2480, %dma_wait3A_2481] : memref<512x32xbf16, #tpu.memory_space<vmem>> -> memref<128x32xbf16, #tpu.memory_space<vmem>>
      %dma_wait3A_2483 = arith.constant 0 : i32
      %dma_wait3A_2484 = tpu.memref_slice %arg10[%dma_wait3A_2479, %dma_wait3A_2483] : memref<12x128xi32, #tpu.memory_space<vmem>> -> memref<1x128xi32, #tpu.memory_space<vmem>>
      %dma_wait3A_2485 = tpu.memref_squeeze %dma_wait3A_2484 : memref<1x128xi32, #tpu.memory_space<vmem>> -> memref<128xi32, #tpu.memory_space<vmem>>
      %dma_wait3A_2486 = arith.constant 0 : i32
      %dma_wait3A_2487 = arith.constant 0 : i32
      %dma_wait3A_2488 = tpu.memref_slice %arg5[%dma_wait3A_2486, %dma_wait3A_2487] : memref<196608x32xbf16, #tpu.memory_space<hbm>> -> memref<196608x32xbf16, #tpu.memory_space<hbm>>
      tpu.wait_indirect_dma semaphore(%arg15 : memref<!tpu.dma_semaphore, #tpu.memory_space<semaphore_mem>>) src(%dma_wait3A_2488 : memref<196608x32xbf16, #tpu.memory_space<hbm>>) dst(%dma_wait3A_2482 : memref<128x32xbf16, #tpu.memory_space<vmem>>)
      %dma_wait3A_2489 = arith.constant 6 : i32
      %dma_wait3A_2490 = arith.constant 256 : i32
      %dma_wait3A_2491 = arith.constant 0 : i32
      %dma_wait3A_2492 = tpu.memref_slice %arg12[%dma_wait3A_2490, %dma_wait3A_2491] : memref<512x32xbf16, #tpu.memory_space<vmem>> -> memref<128x32xbf16, #tpu.memory_space<vmem>>
      %dma_wait3A_2493 = arith.constant 0 : i32
      %dma_wait3A_2494 = tpu.memref_slice %arg10[%dma_wait3A_2489, %dma_wait3A_2493] : memref<12x128xi32, #tpu.memory_space<vmem>> -> memref<1x128xi32, #tpu.memory_space<vmem>>
      %dma_wait3A_2495 = tpu.memref_squeeze %dma_wait3A_2494 : memref<1x128xi32, #tpu.memory_space<vmem>> -> memref<128xi32, #tpu.memory_space<vmem>>
      %dma_wait3A_2496 = arith.constant 0 : i32
      %dma_wait3A_2497 = arith.constant 0 : i32
      %dma_wait3A_2498 = tpu.memref_slice %arg5[%dma_wait3A_2496, %dma_wait3A_2497] : memref<196608x32xbf16, #tpu.memory_space<hbm>> -> memref<196608x32xbf16, #tpu.memory_space<hbm>>
      tpu.wait_indirect_dma semaphore(%arg15 : memref<!tpu.dma_semaphore, #tpu.memory_space<semaphore_mem>>) src(%dma_wait3A_2498 : memref<196608x32xbf16, #tpu.memory_space<hbm>>) dst(%dma_wait3A_2492 : memref<128x32xbf16, #tpu.memory_space<vmem>>)
      %dma_wait3A_2499 = arith.constant 7 : i32
      %dma_wait3A_2500 = arith.constant 384 : i32
      %dma_wait3A_2501 = arith.constant 0 : i32
      %dma_wait3A_2502 = tpu.memref_slice %arg12[%dma_wait3A_2500, %dma_wait3A_2501] : memref<512x32xbf16, #tpu.memory_space<vmem>> -> memref<128x32xbf16, #tpu.memory_space<vmem>>
      %dma_wait3A_2503 = arith.constant 0 : i32
      %dma_wait3A_2504 = tpu.memref_slice %arg10[%dma_wait3A_2499, %dma_wait3A_2503] : memref<12x128xi32, #tpu.memory_space<vmem>> -> memref<1x128xi32, #tpu.memory_space<vmem>>
      %dma_wait3A_2505 = tpu.memref_squeeze %dma_wait3A_2504 : memref<1x128xi32, #tpu.memory_space<vmem>> -> memref<128xi32, #tpu.memory_space<vmem>>
      %dma_wait3A_2506 = arith.constant 0 : i32
      %dma_wait3A_2507 = arith.constant 0 : i32
      %dma_wait3A_2508 = tpu.memref_slice %arg5[%dma_wait3A_2506, %dma_wait3A_2507] : memref<196608x32xbf16, #tpu.memory_space<hbm>> -> memref<196608x32xbf16, #tpu.memory_space<hbm>>
      tpu.wait_indirect_dma semaphore(%arg15 : memref<!tpu.dma_semaphore, #tpu.memory_space<semaphore_mem>>) src(%dma_wait3A_2508 : memref<196608x32xbf16, #tpu.memory_space<hbm>>) dst(%dma_wait3A_2502 : memref<128x32xbf16, #tpu.memory_space<vmem>>)
      %dma_wait3A_2509 = arith.constant 8 : i32
      %dma_wait3A_2510 = arith.constant 0 : i32
      %dma_wait3A_2511 = arith.constant 0 : i32
      %dma_wait3A_2512 = tpu.memref_slice %arg13[%dma_wait3A_2510, %dma_wait3A_2511] : memref<512x32xbf16, #tpu.memory_space<vmem>> -> memref<128x32xbf16, #tpu.memory_space<vmem>>
      %dma_wait3A_2513 = arith.constant 0 : i32
      %dma_wait3A_2514 = tpu.memref_slice %arg10[%dma_wait3A_2509, %dma_wait3A_2513] : memref<12x128xi32, #tpu.memory_space<vmem>> -> memref<1x128xi32, #tpu.memory_space<vmem>>
      %dma_wait3A_2515 = tpu.memref_squeeze %dma_wait3A_2514 : memref<1x128xi32, #tpu.memory_space<vmem>> -> memref<128xi32, #tpu.memory_space<vmem>>
      %dma_wait3A_2516 = arith.constant 0 : i32
      %dma_wait3A_2517 = arith.constant 0 : i32
      %dma_wait3A_2518 = tpu.memref_slice %arg5[%dma_wait3A_2516, %dma_wait3A_2517] : memref<196608x32xbf16, #tpu.memory_space<hbm>> -> memref<196608x32xbf16, #tpu.memory_space<hbm>>
      tpu.wait_indirect_dma semaphore(%arg15 : memref<!tpu.dma_semaphore, #tpu.memory_space<semaphore_mem>>) src(%dma_wait3A_2518 : memref<196608x32xbf16, #tpu.memory_space<hbm>>) dst(%dma_wait3A_2512 : memref<128x32xbf16, #tpu.memory_space<vmem>>)
      %dma_wait3A_2519 = arith.constant 9 : i32
      %dma_wait3A_2520 = arith.constant 128 : i32
      %dma_wait3A_2521 = arith.constant 0 : i32
      %dma_wait3A_2522 = tpu.memref_slice %arg13[%dma_wait3A_2520, %dma_wait3A_2521] : memref<512x32xbf16, #tpu.memory_space<vmem>> -> memref<128x32xbf16, #tpu.memory_space<vmem>>
      %dma_wait3A_2523 = arith.constant 0 : i32
      %dma_wait3A_2524 = tpu.memref_slice %arg10[%dma_wait3A_2519, %dma_wait3A_2523] : memref<12x128xi32, #tpu.memory_space<vmem>> -> memref<1x128xi32, #tpu.memory_space<vmem>>
      %dma_wait3A_2525 = tpu.memref_squeeze %dma_wait3A_2524 : memref<1x128xi32, #tpu.memory_space<vmem>> -> memref<128xi32, #tpu.memory_space<vmem>>
      %dma_wait3A_2526 = arith.constant 0 : i32
      %dma_wait3A_2527 = arith.constant 0 : i32
      %dma_wait3A_2528 = tpu.memref_slice %arg5[%dma_wait3A_2526, %dma_wait3A_2527] : memref<196608x32xbf16, #tpu.memory_space<hbm>> -> memref<196608x32xbf16, #tpu.memory_space<hbm>>
      tpu.wait_indirect_dma semaphore(%arg15 : memref<!tpu.dma_semaphore, #tpu.memory_space<semaphore_mem>>) src(%dma_wait3A_2528 : memref<196608x32xbf16, #tpu.memory_space<hbm>>) dst(%dma_wait3A_2522 : memref<128x32xbf16, #tpu.memory_space<vmem>>)
      %dma_wait3A_2529 = arith.constant 10 : i32
      %dma_wait3A_2530 = arith.constant 256 : i32
      %dma_wait3A_2531 = arith.constant 0 : i32
      %dma_wait3A_2532 = tpu.memref_slice %arg13[%dma_wait3A_2530, %dma_wait3A_2531] : memref<512x32xbf16, #tpu.memory_space<vmem>> -> memref<128x32xbf16, #tpu.memory_space<vmem>>
      %dma_wait3A_2533 = arith.constant 0 : i32
      %dma_wait3A_2534 = tpu.memref_slice %arg10[%dma_wait3A_2529, %dma_wait3A_2533] : memref<12x128xi32, #tpu.memory_space<vmem>> -> memref<1x128xi32, #tpu.memory_space<vmem>>
      %dma_wait3A_2535 = tpu.memref_squeeze %dma_wait3A_2534 : memref<1x128xi32, #tpu.memory_space<vmem>> -> memref<128xi32, #tpu.memory_space<vmem>>
      %dma_wait3A_2536 = arith.constant 0 : i32
      %dma_wait3A_2537 = arith.constant 0 : i32
      %dma_wait3A_2538 = tpu.memref_slice %arg5[%dma_wait3A_2536, %dma_wait3A_2537] : memref<196608x32xbf16, #tpu.memory_space<hbm>> -> memref<196608x32xbf16, #tpu.memory_space<hbm>>
      tpu.wait_indirect_dma semaphore(%arg15 : memref<!tpu.dma_semaphore, #tpu.memory_space<semaphore_mem>>) src(%dma_wait3A_2538 : memref<196608x32xbf16, #tpu.memory_space<hbm>>) dst(%dma_wait3A_2532 : memref<128x32xbf16, #tpu.memory_space<vmem>>)
      %dma_wait3A_2539 = arith.constant 11 : i32
      %dma_wait3A_2540 = arith.constant 384 : i32
      %dma_wait3A_2541 = arith.constant 0 : i32
      %dma_wait3A_2542 = tpu.memref_slice %arg13[%dma_wait3A_2540, %dma_wait3A_2541] : memref<512x32xbf16, #tpu.memory_space<vmem>> -> memref<128x32xbf16, #tpu.memory_space<vmem>>
      %dma_wait3A_2543 = arith.constant 0 : i32
      %dma_wait3A_2544 = tpu.memref_slice %arg10[%dma_wait3A_2539, %dma_wait3A_2543] : memref<12x128xi32, #tpu.memory_space<vmem>> -> memref<1x128xi32, #tpu.memory_space<vmem>>
      %dma_wait3A_2545 = tpu.memref_squeeze %dma_wait3A_2544 : memref<1x128xi32, #tpu.memory_space<vmem>> -> memref<128xi32, #tpu.memory_space<vmem>>
      %dma_wait3A_2546 = arith.constant 0 : i32
      %dma_wait3A_2547 = arith.constant 0 : i32
      %dma_wait3A_2548 = tpu.memref_slice %arg5[%dma_wait3A_2546, %dma_wait3A_2547] : memref<196608x32xbf16, #tpu.memory_space<hbm>> -> memref<196608x32xbf16, #tpu.memory_space<hbm>>
      tpu.wait_indirect_dma semaphore(%arg15 : memref<!tpu.dma_semaphore, #tpu.memory_space<semaphore_mem>>) src(%dma_wait3A_2548 : memref<196608x32xbf16, #tpu.memory_space<hbm>>) dst(%dma_wait3A_2542 : memref<128x32xbf16, #tpu.memory_space<vmem>>)
      %scan3A_2549 = arith.constant 0 : i32
      %scan3A_2550 = arith.constant 0 : i32
      %scan3A_2551 = arith.constant 128 : i32
      %scan3A_2552 = arith.addi %scan3A_2550, %scan3A_2551 : i32
      %scan3A_2553 = arith.constant 1 : i32
      scf.for %scan3A_2556 = %scan3A_2550 to %scan3A_2552 step %scan3A_2553  : i32 {
        %mul3A_2557 = arith.constant 4 : i32
        %mul3A_2558 = arith.muli %scan3A_2556, %mul3A_2557 : i32
        %add3A_2559 = arith.constant 0 : i32
        %add3A_2560 = arith.addi %mul3A_2558, %add3A_2559 : i32
        %get3A_2561 = arith.index_cast %add3A_2560 : i32 to index
        %get3A_2562 = arith.constant 0 : index
        %get3A_2563 = tpu.vector_load %arg11[%get3A_2561, %get3A_2562] {strides = array<i32>} : memref<512x32xbf16, #tpu.memory_space<vmem>>, vector<32xbf16>,
        %unpack3A = tpu.unpack_subelements %get3A_2563, 0 {pack_format = #tpu.pack_format<interleaved>} : vector<32xbf16> -> vector<16xf32>
        %unpack3A_2564 = tpu.unpack_subelements %get3A_2563, 1 {pack_format = #tpu.pack_format<interleaved>} : vector<32xbf16> -> vector<16xf32>
        %get3A_2565 = arith.index_cast %add3A_2560 : i32 to index
        %get3A_2566 = arith.constant 0 : index
        %get3A_2567 = tpu.vector_load %arg12[%get3A_2565, %get3A_2566] {strides = array<i32>} : memref<512x32xbf16, #tpu.memory_space<vmem>>, vector<32xbf16>,
        %unpack3A_2568 = tpu.unpack_subelements %get3A_2567, 0 {pack_format = #tpu.pack_format<interleaved>} : vector<32xbf16> -> vector<16xf32>
        %unpack3A_2569 = tpu.unpack_subelements %get3A_2567, 1 {pack_format = #tpu.pack_format<interleaved>} : vector<32xbf16> -> vector<16xf32>
        %get3A_2570 = arith.index_cast %add3A_2560 : i32 to index
        %get3A_2571 = arith.constant 0 : index
        %get3A_2572 = tpu.vector_load %arg13[%get3A_2570, %get3A_2571] {strides = array<i32>} : memref<512x32xbf16, #tpu.memory_space<vmem>>, vector<32xbf16>,
        %unpack3A_2573 = tpu.unpack_subelements %get3A_2572, 0 {pack_format = #tpu.pack_format<interleaved>} : vector<32xbf16> -> vector<16xf32>
        %unpack3A_2574 = tpu.unpack_subelements %get3A_2572, 1 {pack_format = #tpu.pack_format<interleaved>} : vector<32xbf16> -> vector<16xf32>
        %add3A_2575 = arith.addf %unpack3A, %unpack3A_2568 : vector<16xf32>
        %add3A_2576 = arith.addf %add3A_2575, %unpack3A_2573 : vector<16xf32>
        %mul3A_2577 = vector.broadcast %scan3A_3 : f32 to vector<16xf32>
        %mul3A_2578 = arith.mulf %add3A_2576, %mul3A_2577 : vector<16xf32>
        %add3A_2579 = arith.addf %unpack3A_2564, %unpack3A_2569 : vector<16xf32>
        %add3A_2580 = arith.addf %add3A_2579, %unpack3A_2574 : vector<16xf32>
        %mul3A_2581 = vector.broadcast %scan3A_3 : f32 to vector<16xf32>
        %mul3A_2582 = arith.mulf %add3A_2580, %mul3A_2581 : vector<16xf32>
        %swap3A_2583 = arith.index_cast %add3A_2560 : i32 to index
        %swap3A_2584 = arith.constant 0 : index
        %swap3A_2585 = tpu.vector_load %arg14[%swap3A_2583, %swap3A_2584] {strides = array<i32>} : memref<512x32xf32, #tpu.memory_space<vmem>>, vector<16xf32>,
        tpu.vector_store %arg14[%swap3A_2583, %swap3A_2584], %mul3A_2578 {strides = array<i32>} : memref<512x32xf32, #tpu.memory_space<vmem>>, vector<16xf32>,
        %swap3A_2586 = arith.index_cast %add3A_2560 : i32 to index
        %swap3A_2587 = arith.constant 16 : index
        %swap3A_2588 = tpu.vector_load %arg14[%swap3A_2586, %swap3A_2587] {strides = array<i32>} : memref<512x32xf32, #tpu.memory_space<vmem>>, vector<16xf32>,
        tpu.vector_store %arg14[%swap3A_2586, %swap3A_2587], %mul3A_2582 {strides = array<i32>} : memref<512x32xf32, #tpu.memory_space<vmem>>, vector<16xf32>,
        %mul3A_2589 = arith.constant 4 : i32
        %mul3A_2590 = arith.muli %scan3A_2556, %mul3A_2589 : i32
        %add3A_2591 = arith.constant 1 : i32
        %add3A_2592 = arith.addi %mul3A_2590, %add3A_2591 : i32
        %get3A_2593 = arith.index_cast %add3A_2592 : i32 to index
        %get3A_2594 = arith.constant 0 : index
        %get3A_2595 = tpu.vector_load %arg11[%get3A_2593, %get3A_2594] {strides = array<i32>} : memref<512x32xbf16, #tpu.memory_space<vmem>>, vector<32xbf16>,
        %unpack3A_2596 = tpu.unpack_subelements %get3A_2595, 0 {pack_format = #tpu.pack_format<interleaved>} : vector<32xbf16> -> vector<16xf32>
        %unpack3A_2597 = tpu.unpack_subelements %get3A_2595, 1 {pack_format = #tpu.pack_format<interleaved>} : vector<32xbf16> -> vector<16xf32>
        %get3A_2598 = arith.index_cast %add3A_2592 : i32 to index
        %get3A_2599 = arith.constant 0 : index
        %get3A_2600 = tpu.vector_load %arg12[%get3A_2598, %get3A_2599] {strides = array<i32>} : memref<512x32xbf16, #tpu.memory_space<vmem>>, vector<32xbf16>,
        %unpack3A_2601 = tpu.unpack_subelements %get3A_2600, 0 {pack_format = #tpu.pack_format<interleaved>} : vector<32xbf16> -> vector<16xf32>
        %unpack3A_2602 = tpu.unpack_subelements %get3A_2600, 1 {pack_format = #tpu.pack_format<interleaved>} : vector<32xbf16> -> vector<16xf32>
        %get3A_2603 = arith.index_cast %add3A_2592 : i32 to index
        %get3A_2604 = arith.constant 0 : index
        %get3A_2605 = tpu.vector_load %arg13[%get3A_2603, %get3A_2604] {strides = array<i32>} : memref<512x32xbf16, #tpu.memory_space<vmem>>, vector<32xbf16>,
        %unpack3A_2606 = tpu.unpack_subelements %get3A_2605, 0 {pack_format = #tpu.pack_format<interleaved>} : vector<32xbf16> -> vector<16xf32>
        %unpack3A_2607 = tpu.unpack_subelements %get3A_2605, 1 {pack_format = #tpu.pack_format<interleaved>} : vector<32xbf16> -> vector<16xf32>
        %add3A_2608 = arith.addf %unpack3A_2596, %unpack3A_2601 : vector<16xf32>
        %add3A_2609 = arith.addf %add3A_2608, %unpack3A_2606 : vector<16xf32>
        %mul3A_2610 = vector.broadcast %scan3A_3 : f32 to vector<16xf32>
        %mul3A_2611 = arith.mulf %add3A_2609, %mul3A_2610 : vector<16xf32>
        %add3A_2612 = arith.addf %unpack3A_2597, %unpack3A_2602 : vector<16xf32>
        %add3A_2613 = arith.addf %add3A_2612, %unpack3A_2607 : vector<16xf32>
        %mul3A_2614 = vector.broadcast %scan3A_3 : f32 to vector<16xf32>
        %mul3A_2615 = arith.mulf %add3A_2613, %mul3A_2614 : vector<16xf32>
        %swap3A_2616 = arith.index_cast %add3A_2592 : i32 to index
        %swap3A_2617 = arith.constant 0 : index
        %swap3A_2618 = tpu.vector_load %arg14[%swap3A_2616, %swap3A_2617] {strides = array<i32>} : memref<512x32xf32, #tpu.memory_space<vmem>>, vector<16xf32>,
        tpu.vector_store %arg14[%swap3A_2616, %swap3A_2617], %mul3A_2611 {strides = array<i32>} : memref<512x32xf32, #tpu.memory_space<vmem>>, vector<16xf32>,
        %swap3A_2619 = arith.index_cast %add3A_2592 : i32 to index
        %swap3A_2620 = arith.constant 16 : index
        %swap3A_2621 = tpu.vector_load %arg14[%swap3A_2619, %swap3A_2620] {strides = array<i32>} : memref<512x32xf32, #tpu.memory_space<vmem>>, vector<16xf32>,
        tpu.vector_store %arg14[%swap3A_2619, %swap3A_2620], %mul3A_2615 {strides = array<i32>} : memref<512x32xf32, #tpu.memory_space<vmem>>, vector<16xf32>,
        %mul3A_2622 = arith.constant 4 : i32
        %mul3A_2623 = arith.muli %scan3A_2556, %mul3A_2622 : i32
        %add3A_2624 = arith.constant 2 : i32
        %add3A_2625 = arith.addi %mul3A_2623, %add3A_2624 : i32
        %get3A_2626 = arith.index_cast %add3A_2625 : i32 to index
        %get3A_2627 = arith.constant 0 : index
        %get3A_2628 = tpu.vector_load %arg11[%get3A_2626, %get3A_2627] {strides = array<i32>} : memref<512x32xbf16, #tpu.memory_space<vmem>>, vector<32xbf16>,
        %unpack3A_2629 = tpu.unpack_subelements %get3A_2628, 0 {pack_format = #tpu.pack_format<interleaved>} : vector<32xbf16> -> vector<16xf32>
        %unpack3A_2630 = tpu.unpack_subelements %get3A_2628, 1 {pack_format = #tpu.pack_format<interleaved>} : vector<32xbf16> -> vector<16xf32>
        %get3A_2631 = arith.index_cast %add3A_2625 : i32 to index
        %get3A_2632 = arith.constant 0 : index
        %get3A_2633 = tpu.vector_load %arg12[%get3A_2631, %get3A_2632] {strides = array<i32>} : memref<512x32xbf16, #tpu.memory_space<vmem>>, vector<32xbf16>,
        %unpack3A_2634 = tpu.unpack_subelements %get3A_2633, 0 {pack_format = #tpu.pack_format<interleaved>} : vector<32xbf16> -> vector<16xf32>
        %unpack3A_2635 = tpu.unpack_subelements %get3A_2633, 1 {pack_format = #tpu.pack_format<interleaved>} : vector<32xbf16> -> vector<16xf32>
        %get3A_2636 = arith.index_cast %add3A_2625 : i32 to index
        %get3A_2637 = arith.constant 0 : index
        %get3A_2638 = tpu.vector_load %arg13[%get3A_2636, %get3A_2637] {strides = array<i32>} : memref<512x32xbf16, #tpu.memory_space<vmem>>, vector<32xbf16>,
        %unpack3A_2639 = tpu.unpack_subelements %get3A_2638, 0 {pack_format = #tpu.pack_format<interleaved>} : vector<32xbf16> -> vector<16xf32>
        %unpack3A_2640 = tpu.unpack_subelements %get3A_2638, 1 {pack_format = #tpu.pack_format<interleaved>} : vector<32xbf16> -> vector<16xf32>
        %add3A_2641 = arith.addf %unpack3A_2629, %unpack3A_2634 : vector<16xf32>
        %add3A_2642 = arith.addf %add3A_2641, %unpack3A_2639 : vector<16xf32>
        %mul3A_2643 = vector.broadcast %scan3A_3 : f32 to vector<16xf32>
        %mul3A_2644 = arith.mulf %add3A_2642, %mul3A_2643 : vector<16xf32>
        %add3A_2645 = arith.addf %unpack3A_2630, %unpack3A_2635 : vector<16xf32>
        %add3A_2646 = arith.addf %add3A_2645, %unpack3A_2640 : vector<16xf32>
        %mul3A_2647 = vector.broadcast %scan3A_3 : f32 to vector<16xf32>
        %mul3A_2648 = arith.mulf %add3A_2646, %mul3A_2647 : vector<16xf32>
        %swap3A_2649 = arith.index_cast %add3A_2625 : i32 to index
        %swap3A_2650 = arith.constant 0 : index
        %swap3A_2651 = tpu.vector_load %arg14[%swap3A_2649, %swap3A_2650] {strides = array<i32>} : memref<512x32xf32, #tpu.memory_space<vmem>>, vector<16xf32>,
        tpu.vector_store %arg14[%swap3A_2649, %swap3A_2650], %mul3A_2644 {strides = array<i32>} : memref<512x32xf32, #tpu.memory_space<vmem>>, vector<16xf32>,
        %swap3A_2652 = arith.index_cast %add3A_2625 : i32 to index
        %swap3A_2653 = arith.constant 16 : index
        %swap3A_2654 = tpu.vector_load %arg14[%swap3A_2652, %swap3A_2653] {strides = array<i32>} : memref<512x32xf32, #tpu.memory_space<vmem>>, vector<16xf32>,
        tpu.vector_store %arg14[%swap3A_2652, %swap3A_2653], %mul3A_2648 {strides = array<i32>} : memref<512x32xf32, #tpu.memory_space<vmem>>, vector<16xf32>,
        %mul3A_2655 = arith.constant 4 : i32
        %mul3A_2656 = arith.muli %scan3A_2556, %mul3A_2655 : i32
        %add3A_2657 = arith.constant 3 : i32
        %add3A_2658 = arith.addi %mul3A_2656, %add3A_2657 : i32
        %get3A_2659 = arith.index_cast %add3A_2658 : i32 to index
        %get3A_2660 = arith.constant 0 : index
        %get3A_2661 = tpu.vector_load %arg11[%get3A_2659, %get3A_2660] {strides = array<i32>} : memref<512x32xbf16, #tpu.memory_space<vmem>>, vector<32xbf16>,
        %unpack3A_2662 = tpu.unpack_subelements %get3A_2661, 0 {pack_format = #tpu.pack_format<interleaved>} : vector<32xbf16> -> vector<16xf32>
        %unpack3A_2663 = tpu.unpack_subelements %get3A_2661, 1 {pack_format = #tpu.pack_format<interleaved>} : vector<32xbf16> -> vector<16xf32>
        %get3A_2664 = arith.index_cast %add3A_2658 : i32 to index
        %get3A_2665 = arith.constant 0 : index
        %get3A_2666 = tpu.vector_load %arg12[%get3A_2664, %get3A_2665] {strides = array<i32>} : memref<512x32xbf16, #tpu.memory_space<vmem>>, vector<32xbf16>,
        %unpack3A_2667 = tpu.unpack_subelements %get3A_2666, 0 {pack_format = #tpu.pack_format<interleaved>} : vector<32xbf16> -> vector<16xf32>
        %unpack3A_2668 = tpu.unpack_subelements %get3A_2666, 1 {pack_format = #tpu.pack_format<interleaved>} : vector<32xbf16> -> vector<16xf32>
        %get3A_2669 = arith.index_cast %add3A_2658 : i32 to index
        %get3A_2670 = arith.constant 0 : index
        %get3A_2671 = tpu.vector_load %arg13[%get3A_2669, %get3A_2670] {strides = array<i32>} : memref<512x32xbf16, #tpu.memory_space<vmem>>, vector<32xbf16>,
        %unpack3A_2672 = tpu.unpack_subelements %get3A_2671, 0 {pack_format = #tpu.pack_format<interleaved>} : vector<32xbf16> -> vector<16xf32>
        %unpack3A_2673 = tpu.unpack_subelements %get3A_2671, 1 {pack_format = #tpu.pack_format<interleaved>} : vector<32xbf16> -> vector<16xf32>
        %add3A_2674 = arith.addf %unpack3A_2662, %unpack3A_2667 : vector<16xf32>
        %add3A_2675 = arith.addf %add3A_2674, %unpack3A_2672 : vector<16xf32>
        %mul3A_2676 = vector.broadcast %scan3A_3 : f32 to vector<16xf32>
        %mul3A_2677 = arith.mulf %add3A_2675, %mul3A_2676 : vector<16xf32>
        %add3A_2678 = arith.addf %unpack3A_2663, %unpack3A_2668 : vector<16xf32>
        %add3A_2679 = arith.addf %add3A_2678, %unpack3A_2673 : vector<16xf32>
        %mul3A_2680 = vector.broadcast %scan3A_3 : f32 to vector<16xf32>
        %mul3A_2681 = arith.mulf %add3A_2679, %mul3A_2680 : vector<16xf32>
        %swap3A_2682 = arith.index_cast %add3A_2658 : i32 to index
        %swap3A_2683 = arith.constant 0 : index
        %swap3A_2684 = tpu.vector_load %arg14[%swap3A_2682, %swap3A_2683] {strides = array<i32>} : memref<512x32xf32, #tpu.memory_space<vmem>>, vector<16xf32>,
        tpu.vector_store %arg14[%swap3A_2682, %swap3A_2683], %mul3A_2677 {strides = array<i32>} : memref<512x32xf32, #tpu.memory_space<vmem>>, vector<16xf32>,
        %swap3A_2685 = arith.index_cast %add3A_2658 : i32 to index
        %swap3A_2686 = arith.constant 16 : index
        %swap3A_2687 = tpu.vector_load %arg14[%swap3A_2685, %swap3A_2686] {strides = array<i32>} : memref<512x32xf32, #tpu.memory_space<vmem>>, vector<16xf32>,
        tpu.vector_store %arg14[%swap3A_2685, %swap3A_2686], %mul3A_2681 {strides = array<i32>} : memref<512x32xf32, #tpu.memory_space<vmem>>, vector<16xf32>,
      }
      %scan3A_2554 = arith.constant 128 : i32
      %add3A_2555 = arith.addi %mul3A_2, %mul3A_11 : i32
      "tpu.region"() ({
        %run_scoped3A = tpu.sem_alloc : memref<!tpu.dma_semaphore, #tpu.memory_space<semaphore_mem>>
        %dma_start3A_2556 = arith.constant 0 : i32
        %dma_start3A_2557 = tpu.memref_slice %arg6[%add3A_2555, %dma_start3A_2556] : memref<262144x32xf32, #tpu.memory_space<hbm>> -> memref<512x32xf32, #tpu.memory_space<hbm>>
        %dma_start3A_2558 = arith.constant 0 : i32
        %dma_start3A_2559 = tpu.memref_slice %arg6[%add3A_2555, %dma_start3A_2558] : memref<262144x32xf32, #tpu.memory_space<hbm>> -> memref<512x32xf32, #tpu.memory_space<hbm>>
        tpu.enqueue_dma source(%arg14 : memref<512x32xf32, #tpu.memory_space<vmem>>) target(%dma_start3A_2559 : memref<512x32xf32, #tpu.memory_space<hbm>>) target_semaphore(%run_scoped3A : memref<!tpu.dma_semaphore, #tpu.memory_space<semaphore_mem>>)
        %dma_wait3A_2560 = arith.constant 0 : i32
        %dma_wait3A_2561 = tpu.memref_slice %arg6[%add3A_2555, %dma_wait3A_2560] : memref<262144x32xf32, #tpu.memory_space<hbm>> -> memref<512x32xf32, #tpu.memory_space<hbm>>
        %dma_wait3A_2562 = arith.constant 0 : i32
        %dma_wait3A_2563 = tpu.memref_slice %arg6[%add3A_2555, %dma_wait3A_2562] : memref<262144x32xf32, #tpu.memory_space<hbm>> -> memref<512x32xf32, #tpu.memory_space<hbm>>
        tpu.wait_dma2 semaphore(%run_scoped3A : memref<!tpu.dma_semaphore, #tpu.memory_space<semaphore_mem>>) src(%arg14 : memref<512x32xf32, #tpu.memory_space<vmem>>) dst(%dma_wait3A_2563 : memref<512x32xf32, #tpu.memory_space<hbm>>)
        tpu.yield
      }) : () -> ()
    }
    %scan3A_8 = arith.constant 16 : i32
    return
  }
}

</mosaic_0001>

<sc_bundles>
// kernel: _run.3.cloned.1.call-start
scs
__scs_entry_jumppad:
0x0: {  	(pc) =	sbr.rel $0x88, $3  }
0x1: {  	(tag) =	ssettag $0x0;
	lr =	simm.s32 $0x1  }
0x2: {  	[smem:$0x3F9D] =	sst lr;
	_ =	strace $0xD0000000  }
0x3: {  	_ = 	snop  }
0x4: {  	_ = 	snop  }
0x5: {  	_ = 	snop  }
0x6: {  	_ = 	snop  }
0x7: {  	_ = 	snop  }
__scs_overlays_trampoline_lowered:
0x8: {  	[smem:$0x3FAC] =	sst s0  }
0x9: {  	[smem:$0x3FAD] =	sst s1  }
0xa: {  	[smem:$0x3FAE] =	sst s2  }
0xb: {  	[smem:$0x3FAF] =	sst s3  }
0xc: {  	[smem:$0x3FB0] =	sst s4  }
0xd: {  	[smem:$0x3FB1] =	sst s5  }
0xe: {  	[smem:$0x3FB2] =	sst s6  }
0xf: {  	[smem:$0x3FB3] =	sst s7  }
0x10: {  	[smem:$0x3FB4] =	sst s8  }
0x11: {  	[smem:$0x3FB5] =	sst s9;
	s0 =	simm.s32 @!p0 $0x0  }
0x12: {  	s1 =	sld [smem:$0x3F9B];
	s0 =	simm.s32 @p0 $0x1  }
0x13: {  	[smem:$0x3FB6] =	sst s0;
	s0 =	simm.s32 @!p1 $0x0  }
0x14: {  	s2 =	sld [smem:$0x3F9A];
	s0 =	simm.s32 @p1 $0x1  }
0x15: {  	[smem:$0x3FB7] =	sst s0;
	s0 =	simm.s32 @!p2 $0x0  }
0x16: {  	s3 =	sld [smem:$0x3FDB];
	s0 =	simm.s32 @p2 $0x1  }
0x17: {  	s4 =	simm.s32 $0x1BF5;
	[smem:$0x3FB9] =	sst s0  }
0x18: {  	s0 =	sld [smem:$0x3F9C];
	_ =	swait.ge [sflag:s4], $0x0  }
0x19: {  	s7 =	sld [smem:$0x3F9D]  }
0x1a: {  	s8 =	sadd.s32 $0xFFFFE003, lr  }
0x1b: {  	s9 =	sadd.s32 $0xFFFFFEF7, lr;
	s5 =	simm.s32 $0xFFFFFFFF;
	p2 =	slt.u32 s8, $0xFFFFF086  }
0x1c: {  	p1 =	slt.u32 s9, $0xF7A;
	s5 =	simm.s32 @!p2 $0x0  }
0x1d: {  	s5 =	simm.s32 @p1 $0x1;
	p0 =	seq.s32 s7, s2  }
0x1e: {  	s7 =	smul.u32 @!p0 $0xF7A, s2;
	p2 =	seq.s32 @!p0 s5, $0x0  }
0x1f: {  	s9 =	smul.u32 $0xF7A, s1;
	s8 =	simm.s32 @!p0 $0x1BF5;
	p2 =	por !p2, p0  }
0x20: {  	[sflag:s8] =	ssyncset.s32 @!p0 $0xFFFFF086;
	s6 =	sadd.s32 @!p0 s3, s7;
	s7 =	simm.s32 @!p0 $0x108  }
0x21: {  	s3 =	sadd.s32 s3, s9;
	s6 =	sadd.s32 @!p0 $0x88, s6;
	s7 =	simm.s32 @p2 $0x1082  }
0x22: {  	[simem:s7], [sflag:s8] =	dma.local @!p0 [hbm:s6], $0xF7A  }
0x23: {  	s9 =	sor.u32 $0xD0000000, s2;
	s6 =	simm.s32 $0x108;
	_ =	swait.ge @!p0 [sflag:s8], $0x0  }
0x24: {  	s3 =	sadd.s32 $0x88, s3;
	s6 =	simm.s32 @!p1 $0x1082;
	[sflag:s4] =	ssyncset.s32 $0xFFFFF086  }
0x25: {  	[simem:s6], [sflag:s4] =	dma.local [hbm:s3], $0xF7A  }
0x26: {  	[smem:$0x3F9D] =	sst s1;
	(tag) =	ssettag s2;
	_ =	strace s9  }
0x27: {  	s1 =	sld [smem:$0x3FAD]  }
0x28: {  	s2 =	sld [smem:$0x3FAE]  }
0x29: {  	s4 =	sld [smem:$0x3FB0]  }
0x2a: {  	p0 =	seq.s32 s5, $0x0;
	s5 =	sld [smem:$0x3FB1]  }
0x2b: {  	s6 =	sld [smem:$0x3FB2]  }
0x2c: {  	s7 =	sld [smem:$0x3FB3]  }
0x2d: {  	s3 =	simm.s32 $0x108;
	s8 =	sld [smem:$0x3FB4]  }
0x2e: {  	s3 =	simm.s32 @!p0 $0x1082;
	s9 =	sld [smem:$0x3FB5]  }
0x2f: {  	lr =	sadd.s32 s0, s3;
	s0 =	sld [smem:$0x3FAC]  }
0x30: {  	s3 =	sld [smem:$0x3FAF]  }
0x31: {  	[smem:$0x3FB8] =	sst s10  }
0x32: {  	s10 =	sld [smem:$0x3FB6];
	_ =	sdelay $0x3  }
0x33: {  	p0 =	seq.s32 s10, $0x1;
	s10 =	sld [smem:$0x3FB8];
	_ =	sdelay $0x3  }
0x34: {  	[smem:$0x3FB8] =	sst s10  }
0x35: {  	s10 =	sld [smem:$0x3FB7];
	_ =	sdelay $0x3  }
0x36: {  	p1 =	seq.s32 s10, $0x1;
	s10 =	sld [smem:$0x3FB8];
	_ =	sdelay $0x3  }
0x37: {  	[smem:$0x3FB8] =	sst s10  }
0x38: {  	s10 =	sld [smem:$0x3FB9]  }
0x39: {  	_ = 	snop;
	(pc) =	sbr.ind lr, $3  }
0x3a: {  	_ = 	snop  }
0x3b: {  	_ = 	snop  }
0x3c: {  	p2 =	seq.s32 s10, $0x1;
	s10 =	sld [smem:$0x3FB8]  }
0x3d: {  	_ =	shalt  }
0x3e: {  	_ =	shalt  }
0x3f: {  	_ =	shalt  }
0x40: {  	_ =	shalt  }
0x41: {  	_ =	shalt  }
0x42: {  	_ =	shalt  }
0x43: {  	_ =	shalt  }
0x44: {  	_ =	shalt  }
0x45: {  	_ =	shalt  }
0x46: {  	_ =	shalt  }
0x47: {  	_ =	shalt  }
0x48: {  	_ =	shalt  }
0x49: {  	_ =	shalt  }
0x4a: {  	_ =	shalt  }
0x4b: {  	_ =	shalt  }
0x4c: {  	_ =	shalt  }
0x4d: {  	_ =	shalt  }
0x4e: {  	_ =	shalt  }
0x4f: {  	_ =	shalt  }
0x50: {  	_ =	shalt  }
0x51: {  	_ =	shalt  }
0x52: {  	_ =	shalt  }
0x53: {  	_ =	shalt  }
0x54: {  	_ =	shalt  }
0x55: {  	_ =	shalt  }
0x56: {  	_ =	shalt  }
0x57: {  	_ =	shalt  }
0x58: {  	_ =	shalt  }
0x59: {  	_ =	shalt  }
0x5a: {  	_ =	shalt  }
0x5b: {  	_ =	shalt  }
0x5c: {  	_ =	shalt  }
0x5d: {  	_ =	shalt  }
0x5e: {  	_ =	shalt  }
0x5f: {  	_ =	shalt  }
0x60: {  	_ =	shalt  }
0x61: {  	_ =	shalt  }
0x62: {  	_ =	shalt  }
0x63: {  	_ =	shalt  }
0x64: {  	_ =	shalt  }
0x65: {  	_ =	shalt  }
0x66: {  	_ =	shalt  }
0x67: {  	_ =	shalt  }
0x68: {  	_ =	shalt  }
0x69: {  	_ =	shalt  }
0x6a: {  	_ =	shalt  }
0x6b: {  	_ =	shalt  }
0x6c: {  	_ =	shalt  }
0x6d: {  	_ =	shalt  }
0x6e: {  	_ =	shalt  }
0x6f: {  	_ =	shalt  }
0x70: {  	_ =	shalt  }
0x71: {  	_ =	shalt  }
0x72: {  	_ =	shalt  }
0x73: {  	_ =	shalt  }
0x74: {  	_ =	shalt  }
0x75: {  	_ =	shalt  }
0x76: {  	_ =	shalt  }
0x77: {  	_ =	shalt  }
0x78: {  	_ =	shalt  }
0x79: {  	_ =	shalt  }
0x7a: {  	_ =	shalt  }
0x7b: {  	_ =	shalt  }
0x7c: {  	_ =	shalt  }
0x7d: {  	_ =	shalt  }
0x7e: {  	_ =	shalt  }
0x7f: {  	_ =	shalt  }
0x80: {  	_ =	shalt  }
0x81: {  	_ =	shalt  }
0x82: {  	_ =	shalt  }
0x83: {  	_ =	shalt  }
0x84: {  	_ =	shalt  }
0x85: {  	_ =	shalt  }
0x86: {  	_ =	shalt  }
0x87: {  	_ =	shalt  }
.Lfunc_end0:
.L_simem_size_0:
called_computation.1_lowered:
.L_overlay_start_0:
0x88: {  	s2 =	sld [smem:$0x3FD9]  }
0x89: {  	s3 =	sld [smem:$0x3FFE];
	_ =	sdelay $0x1  }
0x8a: {  	s1 =	srdreg.scid  }
0x8b: {  	s0 =	sand.u32 $0x1, s1  }
0x8c: {  	s17 =	sshll.u32 s0, $0xA;
	s2 =	sadd.s32 s3, s2  }
0x8d: {  	s2 =	sadd.s32 s2, s17  }
0x8e: {  	[smem:$0x3FC4] =	sst s2  }
0x8f: {  	_ = 	snop  }
0x90: {  	s2 =	sld [smem:$0x3FC9]  }
0x91: {  	s18 =	sld [smem:$0x3FC8]  }
0x92: {  	s4 =	sld [smem:$0x3FC7]  }
0x93: {  	s5 =	sld [smem:$0x3FD0];
	(tm) =	ssettm $0x1  }
0x94: {  	s6 =	sld [smem:$0x3FFB];
	_ =	sdelay $0x3  }
0x95: {  	_ =	strace s6  }
0x96: {  	s6 =	sld [smem:$0x3FFC];
	_ =	sdelay $0x3  }
0x97: {  	_ =	strace s6  }
0x98: {  	s6 =	sld [smem:$0x3FFD];
	_ =	sdelay $0x3  }
0x99: {  	_ =	strace s6  }
0x9a: {  	_ =	strace $0x8FFFFFFF  }
0x9b: {  	s19 =	sld [smem:$0x3FDB];
	_ =	sdelay $0x1  }
0x9c: {  	s7 =	simm.s32 $_scs_section_size  }
0x9d: {  	s8 =	simm.s32 $_size__tile_overlayer_lowered;
	s9 =	simm.s32 $_tile_overlayer_lowered  }
0x9e: {  	s22 =	simm.s32 $0x1BFF;
	s21 =	sshll.u32 s9, $0x1;
	s6 =	sadd.s32 s7, s19  }
0x9f: {  	s10 =	simm.s32 $0x0;
	s20 =	sshll.u32 s8, $0x1;
	s8 =	sadd.s32 s21, s6  }
0xa0: {  	[timem:s10], [sflag:s22] =	dma.local [hbm:s8], s20  }
0xa1: {  	_ =	swait.ge [sflag:s22], s20  }
0xa2: {  	s7 =	ssub.s32 $0x0, s20;
	[sflag:s22] =	ssyncset.done $0x0  }
0xa3: {  	[sflag:s22] =	ssyncadd.s32 s7;
	_ =	sdelay $0x1  }
0xa4: {  	s23 =	simm.s32 $0x1B8B  }
0xa5: {  	_ =	swait.ge [sflag:s23], $0x1  }
0xa6: {  	[sflag:s23] =	ssyncset.done $0x0  }
0xa7: {  	s25 =	simm.s32 $0x1B8E;
	s24 =	sld [smem:$0x3FFE];
	[sflag:s23] =	ssyncadd.s32 $0xFFFFFFFF  }
0xa8: {  	s26 =	simm.s32 $execute0_lowered;
	[smem:$0x3FD2] =	sst s25  }
0xa9: {  	s8 =	sshll.u32 s26, $0x1;
	_ =	strace $0x80000046;
	[dreg:$0x1] =	wrdreg $0xFFFFFFFF  }
0xaa: {  	s28 =	simm.s32 $_size_execute0_lowered;
	s6 =	sadd.s32 s6, s8;
	[dreg:$0x0] =	wrdreg $0x0  }
0xab: {  	s8 =	sshll.u32 s28, $0x1;
	[dreg:$0x2] =	wrdreg s6  }
0xac: {  	[dreg:$0x3] =	wrdreg s8  }
0xad: {  	[dreg:$0x4] =	wrdreg $0xC0  }
0xae: {  	_ =	task [dreg:s10], $0x5FFFF  }
0xaf: {  	[dreg:$0x1] =	wrdreg $0xFFFFFFFF  }
0xb0: {  	[dreg:$0x0] =	wrdreg $0x60  }
0xb1: {  	[dreg:$0x2] =	wrdreg s2  }
0xb2: {  	[dreg:$0x3] =	wrdreg s18  }
0xb3: {  	[dreg:$0x4] =	wrdreg s4  }
0xb4: {  	[dreg:$0x5] =	wrdreg s24  }
0xb5: {  	[dreg:$0x6] =	wrdreg s5  }
0xb6: {  	[dreg:$0x7] =	wrdreg $0x9  }
0xb7: {  	_ =	task.clear_ibuf [dreg:s10], $0x8FFFF;
	_ =	strace $0x90000046  }
0xb8: {  	s29 =	simm.s32 $0x9;
	_ =	strace $0x80000048  }
0xb9: {  	_ =	swait.ge [sflag:s29], $0x1  }
0xba: {  	[sflag:s29] =	ssyncadd.s32 $0xFFFFFFFF  }
0xbb: {  	_ =	strace $0x90000048  }
0xbc: {  	_ =	sfence  }
0xbd: {  	s30 =	sld [smem:$0x0];
	_ =	sdelay $0x2  }
0xbe: {  	s31 =	sshll.u32 s1, $0xD;
	s1 =	sshrl.u32 s1, $0x2  }
0xbf: {  	s3 =	sand.u32 $0x4000, s31;
	s1 =	sadd.s32 s1, s30  }
0xc0: {  	s0 =	sor.u32 s3, s0;
	s1 =	sshll.u32 s1, $0x11  }
0xc1: {  	s0 =	sor.u32 s1, s0  }
0xc2: {  	s0 =	sadd.s32 $0x8F2B, s0  }
0xc3: {  	[sflag:s0] =	ssyncadd.remote.s32 $0x1  }
0xc4: {  	_ =	sfence.sel $0xFFFF  }
0xc5: {  	[dreg:$0x0] =	wrdreg $0xFFFFFFFF;
	(pc) =	sbr.abs _section_cstart, $3  }
0xc6: {  	[dreg:$0x1] =	wrdreg $0xFFFFFFFF  }
0xc7: {  	_ =	task.clear_ibuf [dreg:s10], $0x2FFFF;
	_ =	strace $0x9FFFFFFF  }
0xc8: {  	(tm) =	ssettm $0x7FFFFFFF  }
0xc9: {  	_ =	shalt  }
tec
execute0_lowered:
.L_overlay_start_1:
0x0: {  	(tag) =	ssettag $0x1  }
0x1: {  	s0 =	rddreg [dreg:$0x0]  }
0x2: {  	s1 =	rddreg [dreg:$0x1]  }
0x3: {  	s2 =	rddreg [dreg:$0x2]  }
0x4: {  	s5 =	rddreg [dreg:$0x3];
	s4 =	srdreg.scid;
	s3 =	simm.s32 $0x0  }
0x5: {  	s6 =	stileid.u32;
	s10 =	simm.s32 $0x2;
	s13 =	simm.s32 $0x80  }
0x6: {  	s21 =	simm.s32 $0x7E00;
	s22 =	simm.s32 $0x6200;
	s28 =	simm.s32 $0x9600  }
0x7: {  	s29 =	simm.s32 $0x6380;
	s30 =	simm.s32 $0x9E00;
	s31 =	simm.s32 $0x6400  }
0x8: {  	s11 =	simm.s32 $0xAE00;
	s12 =	simm.s32 $0x6500;
	s9 =	simm.s32 $0x1  }
0x9: {  	s15 =	simm.s32 $0x0;
	s4 =	sand.u32 $0x1, s4;
	[smem:$0x7FF] =	sst s3  }
0xa: {  	s6 =	sshll.u32 s6, $0xE;
	s7 =	sshll.u32 s4, $0xD;
	s8 =	ssub.s32 $0x2, s4  }
0xb: {  	s5 =	sadd.s32 $0x800, s5;
	s4 =	sor.u32 s7, s6;
	s23 =	sshrl.u32 s8, $0x1  }
0xc: {  	_ =	strace $0x80000047;
	s7 =	sshrl.u32 s4, $0x3;
	s6 =	ssub.s32 s8, s23  }
0xd: {  	s23 =	simm.s32 $0x8600;
	s8 =	simm.s32 $0xBE00;
	s0 =	sadd.s32 s0, s7  }
0xe: {  	s24 =	sadd.s32 s1, s7;
	s25 =	sadd.s32 s2, s7;
	[dreg:$0x6] =	wrdreg s0  }
0xf: {  	s26 =	smax.u32 s6, $0x1;
	s1 =	simm.s32 $0x6480;
	[dreg:$0x7] =	wrdreg s24  }
0x10: {  	s6 =	simm.s32 $0xB600;
	s7 =	simm.s32 $0x6580;
	[dreg:$0x8] =	wrdreg s25  }
0x11: {  	s2 =	simm.s32 $0xC600;
	[dreg:$0x9] =	wrdreg s26;
	s24 =	simm.s32 $0x6280  }
0x12: {  	s25 =	simm.s32 $0x8E00;
	s26 =	simm.s32 $0x6300;
	s0 =	simm.s32 $0xA600  }
.LBB2_1:
0x13: {  	[dreg:$0xa] =	wrdreg s15  }
0x14: {  	s14 =	rddreg [dreg:$0x6]  }
0x15: {  	[tilespmem:s3], [sflag:$0x2] =	stream.linear.gather [hbm4b:s14+s3], $0x2000, $0x38;
	[tilespmem:$0x10600] =	vst v63  }
0x16: {  	_ =	swait.ge [sflag:s10], $0x2000  }
0x17: {  	[sflag:s10] =	ssyncset.done $0x0  }
0x18: {  	s18 =	simm.s32 $0x2000;
	s17 =	rddreg [dreg:$0x7];
	[sflag:s10] =	ssyncadd.s32 $0xFFFFE000  }
0x19: {  	[tilespmem:s18], [sflag:$0x2] =	stream.linear.gather [hbm4b:s17+s3], $0x2000, $0x38;
	[tilespmem:$0x10600] =	vst v63  }
0x1a: {  	_ =	swait.ge [sflag:s10], $0x2000  }
0x1b: {  	[sflag:s10] =	ssyncset.done $0x0  }
0x1c: {  	s20 =	simm.s32 $0x4000;
	s19 =	rddreg [dreg:$0x8];
	[sflag:s10] =	ssyncadd.s32 $0xFFFFE000  }
0x1d: {  	[tilespmem:s20], [sflag:$0x2] =	stream.linear.gather [hbm4b:s19+s3], $0x2000, $0x38;
	[tilespmem:$0x10600] =	vst v63  }
0x1e: {  	_ =	swait.ge [sflag:s10], $0x2000  }
0x1f: {  	[sflag:s10] =	ssyncset.done $0x0  }
0x20: {  	s14 =	simm.s32 $0x0;
	[sflag:s10] =	ssyncadd.s32 $0xFFFFE000  }
.LBB2_2:
0x21: {  	s15 =	sshll.u32 s14, $0x9  }
0x22: {  	v0 =	vld [tilespmem:s15+$0x0];
	_ =	sdelay $0x4  }
0x23: {  	v0 =	vadd.f32 $1.000000000e+00, v0;
	_ =	sdelay $0x1  }
0x24: {  	v0 =	vmul.f32 $3.276750000e+04, v0;
	_ =	sdelay $0x1  }
0x25: {  	v0 =	vtrunc.f32 v0  }
0x26: {  	v0 =	vcvt.f32.s32 v0;
	_ =	sdelay $0x1  }
0x27: {  	vm0 =	vgt.s32 v0, $0x0  }
0x28: {  	v0 =	vnsel vm0, $0x0, v0  }
0x29: {  	v0 =	vmin.u32 v0, $0xFFFF  }
0x2a: {  	[tilespmem:$0x6000] =	vst v0  }
0x2b: {  	v0 =	vld [tilespmem:s15+$0x10];
	_ =	sdelay $0x4  }
0x2c: {  	v0 =	vadd.f32 $1.000000000e+00, v0;
	_ =	sdelay $0x1  }
0x2d: {  	v0 =	vmul.f32 $3.276750000e+04, v0;
	_ =	sdelay $0x1  }
0x2e: {  	v0 =	vtrunc.f32 v0  }
0x2f: {  	v0 =	vcvt.f32.s32 v0;
	_ =	sdelay $0x1  }
0x30: {  	vm5 =	vgt.s32 v0, $0x0  }
0x31: {  	v0 =	vnsel vm5, $0x0, v0  }
0x32: {  	v0 =	vmin.u32 v0, $0xFFFF  }
0x33: {  	[tilespmem:$0x6010] =	vst v0  }
0x34: {  	v0 =	vld [tilespmem:s15+$0x20];
	_ =	sdelay $0x4  }
0x35: {  	v0 =	vadd.f32 $1.000000000e+00, v0;
	_ =	sdelay $0x1  }
0x36: {  	v0 =	vmul.f32 $3.276750000e+04, v0;
	_ =	sdelay $0x1  }
0x37: {  	v0 =	vtrunc.f32 v0  }
0x38: {  	v0 =	vcvt.f32.s32 v0;
	_ =	sdelay $0x1  }
0x39: {  	vm6 =	vgt.s32 v0, $0x0  }
0x3a: {  	v0 =	vnsel vm6, $0x0, v0  }
0x3b: {  	v0 =	vmin.u32 v0, $0xFFFF  }
0x3c: {  	[tilespmem:$0x6020] =	vst v0  }
0x3d: {  	v0 =	vld [tilespmem:s15+$0x30];
	_ =	sdelay $0x4  }
0x3e: {  	v0 =	vadd.f32 $1.000000000e+00, v0;
	_ =	sdelay $0x1  }
0x3f: {  	v0 =	vmul.f32 $3.276750000e+04, v0;
	_ =	sdelay $0x1  }
0x40: {  	v0 =	vtrunc.f32 v0  }
0x41: {  	v0 =	vcvt.f32.s32 v0;
	_ =	sdelay $0x1  }
0x42: {  	vm7 =	vgt.s32 v0, $0x0  }
0x43: {  	v0 =	vnsel vm7, $0x0, v0  }
0x44: {  	v0 =	vmin.u32 v0, $0xFFFF  }
0x45: {  	[tilespmem:$0x6030] =	vst v0  }
0x46: {  	v0 =	vld [tilespmem:s15+$0x40];
	_ =	sdelay $0x4  }
0x47: {  	v0 =	vadd.f32 $1.000000000e+00, v0;
	_ =	sdelay $0x1  }
0x48: {  	v0 =	vmul.f32 $3.276750000e+04, v0;
	_ =	sdelay $0x1  }
0x49: {  	v0 =	vtrunc.f32 v0  }
0x4a: {  	v0 =	vcvt.f32.s32 v0;
	_ =	sdelay $0x1  }
0x4b: {  	vm8 =	vgt.s32 v0, $0x0  }
0x4c: {  	v0 =	vnsel vm8, $0x0, v0  }
0x4d: {  	v0 =	vmin.u32 v0, $0xFFFF  }
0x4e: {  	[tilespmem:$0x6040] =	vst v0  }
0x4f: {  	v0 =	vld [tilespmem:s15+$0x50];
	_ =	sdelay $0x4  }
0x50: {  	v0 =	vadd.f32 $1.000000000e+00, v0;
	_ =	sdelay $0x1  }
0x51: {  	v0 =	vmul.f32 $3.276750000e+04, v0;
	_ =	sdelay $0x1  }
0x52: {  	v0 =	vtrunc.f32 v0  }
0x53: {  	v0 =	vcvt.f32.s32 v0;
	_ =	sdelay $0x1  }
0x54: {  	vm9 =	vgt.s32 v0, $0x0  }
0x55: {  	v0 =	vnsel vm9, $0x0, v0  }
0x56: {  	v0 =	vmin.u32 v0, $0xFFFF  }
0x57: {  	[tilespmem:$0x6050] =	vst v0  }
0x58: {  	v0 =	vld [tilespmem:s15+$0x60];
	_ =	sdelay $0x4  }
0x59: {  	v0 =	vadd.f32 $1.000000000e+00, v0;
	_ =	sdelay $0x1  }
0x5a: {  	v0 =	vmul.f32 $3.276750000e+04, v0;
	_ =	sdelay $0x1  }
0x5b: {  	v0 =	vtrunc.f32 v0  }
0x5c: {  	v0 =	vcvt.f32.s32 v0;
	_ =	sdelay $0x1  }
0x5d: {  	vm10 =	vgt.s32 v0, $0x0  }
0x5e: {  	v0 =	vnsel vm10, $0x0, v0  }
0x5f: {  	v0 =	vmin.u32 v0, $0xFFFF  }
0x60: {  	[tilespmem:$0x6060] =	vst v0  }
0x61: {  	v0 =	vld [tilespmem:s15+$0x70];
	_ =	sdelay $0x4  }
0x62: {  	v0 =	vadd.f32 $1.000000000e+00, v0;
	_ =	sdelay $0x1  }
0x63: {  	v0 =	vmul.f32 $3.276750000e+04, v0;
	_ =	sdelay $0x1  }
0x64: {  	v0 =	vtrunc.f32 v0  }
0x65: {  	v0 =	vcvt.f32.s32 v0;
	_ =	sdelay $0x1  }
0x66: {  	vm11 =	vgt.s32 v0, $0x0  }
0x67: {  	v0 =	vnsel vm11, $0x0, v0  }
0x68: {  	v0 =	vmin.u32 v0, $0xFFFF  }
0x69: {  	[tilespmem:$0x6070] =	vst v0  }
0x6a: {  	v0 =	vld [tilespmem:s15+$0x80];
	_ =	sdelay $0x4  }
0x6b: {  	v0 =	vadd.f32 $1.000000000e+00, v0;
	_ =	sdelay $0x1  }
0x6c: {  	v0 =	vmul.f32 $3.276750000e+04, v0;
	_ =	sdelay $0x1  }
0x6d: {  	v0 =	vtrunc.f32 v0  }
0x6e: {  	v0 =	vcvt.f32.s32 v0;
	_ =	sdelay $0x1  }
0x6f: {  	vm12 =	vgt.s32 v0, $0x0  }
0x70: {  	v0 =	vnsel vm12, $0x0, v0  }
0x71: {  	v0 =	vmin.u32 v0, $0xFFFF  }
0x72: {  	[tilespmem:$0x6080] =	vst v0  }
0x73: {  	v0 =	vld [tilespmem:s15+$0x90];
	_ =	sdelay $0x4  }
0x74: {  	v0 =	vadd.f32 $1.000000000e+00, v0;
	_ =	sdelay $0x1  }
0x75: {  	v0 =	vmul.f32 $3.276750000e+04, v0;
	_ =	sdelay $0x1  }
0x76: {  	v0 =	vtrunc.f32 v0  }
0x77: {  	v0 =	vcvt.f32.s32 v0;
	_ =	sdelay $0x1  }
0x78: {  	vm13 =	vgt.s32 v0, $0x0  }
0x79: {  	v0 =	vnsel vm13, $0x0, v0  }
0x7a: {  	v0 =	vmin.u32 v0, $0xFFFF  }
0x7b: {  	[tilespmem:$0x6090] =	vst v0  }
0x7c: {  	v0 =	vld [tilespmem:s15+$0xA0];
	_ =	sdelay $0x4  }
0x7d: {  	v0 =	vadd.f32 $1.000000000e+00, v0;
	_ =	sdelay $0x1  }
0x7e: {  	v0 =	vmul.f32 $3.276750000e+04, v0;
	_ =	sdelay $0x1  }
0x7f: {  	v0 =	vtrunc.f32 v0  }
0x80: {  	v0 =	vcvt.f32.s32 v0;
	_ =	sdelay $0x1  }
0x81: {  	vm14 =	vgt.s32 v0, $0x0  }
0x82: {  	v0 =	vnsel vm14, $0x0, v0  }
0x83: {  	v0 =	vmin.u32 v0, $0xFFFF  }
0x84: {  	[tilespmem:$0x60A0] =	vst v0  }
0x85: {  	v0 =	vld [tilespmem:s15+$0xB0];
	_ =	sdelay $0x4  }
0x86: {  	v0 =	vadd.f32 $1.000000000e+00, v0;
	_ =	sdelay $0x1  }
0x87: {  	v0 =	vmul.f32 $3.276750000e+04, v0;
	_ =	sdelay $0x1  }
0x88: {  	v0 =	vtrunc.f32 v0  }
0x89: {  	v0 =	vcvt.f32.s32 v0;
	_ =	sdelay $0x1  }
0x8a: {  	vm15 =	vgt.s32 v0, $0x0  }
0x8b: {  	v0 =	vnsel vm15, $0x0, v0  }
0x8c: {  	v0 =	vmin.u32 v0, $0xFFFF  }
0x8d: {  	[tilespmem:$0x60B0] =	vst v0  }
0x8e: {  	v0 =	vld [tilespmem:s15+$0xC0];
	_ =	sdelay $0x4  }
0x8f: {  	v0 =	vadd.f32 $1.000000000e+00, v0;
	_ =	sdelay $0x1  }
0x90: {  	v0 =	vmul.f32 $3.276750000e+04, v0;
	_ =	sdelay $0x1  }
0x91: {  	v0 =	vtrunc.f32 v0  }
0x92: {  	v0 =	vcvt.f32.s32 v0;
	_ =	sdelay $0x1  }
0x93: {  	vm4 =	vgt.s32 v0, $0x0  }
0x94: {  	v0 =	vnsel vm4, $0x0, v0  }
0x95: {  	v0 =	vmin.u32 v0, $0xFFFF  }
0x96: {  	[tilespmem:$0x60C0] =	vst v0  }
0x97: {  	v0 =	vld [tilespmem:s15+$0xD0];
	_ =	sdelay $0x4  }
0x98: {  	v0 =	vadd.f32 $1.000000000e+00, v0;
	_ =	sdelay $0x1  }
0x99: {  	v0 =	vmul.f32 $3.276750000e+04, v0;
	_ =	sdelay $0x1  }
0x9a: {  	v0 =	vtrunc.f32 v0  }
0x9b: {  	v0 =	vcvt.f32.s32 v0;
	_ =	sdelay $0x1  }
0x9c: {  	vm5 =	vgt.s32 v0, $0x0  }
0x9d: {  	v0 =	vnsel vm5, $0x0, v0  }
0x9e: {  	v0 =	vmin.u32 v0, $0xFFFF  }
0x9f: {  	[tilespmem:$0x60D0] =	vst v0  }
0xa0: {  	v0 =	vld [tilespmem:s15+$0xE0];
	_ =	sdelay $0x4  }
0xa1: {  	v0 =	vadd.f32 $1.000000000e+00, v0;
	_ =	sdelay $0x1  }
0xa2: {  	v0 =	vmul.f32 $3.276750000e+04, v0;
	_ =	sdelay $0x1  }
0xa3: {  	v0 =	vtrunc.f32 v0  }
0xa4: {  	v0 =	vcvt.f32.s32 v0;
	_ =	sdelay $0x1  }
0xa5: {  	vm6 =	vgt.s32 v0, $0x0  }
0xa6: {  	v0 =	vnsel vm6, $0x0, v0  }
0xa7: {  	v0 =	vmin.u32 v0, $0xFFFF  }
0xa8: {  	[tilespmem:$0x60E0] =	vst v0  }
0xa9: {  	v0 =	vld [tilespmem:s15+$0xF0];
	_ =	sdelay $0x4  }
0xaa: {  	v0 =	vadd.f32 $1.000000000e+00, v0;
	_ =	sdelay $0x1  }
0xab: {  	v0 =	vmul.f32 $3.276750000e+04, v0;
	_ =	sdelay $0x1  }
0xac: {  	v0 =	vtrunc.f32 v0  }
0xad: {  	v0 =	vcvt.f32.s32 v0;
	_ =	sdelay $0x1  }
0xae: {  	vm7 =	vgt.s32 v0, $0x0  }
0xaf: {  	v0 =	vnsel vm7, $0x0, v0  }
0xb0: {  	v0 =	vmin.u32 v0, $0xFFFF  }
0xb1: {  	[tilespmem:$0x60F0] =	vst v0  }
0xb2: {  	v0 =	vld [tilespmem:s15+$0x100];
	_ =	sdelay $0x4  }
0xb3: {  	v0 =	vadd.f32 $1.000000000e+00, v0;
	_ =	sdelay $0x1  }
0xb4: {  	v0 =	vmul.f32 $3.276750000e+04, v0;
	_ =	sdelay $0x1  }
0xb5: {  	v0 =	vtrunc.f32 v0  }
0xb6: {  	v0 =	vcvt.f32.s32 v0;
	_ =	sdelay $0x1  }
0xb7: {  	vm8 =	vgt.s32 v0, $0x0  }
0xb8: {  	v0 =	vnsel vm8, $0x0, v0  }
0xb9: {  	v0 =	vmin.u32 v0, $0xFFFF  }
0xba: {  	[tilespmem:$0x6100] =	vst v0  }
0xbb: {  	v0 =	vld [tilespmem:s15+$0x110];
	_ =	sdelay $0x4  }
0xbc: {  	v0 =	vadd.f32 $1.000000000e+00, v0;
	_ =	sdelay $0x1  }
0xbd: {  	v0 =	vmul.f32 $3.276750000e+04, v0;
	_ =	sdelay $0x1  }
0xbe: {  	v0 =	vtrunc.f32 v0  }
0xbf: {  	v0 =	vcvt.f32.s32 v0;
	_ =	sdelay $0x1  }
0xc0: {  	vm9 =	vgt.s32 v0, $0x0  }
0xc1: {  	v0 =	vnsel vm9, $0x0, v0  }
0xc2: {  	v0 =	vmin.u32 v0, $0xFFFF  }
0xc3: {  	[tilespmem:$0x6110] =	vst v0  }
0xc4: {  	v0 =	vld [tilespmem:s15+$0x120];
	_ =	sdelay $0x4  }
0xc5: {  	v0 =	vadd.f32 $1.000000000e+00, v0;
	_ =	sdelay $0x1  }
0xc6: {  	v0 =	vmul.f32 $3.276750000e+04, v0;
	_ =	sdelay $0x1  }
0xc7: {  	v0 =	vtrunc.f32 v0  }
0xc8: {  	v0 =	vcvt.f32.s32 v0;
	_ =	sdelay $0x1  }
0xc9: {  	vm10 =	vgt.s32 v0, $0x0  }
0xca: {  	v0 =	vnsel vm10, $0x0, v0  }
0xcb: {  	v0 =	vmin.u32 v0, $0xFFFF  }
0xcc: {  	[tilespmem:$0x6120] =	vst v0  }
0xcd: {  	v0 =	vld [tilespmem:s15+$0x130];
	_ =	sdelay $0x4  }
0xce: {  	v0 =	vadd.f32 $1.000000000e+00, v0;
	_ =	sdelay $0x1  }
0xcf: {  	v0 =	vmul.f32 $3.276750000e+04, v0;
	_ =	sdelay $0x1  }
0xd0: {  	v0 =	vtrunc.f32 v0  }
0xd1: {  	v0 =	vcvt.f32.s32 v0;
	_ =	sdelay $0x1  }
0xd2: {  	vm11 =	vgt.s32 v0, $0x0  }
0xd3: {  	v0 =	vnsel vm11, $0x0, v0  }
0xd4: {  	v0 =	vmin.u32 v0, $0xFFFF  }
0xd5: {  	[tilespmem:$0x6130] =	vst v0  }
0xd6: {  	v0 =	vld [tilespmem:s15+$0x140];
	_ =	sdelay $0x4  }
0xd7: {  	v0 =	vadd.f32 $1.000000000e+00, v0;
	_ =	sdelay $0x1  }
0xd8: {  	v0 =	vmul.f32 $3.276750000e+04, v0;
	_ =	sdelay $0x1  }
0xd9: {  	v0 =	vtrunc.f32 v0  }
0xda: {  	v0 =	vcvt.f32.s32 v0;
	_ =	sdelay $0x1  }
0xdb: {  	vm12 =	vgt.s32 v0, $0x0  }
0xdc: {  	v0 =	vnsel vm12, $0x0, v0  }
0xdd: {  	v0 =	vmin.u32 v0, $0xFFFF  }
0xde: {  	[tilespmem:$0x6140] =	vst v0  }
0xdf: {  	v0 =	vld [tilespmem:s15+$0x150];
	_ =	sdelay $0x4  }
0xe0: {  	v0 =	vadd.f32 $1.000000000e+00, v0;
	_ =	sdelay $0x1  }
0xe1: {  	v0 =	vmul.f32 $3.276750000e+04, v0;
	_ =	sdelay $0x1  }
0xe2: {  	v0 =	vtrunc.f32 v0  }
0xe3: {  	v0 =	vcvt.f32.s32 v0;
	_ =	sdelay $0x1  }
0xe4: {  	vm13 =	vgt.s32 v0, $0x0  }
0xe5: {  	v0 =	vnsel vm13, $0x0, v0  }
0xe6: {  	v0 =	vmin.u32 v0, $0xFFFF  }
0xe7: {  	[tilespmem:$0x6150] =	vst v0  }
0xe8: {  	v0 =	vld [tilespmem:s15+$0x160];
	_ =	sdelay $0x4  }
0xe9: {  	v0 =	vadd.f32 $1.000000000e+00, v0;
	_ =	sdelay $0x1  }
0xea: {  	v0 =	vmul.f32 $3.276750000e+04, v0;
	_ =	sdelay $0x1  }
0xeb: {  	v0 =	vtrunc.f32 v0  }
0xec: {  	v0 =	vcvt.f32.s32 v0;
	_ =	sdelay $0x1  }
0xed: {  	vm14 =	vgt.s32 v0, $0x0  }
0xee: {  	v0 =	vnsel vm14, $0x0, v0  }
0xef: {  	v0 =	vmin.u32 v0, $0xFFFF  }
0xf0: {  	[tilespmem:$0x6160] =	vst v0  }
0xf1: {  	v0 =	vld [tilespmem:s15+$0x170];
	_ =	sdelay $0x4  }
0xf2: {  	v0 =	vadd.f32 $1.000000000e+00, v0;
	_ =	sdelay $0x1  }
0xf3: {  	v0 =	vmul.f32 $3.276750000e+04, v0;
	_ =	sdelay $0x1  }
0xf4: {  	v0 =	vtrunc.f32 v0  }
0xf5: {  	v0 =	vcvt.f32.s32 v0;
	_ =	sdelay $0x1  }
0xf6: {  	vm15 =	vgt.s32 v0, $0x0  }
0xf7: {  	v0 =	vnsel vm15, $0x0, v0  }
0xf8: {  	v0 =	vmin.u32 v0, $0xFFFF  }
0xf9: {  	[tilespmem:$0x6170] =	vst v0  }
0xfa: {  	v0 =	vld [tilespmem:s15+$0x180];
	_ =	sdelay $0x4  }
0xfb: {  	v0 =	vadd.f32 $1.000000000e+00, v0;
	_ =	sdelay $0x1  }
0xfc: {  	v0 =	vmul.f32 $3.276750000e+04, v0;
	_ =	sdelay $0x1  }
0xfd: {  	v0 =	vtrunc.f32 v0  }
0xfe: {  	v0 =	vcvt.f32.s32 v0;
	_ =	sdelay $0x1  }
0xff: {  	vm4 =	vgt.s32 v0, $0x0  }
0x100: {  	v0 =	vnsel vm4, $0x0, v0  }
0x101: {  	v0 =	vmin.u32 v0, $0xFFFF  }
0x102: {  	[tilespmem:$0x6180] =	vst v0  }
0x103: {  	v0 =	vld [tilespmem:s15+$0x190];
	_ =	sdelay $0x4  }
0x104: {  	v0 =	vadd.f32 $1.000000000e+00, v0;
	_ =	sdelay $0x1  }
0x105: {  	v0 =	vmul.f32 $3.276750000e+04, v0;
	_ =	sdelay $0x1  }
0x106: {  	v0 =	vtrunc.f32 v0  }
0x107: {  	v0 =	vcvt.f32.s32 v0;
	_ =	sdelay $0x1  }
0x108: {  	vm5 =	vgt.s32 v0, $0x0  }
0x109: {  	v0 =	vnsel vm5, $0x0, v0  }
0x10a: {  	v0 =	vmin.u32 v0, $0xFFFF  }
0x10b: {  	[tilespmem:$0x6190] =	vst v0  }
0x10c: {  	v0 =	vld [tilespmem:s15+$0x1A0];
	_ =	sdelay $0x4  }
0x10d: {  	v0 =	vadd.f32 $1.000000000e+00, v0;
	_ =	sdelay $0x1  }
0x10e: {  	v0 =	vmul.f32 $3.276750000e+04, v0;
	_ =	sdelay $0x1  }
0x10f: {  	v0 =	vtrunc.f32 v0  }
0x110: {  	v0 =	vcvt.f32.s32 v0;
	_ =	sdelay $0x1  }
0x111: {  	vm6 =	vgt.s32 v0, $0x0  }
0x112: {  	v0 =	vnsel vm6, $0x0, v0  }
0x113: {  	v0 =	vmin.u32 v0, $0xFFFF  }
0x114: {  	[tilespmem:$0x61A0] =	vst v0  }
0x115: {  	v0 =	vld [tilespmem:s15+$0x1B0];
	_ =	sdelay $0x4  }
0x116: {  	v0 =	vadd.f32 $1.000000000e+00, v0;
	_ =	sdelay $0x1  }
0x117: {  	v0 =	vmul.f32 $3.276750000e+04, v0;
	_ =	sdelay $0x1  }
0x118: {  	v0 =	vtrunc.f32 v0  }
0x119: {  	v0 =	vcvt.f32.s32 v0;
	_ =	sdelay $0x1  }
0x11a: {  	vm7 =	vgt.s32 v0, $0x0  }
0x11b: {  	v0 =	vnsel vm7, $0x0, v0  }
0x11c: {  	v0 =	vmin.u32 v0, $0xFFFF  }
0x11d: {  	[tilespmem:$0x61B0] =	vst v0  }
0x11e: {  	v0 =	vld [tilespmem:s15+$0x1C0];
	_ =	sdelay $0x4  }
0x11f: {  	v0 =	vadd.f32 $1.000000000e+00, v0;
	_ =	sdelay $0x1  }
0x120: {  	v0 =	vmul.f32 $3.276750000e+04, v0;
	_ =	sdelay $0x1  }
0x121: {  	v0 =	vtrunc.f32 v0  }
0x122: {  	v0 =	vcvt.f32.s32 v0;
	_ =	sdelay $0x1  }
0x123: {  	vm8 =	vgt.s32 v0, $0x0  }
0x124: {  	v0 =	vnsel vm8, $0x0, v0  }
0x125: {  	v0 =	vmin.u32 v0, $0xFFFF  }
0x126: {  	[tilespmem:$0x61C0] =	vst v0  }
0x127: {  	v0 =	vld [tilespmem:s15+$0x1D0];
	_ =	sdelay $0x4  }
0x128: {  	v0 =	vadd.f32 $1.000000000e+00, v0;
	_ =	sdelay $0x1  }
0x129: {  	v0 =	vmul.f32 $3.276750000e+04, v0;
	_ =	sdelay $0x1  }
0x12a: {  	v0 =	vtrunc.f32 v0  }
0x12b: {  	v0 =	vcvt.f32.s32 v0;
	_ =	sdelay $0x1  }
0x12c: {  	vm9 =	vgt.s32 v0, $0x0  }
0x12d: {  	v0 =	vnsel vm9, $0x0, v0  }
0x12e: {  	v0 =	vmin.u32 v0, $0xFFFF  }
0x12f: {  	[tilespmem:$0x61D0] =	vst v0  }
0x130: {  	v0 =	vld [tilespmem:s15+$0x1E0];
	_ =	sdelay $0x4  }
0x131: {  	v0 =	vadd.f32 $1.000000000e+00, v0;
	_ =	sdelay $0x1  }
0x132: {  	v0 =	vmul.f32 $3.276750000e+04, v0;
	_ =	sdelay $0x1  }
0x133: {  	v0 =	vtrunc.f32 v0  }
0x134: {  	v0 =	vcvt.f32.s32 v0;
	_ =	sdelay $0x1  }
0x135: {  	vm10 =	vgt.s32 v0, $0x0  }
0x136: {  	v0 =	vnsel vm10, $0x0, v0  }
0x137: {  	v0 =	vmin.u32 v0, $0xFFFF  }
0x138: {  	[tilespmem:$0x61E0] =	vst v0  }
0x139: {  	v0 =	vld [tilespmem:s15+$0x1F0];
	_ =	sdelay $0x4  }
0x13a: {  	v0 =	vadd.f32 $1.000000000e+00, v0;
	_ =	sdelay $0x1  }
0x13b: {  	v0 =	vmul.f32 $3.276750000e+04, v0;
	_ =	sdelay $0x1  }
0x13c: {  	v0 =	vtrunc.f32 v0  }
0x13d: {  	v0 =	vcvt.f32.s32 v0;
	_ =	sdelay $0x1  }
0x13e: {  	vm11 =	vgt.s32 v0, $0x0  }
0x13f: {  	v0 =	vnsel vm11, $0x0, v0  }
0x140: {  	v0 =	vmin.u32 v0, $0xFFFF  }
0x141: {  	[tilespmem:$0x61F0] =	vst v0  }
0x142: {  	v0 =	vld [tilespmem:s15+$0x2000];
	_ =	sdelay $0x4  }
0x143: {  	v0 =	vadd.f32 $1.000000000e+00, v0;
	_ =	sdelay $0x1  }
0x144: {  	v0 =	vmul.f32 $3.276750000e+04, v0;
	_ =	sdelay $0x1  }
0x145: {  	v0 =	vtrunc.f32 v0  }
0x146: {  	v0 =	vcvt.f32.s32 v0;
	_ =	sdelay $0x1  }
0x147: {  	vm12 =	vgt.s32 v0, $0x0  }
0x148: {  	v0 =	vnsel vm12, $0x0, v0  }
0x149: {  	v0 =	vmin.u32 v0, $0xFFFF  }
0x14a: {  	v0 =	vor.u32 $0x10000, v0  }
0x14b: {  	[tilespmem:$0x6200] =	vst v0  }
0x14c: {  	v0 =	vld [tilespmem:s15+$0x2010];
	_ =	sdelay $0x4  }
0x14d: {  	v0 =	vadd.f32 $1.000000000e+00, v0;
	_ =	sdelay $0x1  }
0x14e: {  	v0 =	vmul.f32 $3.276750000e+04, v0;
	_ =	sdelay $0x1  }
0x14f: {  	v0 =	vtrunc.f32 v0  }
0x150: {  	v0 =	vcvt.f32.s32 v0;
	_ =	sdelay $0x1  }
0x151: {  	vm13 =	vgt.s32 v0, $0x0  }
0x152: {  	v0 =	vnsel vm13, $0x0, v0  }
0x153: {  	v0 =	vmin.u32 v0, $0xFFFF  }
0x154: {  	v0 =	vor.u32 $0x10000, v0  }
0x155: {  	[tilespmem:$0x6210] =	vst v0  }
0x156: {  	v0 =	vld [tilespmem:s15+$0x2020];
	_ =	sdelay $0x4  }
0x157: {  	v0 =	vadd.f32 $1.000000000e+00, v0;
	_ =	sdelay $0x1  }
0x158: {  	v0 =	vmul.f32 $3.276750000e+04, v0;
	_ =	sdelay $0x1  }
0x159: {  	v0 =	vtrunc.f32 v0  }
0x15a: {  	v0 =	vcvt.f32.s32 v0;
	_ =	sdelay $0x1  }
0x15b: {  	vm14 =	vgt.s32 v0, $0x0  }
0x15c: {  	v0 =	vnsel vm14, $0x0, v0  }
0x15d: {  	v0 =	vmin.u32 v0, $0xFFFF  }
0x15e: {  	v0 =	vor.u32 $0x10000, v0  }
0x15f: {  	[tilespmem:$0x6220] =	vst v0  }
0x160: {  	v0 =	vld [tilespmem:s15+$0x2030];
	_ =	sdelay $0x4  }
0x161: {  	v0 =	vadd.f32 $1.000000000e+00, v0;
	_ =	sdelay $0x1  }
0x162: {  	v0 =	vmul.f32 $3.276750000e+04, v0;
	_ =	sdelay $0x1  }
0x163: {  	v0 =	vtrunc.f32 v0  }
0x164: {  	v0 =	vcvt.f32.s32 v0;
	_ =	sdelay $0x1  }
0x165: {  	vm15 =	vgt.s32 v0, $0x0  }
0x166: {  	v0 =	vnsel vm15, $0x0, v0  }
0x167: {  	v0 =	vmin.u32 v0, $0xFFFF  }
0x168: {  	v0 =	vor.u32 $0x10000, v0  }
0x169: {  	[tilespmem:$0x6230] =	vst v0  }
0x16a: {  	v0 =	vld [tilespmem:s15+$0x2040];
	_ =	sdelay $0x4  }
0x16b: {  	v0 =	vadd.f32 $1.000000000e+00, v0;
	_ =	sdelay $0x1  }
0x16c: {  	v0 =	vmul.f32 $3.276750000e+04, v0;
	_ =	sdelay $0x1  }
0x16d: {  	v0 =	vtrunc.f32 v0  }
0x16e: {  	v0 =	vcvt.f32.s32 v0;
	_ =	sdelay $0x1  }
0x16f: {  	vm4 =	vgt.s32 v0, $0x0  }
0x170: {  	v0 =	vnsel vm4, $0x0, v0  }
0x171: {  	v0 =	vmin.u32 v0, $0xFFFF  }
0x172: {  	v0 =	vor.u32 $0x10000, v0  }
0x173: {  	[tilespmem:$0x6240] =	vst v0  }
0x174: {  	v0 =	vld [tilespmem:s15+$0x2050];
	_ =	sdelay $0x4  }
0x175: {  	v0 =	vadd.f32 $1.000000000e+00, v0;
	_ =	sdelay $0x1  }
0x176: {  	v0 =	vmul.f32 $3.276750000e+04, v0;
	_ =	sdelay $0x1  }
0x177: {  	v0 =	vtrunc.f32 v0  }
0x178: {  	v0 =	vcvt.f32.s32 v0;
	_ =	sdelay $0x1  }
0x179: {  	vm5 =	vgt.s32 v0, $0x0  }
0x17a: {  	v0 =	vnsel vm5, $0x0, v0  }
0x17b: {  	v0 =	vmin.u32 v0, $0xFFFF  }
0x17c: {  	v0 =	vor.u32 $0x10000, v0  }
0x17d: {  	[tilespmem:$0x6250] =	vst v0  }
0x17e: {  	v0 =	vld [tilespmem:s15+$0x2060];
	_ =	sdelay $0x4  }
0x17f: {  	v0 =	vadd.f32 $1.000000000e+00, v0;
	_ =	sdelay $0x1  }
0x180: {  	v0 =	vmul.f32 $3.276750000e+04, v0;
	_ =	sdelay $0x1  }
0x181: {  	v0 =	vtrunc.f32 v0  }
0x182: {  	v0 =	vcvt.f32.s32 v0;
	_ =	sdelay $0x1  }
0x183: {  	vm6 =	vgt.s32 v0, $0x0  }
0x184: {  	v0 =	vnsel vm6, $0x0, v0  }
0x185: {  	v0 =	vmin.u32 v0, $0xFFFF  }
0x186: {  	v0 =	vor.u32 $0x10000, v0  }
0x187: {  	[tilespmem:$0x6260] =	vst v0  }
0x188: {  	v0 =	vld [tilespmem:s15+$0x2070];
	_ =	sdelay $0x4  }
0x189: {  	v0 =	vadd.f32 $1.000000000e+00, v0;
	_ =	sdelay $0x1  }
0x18a: {  	v0 =	vmul.f32 $3.276750000e+04, v0;
	_ =	sdelay $0x1  }
0x18b: {  	v0 =	vtrunc.f32 v0  }
0x18c: {  	v0 =	vcvt.f32.s32 v0;
	_ =	sdelay $0x1  }
0x18d: {  	vm7 =	vgt.s32 v0, $0x0  }
0x18e: {  	v0 =	vnsel vm7, $0x0, v0  }
0x18f: {  	v0 =	vmin.u32 v0, $0xFFFF  }
0x190: {  	v0 =	vor.u32 $0x10000, v0  }
0x191: {  	[tilespmem:$0x6270] =	vst v0  }
0x192: {  	v0 =	vld [tilespmem:s15+$0x2080];
	_ =	sdelay $0x4  }
0x193: {  	v0 =	vadd.f32 $1.000000000e+00, v0;
	_ =	sdelay $0x1  }
0x194: {  	v0 =	vmul.f32 $3.276750000e+04, v0;
	_ =	sdelay $0x1  }
0x195: {  	v0 =	vtrunc.f32 v0  }
0x196: {  	v0 =	vcvt.f32.s32 v0;
	_ =	sdelay $0x1  }
0x197: {  	vm8 =	vgt.s32 v0, $0x0  }
0x198: {  	v0 =	vnsel vm8, $0x0, v0  }
0x199: {  	v0 =	vmin.u32 v0, $0xFFFF  }
0x19a: {  	v0 =	vor.u32 $0x10000, v0  }
0x19b: {  	[tilespmem:$0x6280] =	vst v0  }
0x19c: {  	v0 =	vld [tilespmem:s15+$0x2090];
	_ =	sdelay $0x4  }
0x19d: {  	v0 =	vadd.f32 $1.000000000e+00, v0;
	_ =	sdelay $0x1  }
0x19e: {  	v0 =	vmul.f32 $3.276750000e+04, v0;
	_ =	sdelay $0x1  }
0x19f: {  	v0 =	vtrunc.f32 v0  }
0x1a0: {  	v0 =	vcvt.f32.s32 v0;
	_ =	sdelay $0x1  }
0x1a1: {  	vm9 =	vgt.s32 v0, $0x0  }
0x1a2: {  	v0 =	vnsel vm9, $0x0, v0  }
0x1a3: {  	v0 =	vmin.u32 v0, $0xFFFF  }
0x1a4: {  	v0 =	vor.u32 $0x10000, v0  }
0x1a5: {  	[tilespmem:$0x6290] =	vst v0  }
0x1a6: {  	v0 =	vld [tilespmem:s15+$0x20A0];
	_ =	sdelay $0x4  }
0x1a7: {  	v0 =	vadd.f32 $1.000000000e+00, v0;
	_ =	sdelay $0x1  }
0x1a8: {  	v0 =	vmul.f32 $3.276750000e+04, v0;
	_ =	sdelay $0x1  }
0x1a9: {  	v0 =	vtrunc.f32 v0  }
0x1aa: {  	v0 =	vcvt.f32.s32 v0;
	_ =	sdelay $0x1  }
0x1ab: {  	vm10 =	vgt.s32 v0, $0x0  }
0x1ac: {  	v0 =	vnsel vm10, $0x0, v0  }
0x1ad: {  	v0 =	vmin.u32 v0, $0xFFFF  }
0x1ae: {  	v0 =	vor.u32 $0x10000, v0  }
0x1af: {  	[tilespmem:$0x62A0] =	vst v0  }
0x1b0: {  	v0 =	vld [tilespmem:s15+$0x20B0];
	_ =	sdelay $0x4  }
0x1b1: {  	v0 =	vadd.f32 $1.000000000e+00, v0;
	_ =	sdelay $0x1  }
0x1b2: {  	v0 =	vmul.f32 $3.276750000e+04, v0;
	_ =	sdelay $0x1  }
0x1b3: {  	v0 =	vtrunc.f32 v0  }
0x1b4: {  	v0 =	vcvt.f32.s32 v0;
	_ =	sdelay $0x1  }
0x1b5: {  	vm11 =	vgt.s32 v0, $0x0  }
0x1b6: {  	v0 =	vnsel vm11, $0x0, v0  }
0x1b7: {  	v0 =	vmin.u32 v0, $0xFFFF  }
0x1b8: {  	v0 =	vor.u32 $0x10000, v0  }
0x1b9: {  	[tilespmem:$0x62B0] =	vst v0  }
0x1ba: {  	v0 =	vld [tilespmem:s15+$0x20C0];
	_ =	sdelay $0x4  }
0x1bb: {  	v0 =	vadd.f32 $1.000000000e+00, v0;
	_ =	sdelay $0x1  }
0x1bc: {  	v0 =	vmul.f32 $3.276750000e+04, v0;
	_ =	sdelay $0x1  }
0x1bd: {  	v0 =	vtrunc.f32 v0  }
0x1be: {  	v0 =	vcvt.f32.s32 v0;
	_ =	sdelay $0x1  }
0x1bf: {  	vm12 =	vgt.s32 v0, $0x0  }
0x1c0: {  	v0 =	vnsel vm12, $0x0, v0  }
0x1c1: {  	v0 =	vmin.u32 v0, $0xFFFF  }
0x1c2: {  	v0 =	vor.u32 $0x10000, v0  }
0x1c3: {  	[tilespmem:$0x62C0] =	vst v0  }
0x1c4: {  	v0 =	vld [tilespmem:s15+$0x20D0];
	_ =	sdelay $0x4  }
0x1c5: {  	v0 =	vadd.f32 $1.000000000e+00, v0;
	_ =	sdelay $0x1  }
0x1c6: {  	v0 =	vmul.f32 $3.276750000e+04, v0;
	_ =	sdelay $0x1  }
0x1c7: {  	v0 =	vtrunc.f32 v0  }
0x1c8: {  	v0 =	vcvt.f32.s32 v0;
	_ =	sdelay $0x1  }
0x1c9: {  	vm13 =	vgt.s32 v0, $0x0  }
0x1ca: {  	v0 =	vnsel vm13, $0x0, v0  }
0x1cb: {  	v0 =	vmin.u32 v0, $0xFFFF  }
0x1cc: {  	v0 =	vor.u32 $0x10000, v0  }
0x1cd: {  	[tilespmem:$0x62D0] =	vst v0  }
0x1ce: {  	v0 =	vld [tilespmem:s15+$0x20E0];
	_ =	sdelay $0x4  }
0x1cf: {  	v0 =	vadd.f32 $1.000000000e+00, v0;
	_ =	sdelay $0x1  }
0x1d0: {  	v0 =	vmul.f32 $3.276750000e+04, v0;
	_ =	sdelay $0x1  }
0x1d1: {  	v0 =	vtrunc.f32 v0  }
0x1d2: {  	v0 =	vcvt.f32.s32 v0;
	_ =	sdelay $0x1  }
0x1d3: {  	vm14 =	vgt.s32 v0, $0x0  }
0x1d4: {  	v0 =	vnsel vm14, $0x0, v0  }
0x1d5: {  	v0 =	vmin.u32 v0, $0xFFFF  }
0x1d6: {  	v0 =	vor.u32 $0x10000, v0  }
0x1d7: {  	[tilespmem:$0x62E0] =	vst v0  }
0x1d8: {  	v0 =	vld [tilespmem:s15+$0x20F0];
	_ =	sdelay $0x4  }
0x1d9: {  	v0 =	vadd.f32 $1.000000000e+00, v0;
	_ =	sdelay $0x1  }
0x1da: {  	v0 =	vmul.f32 $3.276750000e+04, v0;
	_ =	sdelay $0x1  }
0x1db: {  	v0 =	vtrunc.f32 v0  }
0x1dc: {  	v0 =	vcvt.f32.s32 v0;
	_ =	sdelay $0x1  }
0x1dd: {  	vm15 =	vgt.s32 v0, $0x0  }
0x1de: {  	v0 =	vnsel vm15, $0x0, v0  }
0x1df: {  	v0 =	vmin.u32 v0, $0xFFFF  }
0x1e0: {  	v0 =	vor.u32 $0x10000, v0  }
0x1e1: {  	[tilespmem:$0x62F0] =	vst v0  }
0x1e2: {  	v0 =	vld [tilespmem:s15+$0x2100];
	_ =	sdelay $0x4  }
0x1e3: {  	v0 =	vadd.f32 $1.000000000e+00, v0;
	_ =	sdelay $0x1  }
0x1e4: {  	v0 =	vmul.f32 $3.276750000e+04, v0;
	_ =	sdelay $0x1  }
0x1e5: {  	v0 =	vtrunc.f32 v0  }
0x1e6: {  	v0 =	vcvt.f32.s32 v0;
	_ =	sdelay $0x1  }
0x1e7: {  	vm4 =	vgt.s32 v0, $0x0  }
0x1e8: {  	v0 =	vnsel vm4, $0x0, v0  }
0x1e9: {  	v0 =	vmin.u32 v0, $0xFFFF  }
0x1ea: {  	v0 =	vor.u32 $0x10000, v0  }
0x1eb: {  	[tilespmem:$0x6300] =	vst v0  }
0x1ec: {  	v0 =	vld [tilespmem:s15+$0x2110];
	_ =	sdelay $0x4  }
0x1ed: {  	v0 =	vadd.f32 $1.000000000e+00, v0;
	_ =	sdelay $0x1  }
0x1ee: {  	v0 =	vmul.f32 $3.276750000e+04, v0;
	_ =	sdelay $0x1  }
0x1ef: {  	v0 =	vtrunc.f32 v0  }
0x1f0: {  	v0 =	vcvt.f32.s32 v0;
	_ =	sdelay $0x1  }
0x1f1: {  	vm5 =	vgt.s32 v0, $0x0  }
0x1f2: {  	v0 =	vnsel vm5, $0x0, v0  }
0x1f3: {  	v0 =	vmin.u32 v0, $0xFFFF  }
0x1f4: {  	v0 =	vor.u32 $0x10000, v0  }
0x1f5: {  	[tilespmem:$0x6310] =	vst v0  }
0x1f6: {  	v0 =	vld [tilespmem:s15+$0x2120];
	_ =	sdelay $0x4  }
0x1f7: {  	v0 =	vadd.f32 $1.000000000e+00, v0;
	_ =	sdelay $0x1  }
0x1f8: {  	v0 =	vmul.f32 $3.276750000e+04, v0;
	_ =	sdelay $0x1  }
0x1f9: {  	v0 =	vtrunc.f32 v0  }
0x1fa: {  	v0 =	vcvt.f32.s32 v0;
	_ =	sdelay $0x1  }
0x1fb: {  	vm6 =	vgt.s32 v0, $0x0  }
0x1fc: {  	v0 =	vnsel vm6, $0x0, v0  }
0x1fd: {  	v0 =	vmin.u32 v0, $0xFFFF  }
0x1fe: {  	v0 =	vor.u32 $0x10000, v0  }
0x1ff: {  	[tilespmem:$0x6320] =	vst v0  }
0x200: {  	v0 =	vld [tilespmem:s15+$0x2130];
	_ =	sdelay $0x4  }
0x201: {  	v0 =	vadd.f32 $1.000000000e+00, v0;
	_ =	sdelay $0x1  }
0x202: {  	v0 =	vmul.f32 $3.276750000e+04, v0;
	_ =	sdelay $0x1  }
0x203: {  	v0 =	vtrunc.f32 v0  }
0x204: {  	v0 =	vcvt.f32.s32 v0;
	_ =	sdelay $0x1  }
0x205: {  	vm7 =	vgt.s32 v0, $0x0  }
0x206: {  	v0 =	vnsel vm7, $0x0, v0  }
0x207: {  	v0 =	vmin.u32 v0, $0xFFFF  }
0x208: {  	v0 =	vor.u32 $0x10000, v0  }
0x209: {  	[tilespmem:$0x6330] =	vst v0  }
0x20a: {  	v0 =	vld [tilespmem:s15+$0x2140];
	_ =	sdelay $0x4  }
0x20b: {  	v0 =	vadd.f32 $1.000000000e+00, v0;
	_ =	sdelay $0x1  }
0x20c: {  	v0 =	vmul.f32 $3.276750000e+04, v0;
	_ =	sdelay $0x1  }
0x20d: {  	v0 =	vtrunc.f32 v0  }
0x20e: {  	v0 =	vcvt.f32.s32 v0;
	_ =	sdelay $0x1  }
0x20f: {  	vm8 =	vgt.s32 v0, $0x0  }
0x210: {  	v0 =	vnsel vm8, $0x0, v0  }
0x211: {  	v0 =	vmin.u32 v0, $0xFFFF  }
0x212: {  	v0 =	vor.u32 $0x10000, v0  }
0x213: {  	[tilespmem:$0x6340] =	vst v0  }
0x214: {  	v0 =	vld [tilespmem:s15+$0x2150];
	_ =	sdelay $0x4  }
0x215: {  	v0 =	vadd.f32 $1.000000000e+00, v0;
	_ =	sdelay $0x1  }
0x216: {  	v0 =	vmul.f32 $3.276750000e+04, v0;
	_ =	sdelay $0x1  }
0x217: {  	v0 =	vtrunc.f32 v0  }
0x218: {  	v0 =	vcvt.f32.s32 v0;
	_ =	sdelay $0x1  }
0x219: {  	vm9 =	vgt.s32 v0, $0x0  }
0x21a: {  	v0 =	vnsel vm9, $0x0, v0  }
0x21b: {  	v0 =	vmin.u32 v0, $0xFFFF  }
0x21c: {  	v0 =	vor.u32 $0x10000, v0  }
0x21d: {  	[tilespmem:$0x6350] =	vst v0  }
0x21e: {  	v0 =	vld [tilespmem:s15+$0x2160];
	_ =	sdelay $0x4  }
0x21f: {  	v0 =	vadd.f32 $1.000000000e+00, v0;
	_ =	sdelay $0x1  }
0x220: {  	v0 =	vmul.f32 $3.276750000e+04, v0;
	_ =	sdelay $0x1  }
0x221: {  	v0 =	vtrunc.f32 v0  }
0x222: {  	v0 =	vcvt.f32.s32 v0;
	_ =	sdelay $0x1  }
0x223: {  	vm10 =	vgt.s32 v0, $0x0  }
0x224: {  	v0 =	vnsel vm10, $0x0, v0  }
0x225: {  	v0 =	vmin.u32 v0, $0xFFFF  }
0x226: {  	v0 =	vor.u32 $0x10000, v0  }
0x227: {  	[tilespmem:$0x6360] =	vst v0  }
0x228: {  	v0 =	vld [tilespmem:s15+$0x2170];
	_ =	sdelay $0x4  }
0x229: {  	v0 =	vadd.f32 $1.000000000e+00, v0;
	_ =	sdelay $0x1  }
0x22a: {  	v0 =	vmul.f32 $3.276750000e+04, v0;
	_ =	sdelay $0x1  }
0x22b: {  	v0 =	vtrunc.f32 v0  }
0x22c: {  	v0 =	vcvt.f32.s32 v0;
	_ =	sdelay $0x1  }
0x22d: {  	vm11 =	vgt.s32 v0, $0x0  }
0x22e: {  	v0 =	vnsel vm11, $0x0, v0  }
0x22f: {  	v0 =	vmin.u32 v0, $0xFFFF  }
0x230: {  	v0 =	vor.u32 $0x10000, v0  }
0x231: {  	[tilespmem:$0x6370] =	vst v0  }
0x232: {  	v0 =	vld [tilespmem:s15+$0x2180];
	_ =	sdelay $0x4  }
0x233: {  	v0 =	vadd.f32 $1.000000000e+00, v0;
	_ =	sdelay $0x1  }
0x234: {  	v0 =	vmul.f32 $3.276750000e+04, v0;
	_ =	sdelay $0x1  }
0x235: {  	v0 =	vtrunc.f32 v0  }
0x236: {  	v0 =	vcvt.f32.s32 v0;
	_ =	sdelay $0x1  }
0x237: {  	vm12 =	vgt.s32 v0, $0x0  }
0x238: {  	v0 =	vnsel vm12, $0x0, v0  }
0x239: {  	v0 =	vmin.u32 v0, $0xFFFF  }
0x23a: {  	v0 =	vor.u32 $0x10000, v0  }
0x23b: {  	[tilespmem:$0x6380] =	vst v0  }
0x23c: {  	v0 =	vld [tilespmem:s15+$0x2190];
	_ =	sdelay $0x4  }
0x23d: {  	v0 =	vadd.f32 $1.000000000e+00, v0;
	_ =	sdelay $0x1  }
0x23e: {  	v0 =	vmul.f32 $3.276750000e+04, v0;
	_ =	sdelay $0x1  }
0x23f: {  	v0 =	vtrunc.f32 v0  }
0x240: {  	v0 =	vcvt.f32.s32 v0;
	_ =	sdelay $0x1  }
0x241: {  	vm13 =	vgt.s32 v0, $0x0  }
0x242: {  	v0 =	vnsel vm13, $0x0, v0  }
0x243: {  	v0 =	vmin.u32 v0, $0xFFFF  }
0x244: {  	v0 =	vor.u32 $0x10000, v0  }
0x245: {  	[tilespmem:$0x6390] =	vst v0  }
0x246: {  	v0 =	vld [tilespmem:s15+$0x21A0];
	_ =	sdelay $0x4  }
0x247: {  	v0 =	vadd.f32 $1.000000000e+00, v0;
	_ =	sdelay $0x1  }
0x248: {  	v0 =	vmul.f32 $3.276750000e+04, v0;
	_ =	sdelay $0x1  }
0x249: {  	v0 =	vtrunc.f32 v0  }
0x24a: {  	v0 =	vcvt.f32.s32 v0;
	_ =	sdelay $0x1  }
0x24b: {  	vm14 =	vgt.s32 v0, $0x0  }
0x24c: {  	v0 =	vnsel vm14, $0x0, v0  }
0x24d: {  	v0 =	vmin.u32 v0, $0xFFFF  }
0x24e: {  	v0 =	vor.u32 $0x10000, v0  }
0x24f: {  	[tilespmem:$0x63A0] =	vst v0  }
0x250: {  	v0 =	vld [tilespmem:s15+$0x21B0];
	_ =	sdelay $0x4  }
0x251: {  	v0 =	vadd.f32 $1.000000000e+00, v0;
	_ =	sdelay $0x1  }
0x252: {  	v0 =	vmul.f32 $3.276750000e+04, v0;
	_ =	sdelay $0x1  }
0x253: {  	v0 =	vtrunc.f32 v0  }
0x254: {  	v0 =	vcvt.f32.s32 v0;
	_ =	sdelay $0x1  }
0x255: {  	vm15 =	vgt.s32 v0, $0x0  }
0x256: {  	v0 =	vnsel vm15, $0x0, v0  }
0x257: {  	v0 =	vmin.u32 v0, $0xFFFF  }
0x258: {  	v0 =	vor.u32 $0x10000, v0  }
0x259: {  	[tilespmem:$0x63B0] =	vst v0  }
0x25a: {  	v0 =	vld [tilespmem:s15+$0x21C0];
	_ =	sdelay $0x4  }
0x25b: {  	v0 =	vadd.f32 $1.000000000e+00, v0;
	_ =	sdelay $0x1  }
0x25c: {  	v0 =	vmul.f32 $3.276750000e+04, v0;
	_ =	sdelay $0x1  }
0x25d: {  	v0 =	vtrunc.f32 v0  }
0x25e: {  	v0 =	vcvt.f32.s32 v0;
	_ =	sdelay $0x1  }
0x25f: {  	vm4 =	vgt.s32 v0, $0x0  }
0x260: {  	v0 =	vnsel vm4, $0x0, v0  }
0x261: {  	v0 =	vmin.u32 v0, $0xFFFF  }
0x262: {  	v0 =	vor.u32 $0x10000, v0  }
0x263: {  	[tilespmem:$0x63C0] =	vst v0  }
0x264: {  	v0 =	vld [tilespmem:s15+$0x21D0];
	_ =	sdelay $0x4  }
0x265: {  	v0 =	vadd.f32 $1.000000000e+00, v0;
	_ =	sdelay $0x1  }
0x266: {  	v0 =	vmul.f32 $3.276750000e+04, v0;
	_ =	sdelay $0x1  }
0x267: {  	v0 =	vtrunc.f32 v0  }
0x268: {  	v0 =	vcvt.f32.s32 v0;
	_ =	sdelay $0x1  }
0x269: {  	vm5 =	vgt.s32 v0, $0x0  }
0x26a: {  	v0 =	vnsel vm5, $0x0, v0  }
0x26b: {  	v0 =	vmin.u32 v0, $0xFFFF  }
0x26c: {  	v0 =	vor.u32 $0x10000, v0  }
0x26d: {  	[tilespmem:$0x63D0] =	vst v0  }
0x26e: {  	v0 =	vld [tilespmem:s15+$0x21E0];
	_ =	sdelay $0x4  }
0x26f: {  	v0 =	vadd.f32 $1.000000000e+00, v0;
	_ =	sdelay $0x1  }
0x270: {  	v0 =	vmul.f32 $3.276750000e+04, v0;
	_ =	sdelay $0x1  }
0x271: {  	v0 =	vtrunc.f32 v0  }
0x272: {  	v0 =	vcvt.f32.s32 v0;
	_ =	sdelay $0x1  }
0x273: {  	vm6 =	vgt.s32 v0, $0x0  }
0x274: {  	v0 =	vnsel vm6, $0x0, v0  }
0x275: {  	v0 =	vmin.u32 v0, $0xFFFF  }
0x276: {  	v0 =	vor.u32 $0x10000, v0  }
0x277: {  	[tilespmem:$0x63E0] =	vst v0  }
0x278: {  	v0 =	vld [tilespmem:s15+$0x21F0];
	_ =	sdelay $0x4  }
0x279: {  	v0 =	vadd.f32 $1.000000000e+00, v0;
	_ =	sdelay $0x1  }
0x27a: {  	v0 =	vmul.f32 $3.276750000e+04, v0;
	_ =	sdelay $0x1  }
0x27b: {  	v0 =	vtrunc.f32 v0  }
0x27c: {  	v0 =	vcvt.f32.s32 v0;
	_ =	sdelay $0x1  }
0x27d: {  	vm7 =	vgt.s32 v0, $0x0  }
0x27e: {  	v0 =	vnsel vm7, $0x0, v0  }
0x27f: {  	v0 =	vmin.u32 v0, $0xFFFF  }
0x280: {  	v0 =	vor.u32 $0x10000, v0  }
0x281: {  	[tilespmem:$0x63F0] =	vst v0  }
0x282: {  	v0 =	vld [tilespmem:s15+$0x4000];
	_ =	sdelay $0x4  }
0x283: {  	v0 =	vadd.f32 $1.000000000e+00, v0;
	_ =	sdelay $0x1  }
0x284: {  	v0 =	vmul.f32 $3.276750000e+04, v0;
	_ =	sdelay $0x1  }
0x285: {  	v0 =	vtrunc.f32 v0  }
0x286: {  	v0 =	vcvt.f32.s32 v0;
	_ =	sdelay $0x1  }
0x287: {  	vm8 =	vgt.s32 v0, $0x0  }
0x288: {  	v0 =	vnsel vm8, $0x0, v0  }
0x289: {  	v0 =	vmin.u32 v0, $0xFFFF  }
0x28a: {  	v0 =	vor.u32 $0x20000, v0  }
0x28b: {  	[tilespmem:$0x6400] =	vst v0  }
0x28c: {  	v0 =	vld [tilespmem:s15+$0x4010];
	_ =	sdelay $0x4  }
0x28d: {  	v0 =	vadd.f32 $1.000000000e+00, v0;
	_ =	sdelay $0x1  }
0x28e: {  	v0 =	vmul.f32 $3.276750000e+04, v0;
	_ =	sdelay $0x1  }
0x28f: {  	v0 =	vtrunc.f32 v0  }
0x290: {  	v0 =	vcvt.f32.s32 v0;
	_ =	sdelay $0x1  }
0x291: {  	vm9 =	vgt.s32 v0, $0x0  }
0x292: {  	v0 =	vnsel vm9, $0x0, v0  }
0x293: {  	v0 =	vmin.u32 v0, $0xFFFF  }
0x294: {  	v0 =	vor.u32 $0x20000, v0  }
0x295: {  	[tilespmem:$0x6410] =	vst v0  }
0x296: {  	v0 =	vld [tilespmem:s15+$0x4020];
	_ =	sdelay $0x4  }
0x297: {  	v0 =	vadd.f32 $1.000000000e+00, v0;
	_ =	sdelay $0x1  }
0x298: {  	v0 =	vmul.f32 $3.276750000e+04, v0;
	_ =	sdelay $0x1  }
0x299: {  	v0 =	vtrunc.f32 v0  }
0x29a: {  	v0 =	vcvt.f32.s32 v0;
	_ =	sdelay $0x1  }
0x29b: {  	vm10 =	vgt.s32 v0, $0x0  }
0x29c: {  	v0 =	vnsel vm10, $0x0, v0  }
0x29d: {  	v0 =	vmin.u32 v0, $0xFFFF  }
0x29e: {  	v0 =	vor.u32 $0x20000, v0  }
0x29f: {  	[tilespmem:$0x6420] =	vst v0  }
0x2a0: {  	v0 =	vld [tilespmem:s15+$0x4030];
	_ =	sdelay $0x4  }
0x2a1: {  	v0 =	vadd.f32 $1.000000000e+00, v0;
	_ =	sdelay $0x1  }
0x2a2: {  	v0 =	vmul.f32 $3.276750000e+04, v0;
	_ =	sdelay $0x1  }
0x2a3: {  	v0 =	vtrunc.f32 v0  }
0x2a4: {  	v0 =	vcvt.f32.s32 v0;
	_ =	sdelay $0x1  }
0x2a5: {  	vm11 =	vgt.s32 v0, $0x0  }
0x2a6: {  	v0 =	vnsel vm11, $0x0, v0  }
0x2a7: {  	v0 =	vmin.u32 v0, $0xFFFF  }
0x2a8: {  	v0 =	vor.u32 $0x20000, v0  }
0x2a9: {  	[tilespmem:$0x6430] =	vst v0  }
0x2aa: {  	v0 =	vld [tilespmem:s15+$0x4040];
	_ =	sdelay $0x4  }
0x2ab: {  	v0 =	vadd.f32 $1.000000000e+00, v0;
	_ =	sdelay $0x1  }
0x2ac: {  	v0 =	vmul.f32 $3.276750000e+04, v0;
	_ =	sdelay $0x1  }
0x2ad: {  	v0 =	vtrunc.f32 v0  }
0x2ae: {  	v0 =	vcvt.f32.s32 v0;
	_ =	sdelay $0x1  }
0x2af: {  	vm12 =	vgt.s32 v0, $0x0  }
0x2b0: {  	v0 =	vnsel vm12, $0x0, v0  }
0x2b1: {  	v0 =	vmin.u32 v0, $0xFFFF  }
0x2b2: {  	v0 =	vor.u32 $0x20000, v0  }
0x2b3: {  	[tilespmem:$0x6440] =	vst v0  }
0x2b4: {  	v0 =	vld [tilespmem:s15+$0x4050];
	_ =	sdelay $0x4  }
0x2b5: {  	v0 =	vadd.f32 $1.000000000e+00, v0;
	_ =	sdelay $0x1  }
0x2b6: {  	v0 =	vmul.f32 $3.276750000e+04, v0;
	_ =	sdelay $0x1  }
0x2b7: {  	v0 =	vtrunc.f32 v0  }
0x2b8: {  	v0 =	vcvt.f32.s32 v0;
	_ =	sdelay $0x1  }
0x2b9: {  	vm13 =	vgt.s32 v0, $0x0  }
0x2ba: {  	v0 =	vnsel vm13, $0x0, v0  }
0x2bb: {  	v0 =	vmin.u32 v0, $0xFFFF  }
0x2bc: {  	v0 =	vor.u32 $0x20000, v0  }
0x2bd: {  	[tilespmem:$0x6450] =	vst v0  }
0x2be: {  	v0 =	vld [tilespmem:s15+$0x4060];
	_ =	sdelay $0x4  }
0x2bf: {  	v0 =	vadd.f32 $1.000000000e+00, v0;
	_ =	sdelay $0x1  }
0x2c0: {  	v0 =	vmul.f32 $3.276750000e+04, v0;
	_ =	sdelay $0x1  }
0x2c1: {  	v0 =	vtrunc.f32 v0  }
0x2c2: {  	v0 =	vcvt.f32.s32 v0;
	_ =	sdelay $0x1  }
0x2c3: {  	vm14 =	vgt.s32 v0, $0x0  }
0x2c4: {  	v0 =	vnsel vm14, $0x0, v0  }
0x2c5: {  	v0 =	vmin.u32 v0, $0xFFFF  }
0x2c6: {  	v0 =	vor.u32 $0x20000, v0  }
0x2c7: {  	[tilespmem:$0x6460] =	vst v0  }
0x2c8: {  	v0 =	vld [tilespmem:s15+$0x4070];
	_ =	sdelay $0x4  }
0x2c9: {  	v0 =	vadd.f32 $1.000000000e+00, v0;
	_ =	sdelay $0x1  }
0x2ca: {  	v0 =	vmul.f32 $3.276750000e+04, v0;
	_ =	sdelay $0x1  }
0x2cb: {  	v0 =	vtrunc.f32 v0  }
0x2cc: {  	v0 =	vcvt.f32.s32 v0;
	_ =	sdelay $0x1  }
0x2cd: {  	vm15 =	vgt.s32 v0, $0x0  }
0x2ce: {  	v0 =	vnsel vm15, $0x0, v0  }
0x2cf: {  	v0 =	vmin.u32 v0, $0xFFFF  }
0x2d0: {  	v0 =	vor.u32 $0x20000, v0  }
0x2d1: {  	[tilespmem:$0x6470] =	vst v0  }
0x2d2: {  	v0 =	vld [tilespmem:s15+$0x4080];
	_ =	sdelay $0x4  }
0x2d3: {  	v0 =	vadd.f32 $1.000000000e+00, v0;
	_ =	sdelay $0x1  }
0x2d4: {  	v0 =	vmul.f32 $3.276750000e+04, v0;
	_ =	sdelay $0x1  }
0x2d5: {  	v0 =	vtrunc.f32 v0  }
0x2d6: {  	v0 =	vcvt.f32.s32 v0;
	_ =	sdelay $0x1  }
0x2d7: {  	vm4 =	vgt.s32 v0, $0x0  }
0x2d8: {  	v0 =	vnsel vm4, $0x0, v0  }
0x2d9: {  	v0 =	vmin.u32 v0, $0xFFFF  }
0x2da: {  	v0 =	vor.u32 $0x20000, v0  }
0x2db: {  	[tilespmem:$0x6480] =	vst v0  }
0x2dc: {  	v0 =	vld [tilespmem:s15+$0x4090];
	_ =	sdelay $0x4  }
0x2dd: {  	v0 =	vadd.f32 $1.000000000e+00, v0;
	_ =	sdelay $0x1  }
0x2de: {  	v0 =	vmul.f32 $3.276750000e+04, v0;
	_ =	sdelay $0x1  }
0x2df: {  	v0 =	vtrunc.f32 v0  }
0x2e0: {  	v0 =	vcvt.f32.s32 v0;
	_ =	sdelay $0x1  }
0x2e1: {  	vm5 =	vgt.s32 v0, $0x0  }
0x2e2: {  	v0 =	vnsel vm5, $0x0, v0  }
0x2e3: {  	v0 =	vmin.u32 v0, $0xFFFF  }
0x2e4: {  	v0 =	vor.u32 $0x20000, v0  }
0x2e5: {  	[tilespmem:$0x6490] =	vst v0  }
0x2e6: {  	v0 =	vld [tilespmem:s15+$0x40A0];
	_ =	sdelay $0x4  }
0x2e7: {  	v0 =	vadd.f32 $1.000000000e+00, v0;
	_ =	sdelay $0x1  }
0x2e8: {  	v0 =	vmul.f32 $3.276750000e+04, v0;
	_ =	sdelay $0x1  }
0x2e9: {  	v0 =	vtrunc.f32 v0  }
0x2ea: {  	v0 =	vcvt.f32.s32 v0;
	_ =	sdelay $0x1  }
0x2eb: {  	vm6 =	vgt.s32 v0, $0x0  }
0x2ec: {  	v0 =	vnsel vm6, $0x0, v0  }
0x2ed: {  	v0 =	vmin.u32 v0, $0xFFFF  }
0x2ee: {  	v0 =	vor.u32 $0x20000, v0  }
0x2ef: {  	[tilespmem:$0x64A0] =	vst v0  }
0x2f0: {  	v0 =	vld [tilespmem:s15+$0x40B0];
	_ =	sdelay $0x4  }
0x2f1: {  	v0 =	vadd.f32 $1.000000000e+00, v0;
	_ =	sdelay $0x1  }
0x2f2: {  	v0 =	vmul.f32 $3.276750000e+04, v0;
	_ =	sdelay $0x1  }
0x2f3: {  	v0 =	vtrunc.f32 v0  }
0x2f4: {  	v0 =	vcvt.f32.s32 v0;
	_ =	sdelay $0x1  }
0x2f5: {  	vm7 =	vgt.s32 v0, $0x0  }
0x2f6: {  	v0 =	vnsel vm7, $0x0, v0  }
0x2f7: {  	v0 =	vmin.u32 v0, $0xFFFF  }
0x2f8: {  	v0 =	vor.u32 $0x20000, v0  }
0x2f9: {  	[tilespmem:$0x64B0] =	vst v0  }
0x2fa: {  	v0 =	vld [tilespmem:s15+$0x40C0];
	_ =	sdelay $0x4  }
0x2fb: {  	v0 =	vadd.f32 $1.000000000e+00, v0;
	_ =	sdelay $0x1  }
0x2fc: {  	v0 =	vmul.f32 $3.276750000e+04, v0;
	_ =	sdelay $0x1  }
0x2fd: {  	v0 =	vtrunc.f32 v0  }
0x2fe: {  	v0 =	vcvt.f32.s32 v0;
	_ =	sdelay $0x1  }
0x2ff: {  	vm8 =	vgt.s32 v0, $0x0  }
0x300: {  	v0 =	vnsel vm8, $0x0, v0  }
0x301: {  	v0 =	vmin.u32 v0, $0xFFFF  }
0x302: {  	v0 =	vor.u32 $0x20000, v0  }
0x303: {  	[tilespmem:$0x64C0] =	vst v0  }
0x304: {  	v0 =	vld [tilespmem:s15+$0x40D0];
	_ =	sdelay $0x4  }
0x305: {  	v0 =	vadd.f32 $1.000000000e+00, v0;
	_ =	sdelay $0x1  }
0x306: {  	v0 =	vmul.f32 $3.276750000e+04, v0;
	_ =	sdelay $0x1  }
0x307: {  	v0 =	vtrunc.f32 v0  }
0x308: {  	v0 =	vcvt.f32.s32 v0;
	_ =	sdelay $0x1  }
0x309: {  	vm9 =	vgt.s32 v0, $0x0  }
0x30a: {  	v0 =	vnsel vm9, $0x0, v0  }
0x30b: {  	v0 =	vmin.u32 v0, $0xFFFF  }
0x30c: {  	v0 =	vor.u32 $0x20000, v0  }
0x30d: {  	[tilespmem:$0x64D0] =	vst v0  }
0x30e: {  	v0 =	vld [tilespmem:s15+$0x40E0];
	_ =	sdelay $0x4  }
0x30f: {  	v0 =	vadd.f32 $1.000000000e+00, v0;
	_ =	sdelay $0x1  }
0x310: {  	v0 =	vmul.f32 $3.276750000e+04, v0;
	_ =	sdelay $0x1  }
0x311: {  	v0 =	vtrunc.f32 v0  }
0x312: {  	v0 =	vcvt.f32.s32 v0;
	_ =	sdelay $0x1  }
0x313: {  	vm10 =	vgt.s32 v0, $0x0  }
0x314: {  	v0 =	vnsel vm10, $0x0, v0  }
0x315: {  	v0 =	vmin.u32 v0, $0xFFFF  }
0x316: {  	v0 =	vor.u32 $0x20000, v0  }
0x317: {  	[tilespmem:$0x64E0] =	vst v0  }
0x318: {  	v0 =	vld [tilespmem:s15+$0x40F0];
	_ =	sdelay $0x4  }
0x319: {  	v0 =	vadd.f32 $1.000000000e+00, v0;
	_ =	sdelay $0x1  }
0x31a: {  	v0 =	vmul.f32 $3.276750000e+04, v0;
	_ =	sdelay $0x1  }
0x31b: {  	v0 =	vtrunc.f32 v0  }
0x31c: {  	v0 =	vcvt.f32.s32 v0;
	_ =	sdelay $0x1  }
0x31d: {  	vm11 =	vgt.s32 v0, $0x0  }
0x31e: {  	v0 =	vnsel vm11, $0x0, v0  }
0x31f: {  	v0 =	vmin.u32 v0, $0xFFFF  }
0x320: {  	v0 =	vor.u32 $0x20000, v0  }
0x321: {  	[tilespmem:$0x64F0] =	vst v0  }
0x322: {  	v0 =	vld [tilespmem:s15+$0x4100];
	_ =	sdelay $0x4  }
0x323: {  	v0 =	vadd.f32 $1.000000000e+00, v0;
	_ =	sdelay $0x1  }
0x324: {  	v0 =	vmul.f32 $3.276750000e+04, v0;
	_ =	sdelay $0x1  }
0x325: {  	v0 =	vtrunc.f32 v0  }
0x326: {  	v0 =	vcvt.f32.s32 v0;
	_ =	sdelay $0x1  }
0x327: {  	vm12 =	vgt.s32 v0, $0x0  }
0x328: {  	v0 =	vnsel vm12, $0x0, v0  }
0x329: {  	v0 =	vmin.u32 v0, $0xFFFF  }
0x32a: {  	v0 =	vor.u32 $0x20000, v0  }
0x32b: {  	[tilespmem:$0x6500] =	vst v0  }
0x32c: {  	v0 =	vld [tilespmem:s15+$0x4110];
	_ =	sdelay $0x4  }
0x32d: {  	v0 =	vadd.f32 $1.000000000e+00, v0;
	_ =	sdelay $0x1  }
0x32e: {  	v0 =	vmul.f32 $3.276750000e+04, v0;
	_ =	sdelay $0x1  }
0x32f: {  	v0 =	vtrunc.f32 v0  }
0x330: {  	v0 =	vcvt.f32.s32 v0;
	_ =	sdelay $0x1  }
0x331: {  	vm13 =	vgt.s32 v0, $0x0  }
0x332: {  	v0 =	vnsel vm13, $0x0, v0  }
0x333: {  	v0 =	vmin.u32 v0, $0xFFFF  }
0x334: {  	v0 =	vor.u32 $0x20000, v0  }
0x335: {  	[tilespmem:$0x6510] =	vst v0  }
0x336: {  	v0 =	vld [tilespmem:s15+$0x4120];
	_ =	sdelay $0x4  }
0x337: {  	v0 =	vadd.f32 $1.000000000e+00, v0;
	_ =	sdelay $0x1  }
0x338: {  	v0 =	vmul.f32 $3.276750000e+04, v0;
	_ =	sdelay $0x1  }
0x339: {  	v0 =	vtrunc.f32 v0  }
0x33a: {  	v0 =	vcvt.f32.s32 v0;
	_ =	sdelay $0x1  }
0x33b: {  	vm14 =	vgt.s32 v0, $0x0  }
0x33c: {  	v0 =	vnsel vm14, $0x0, v0  }
0x33d: {  	v0 =	vmin.u32 v0, $0xFFFF  }
0x33e: {  	v0 =	vor.u32 $0x20000, v0  }
0x33f: {  	[tilespmem:$0x6520] =	vst v0  }
0x340: {  	v0 =	vld [tilespmem:s15+$0x4130];
	_ =	sdelay $0x4  }
0x341: {  	v0 =	vadd.f32 $1.000000000e+00, v0;
	_ =	sdelay $0x1  }
0x342: {  	v0 =	vmul.f32 $3.276750000e+04, v0;
	_ =	sdelay $0x1  }
0x343: {  	v0 =	vtrunc.f32 v0  }
0x344: {  	v0 =	vcvt.f32.s32 v0;
	_ =	sdelay $0x1  }
0x345: {  	vm15 =	vgt.s32 v0, $0x0  }
0x346: {  	v0 =	vnsel vm15, $0x0, v0  }
0x347: {  	v0 =	vmin.u32 v0, $0xFFFF  }
0x348: {  	v0 =	vor.u32 $0x20000, v0  }
0x349: {  	[tilespmem:$0x6530] =	vst v0  }
0x34a: {  	v0 =	vld [tilespmem:s15+$0x4140];
	_ =	sdelay $0x4  }
0x34b: {  	v0 =	vadd.f32 $1.000000000e+00, v0;
	_ =	sdelay $0x1  }
0x34c: {  	v0 =	vmul.f32 $3.276750000e+04, v0;
	_ =	sdelay $0x1  }
0x34d: {  	v0 =	vtrunc.f32 v0  }
0x34e: {  	v0 =	vcvt.f32.s32 v0;
	_ =	sdelay $0x1  }
0x34f: {  	vm4 =	vgt.s32 v0, $0x0  }
0x350: {  	v0 =	vnsel vm4, $0x0, v0  }
0x351: {  	v0 =	vmin.u32 v0, $0xFFFF  }
0x352: {  	v0 =	vor.u32 $0x20000, v0  }
0x353: {  	[tilespmem:$0x6540] =	vst v0  }
0x354: {  	v0 =	vld [tilespmem:s15+$0x4150];
	_ =	sdelay $0x4  }
0x355: {  	v0 =	vadd.f32 $1.000000000e+00, v0;
	_ =	sdelay $0x1  }
0x356: {  	v0 =	vmul.f32 $3.276750000e+04, v0;
	_ =	sdelay $0x1  }
0x357: {  	v0 =	vtrunc.f32 v0  }
0x358: {  	v0 =	vcvt.f32.s32 v0;
	_ =	sdelay $0x1  }
0x359: {  	vm5 =	vgt.s32 v0, $0x0  }
0x35a: {  	v0 =	vnsel vm5, $0x0, v0  }
0x35b: {  	v0 =	vmin.u32 v0, $0xFFFF  }
0x35c: {  	v0 =	vor.u32 $0x20000, v0  }
0x35d: {  	[tilespmem:$0x6550] =	vst v0  }
0x35e: {  	v0 =	vld [tilespmem:s15+$0x4160];
	_ =	sdelay $0x4  }
0x35f: {  	v0 =	vadd.f32 $1.000000000e+00, v0;
	_ =	sdelay $0x1  }
0x360: {  	v0 =	vmul.f32 $3.276750000e+04, v0;
	_ =	sdelay $0x1  }
0x361: {  	v0 =	vtrunc.f32 v0  }
0x362: {  	v0 =	vcvt.f32.s32 v0;
	_ =	sdelay $0x1  }
0x363: {  	vm6 =	vgt.s32 v0, $0x0  }
0x364: {  	v0 =	vnsel vm6, $0x0, v0  }
0x365: {  	v0 =	vmin.u32 v0, $0xFFFF  }
0x366: {  	v0 =	vor.u32 $0x20000, v0  }
0x367: {  	[tilespmem:$0x6560] =	vst v0  }
0x368: {  	v0 =	vld [tilespmem:s15+$0x4170];
	_ =	sdelay $0x4  }
0x369: {  	v0 =	vadd.f32 $1.000000000e+00, v0;
	_ =	sdelay $0x1  }
0x36a: {  	v0 =	vmul.f32 $3.276750000e+04, v0;
	_ =	sdelay $0x1  }
0x36b: {  	v0 =	vtrunc.f32 v0  }
0x36c: {  	v0 =	vcvt.f32.s32 v0;
	_ =	sdelay $0x1  }
0x36d: {  	vm7 =	vgt.s32 v0, $0x0  }
0x36e: {  	v0 =	vnsel vm7, $0x0, v0  }
0x36f: {  	v0 =	vmin.u32 v0, $0xFFFF  }
0x370: {  	v0 =	vor.u32 $0x20000, v0  }
0x371: {  	[tilespmem:$0x6570] =	vst v0  }
0x372: {  	v0 =	vld [tilespmem:s15+$0x4180];
	_ =	sdelay $0x4  }
0x373: {  	v0 =	vadd.f32 $1.000000000e+00, v0;
	_ =	sdelay $0x1  }
0x374: {  	v0 =	vmul.f32 $3.276750000e+04, v0;
	_ =	sdelay $0x1  }
0x375: {  	v0 =	vtrunc.f32 v0  }
0x376: {  	v0 =	vcvt.f32.s32 v0;
	_ =	sdelay $0x1  }
0x377: {  	vm8 =	vgt.s32 v0, $0x0  }
0x378: {  	v0 =	vnsel vm8, $0x0, v0  }
0x379: {  	v0 =	vmin.u32 v0, $0xFFFF  }
0x37a: {  	v0 =	vor.u32 $0x20000, v0  }
0x37b: {  	[tilespmem:$0x6580] =	vst v0  }
0x37c: {  	v0 =	vld [tilespmem:s15+$0x4190];
	_ =	sdelay $0x4  }
0x37d: {  	v0 =	vadd.f32 $1.000000000e+00, v0;
	_ =	sdelay $0x1  }
0x37e: {  	v0 =	vmul.f32 $3.276750000e+04, v0;
	_ =	sdelay $0x1  }
0x37f: {  	v0 =	vtrunc.f32 v0  }
0x380: {  	v0 =	vcvt.f32.s32 v0;
	_ =	sdelay $0x1  }
0x381: {  	vm9 =	vgt.s32 v0, $0x0  }
0x382: {  	v0 =	vnsel vm9, $0x0, v0  }
0x383: {  	v0 =	vmin.u32 v0, $0xFFFF  }
0x384: {  	v0 =	vor.u32 $0x20000, v0  }
0x385: {  	[tilespmem:$0x6590] =	vst v0  }
0x386: {  	v0 =	vld [tilespmem:s15+$0x41A0];
	_ =	sdelay $0x4  }
0x387: {  	v0 =	vadd.f32 $1.000000000e+00, v0;
	_ =	sdelay $0x1  }
0x388: {  	v0 =	vmul.f32 $3.276750000e+04, v0;
	_ =	sdelay $0x1  }
0x389: {  	v0 =	vtrunc.f32 v0  }
0x38a: {  	v0 =	vcvt.f32.s32 v0;
	_ =	sdelay $0x1  }
0x38b: {  	vm10 =	vgt.s32 v0, $0x0  }
0x38c: {  	v0 =	vnsel vm10, $0x0, v0  }
0x38d: {  	v0 =	vmin.u32 v0, $0xFFFF  }
0x38e: {  	v0 =	vor.u32 $0x20000, v0  }
0x38f: {  	[tilespmem:$0x65A0] =	vst v0  }
0x390: {  	v0 =	vld [tilespmem:s15+$0x41B0];
	_ =	sdelay $0x4  }
0x391: {  	v0 =	vadd.f32 $1.000000000e+00, v0;
	_ =	sdelay $0x1  }
0x392: {  	v0 =	vmul.f32 $3.276750000e+04, v0;
	_ =	sdelay $0x1  }
0x393: {  	v0 =	vtrunc.f32 v0  }
0x394: {  	v0 =	vcvt.f32.s32 v0;
	_ =	sdelay $0x1  }
0x395: {  	vm11 =	vgt.s32 v0, $0x0  }
0x396: {  	v0 =	vnsel vm11, $0x0, v0  }
0x397: {  	v0 =	vmin.u32 v0, $0xFFFF  }
0x398: {  	v0 =	vor.u32 $0x20000, v0  }
0x399: {  	[tilespmem:$0x65B0] =	vst v0  }
0x39a: {  	v0 =	vld [tilespmem:s15+$0x41C0];
	_ =	sdelay $0x4  }
0x39b: {  	v0 =	vadd.f32 $1.000000000e+00, v0;
	_ =	sdelay $0x1  }
0x39c: {  	v0 =	vmul.f32 $3.276750000e+04, v0;
	_ =	sdelay $0x1  }
0x39d: {  	v0 =	vtrunc.f32 v0  }
0x39e: {  	v0 =	vcvt.f32.s32 v0;
	_ =	sdelay $0x1  }
0x39f: {  	vm12 =	vgt.s32 v0, $0x0  }
0x3a0: {  	v0 =	vnsel vm12, $0x0, v0  }
0x3a1: {  	v0 =	vmin.u32 v0, $0xFFFF  }
0x3a2: {  	v0 =	vor.u32 $0x20000, v0  }
0x3a3: {  	[tilespmem:$0x65C0] =	vst v0  }
0x3a4: {  	v0 =	vld [tilespmem:s15+$0x41D0];
	_ =	sdelay $0x4  }
0x3a5: {  	v0 =	vadd.f32 $1.000000000e+00, v0;
	_ =	sdelay $0x1  }
0x3a6: {  	v0 =	vmul.f32 $3.276750000e+04, v0;
	_ =	sdelay $0x1  }
0x3a7: {  	v0 =	vtrunc.f32 v0  }
0x3a8: {  	v0 =	vcvt.f32.s32 v0;
	_ =	sdelay $0x1  }
0x3a9: {  	vm13 =	vgt.s32 v0, $0x0  }
0x3aa: {  	v0 =	vnsel vm13, $0x0, v0  }
0x3ab: {  	v0 =	vmin.u32 v0, $0xFFFF  }
0x3ac: {  	v0 =	vor.u32 $0x20000, v0  }
0x3ad: {  	[tilespmem:$0x65D0] =	vst v0  }
0x3ae: {  	v0 =	vld [tilespmem:s15+$0x41E0];
	_ =	sdelay $0x4  }
0x3af: {  	v0 =	vadd.f32 $1.000000000e+00, v0;
	_ =	sdelay $0x1  }
0x3b0: {  	v0 =	vmul.f32 $3.276750000e+04, v0;
	_ =	sdelay $0x1  }
0x3b1: {  	v0 =	vtrunc.f32 v0  }
0x3b2: {  	v0 =	vcvt.f32.s32 v0;
	_ =	sdelay $0x1  }
0x3b3: {  	vm14 =	vgt.s32 v0, $0x0  }
0x3b4: {  	v0 =	vnsel vm14, $0x0, v0  }
0x3b5: {  	v0 =	vmin.u32 v0, $0xFFFF  }
0x3b6: {  	v0 =	vor.u32 $0x20000, v0  }
0x3b7: {  	[tilespmem:$0x65E0] =	vst v0  }
0x3b8: {  	v0 =	vld [tilespmem:s15+$0x41F0];
	_ =	sdelay $0x4  }
0x3b9: {  	v0 =	vadd.f32 $1.000000000e+00, v0;
	_ =	sdelay $0x1  }
0x3ba: {  	v0 =	vmul.f32 $3.276750000e+04, v0;
	_ =	sdelay $0x1  }
0x3bb: {  	v0 =	vtrunc.f32 v0  }
0x3bc: {  	v0 =	vcvt.f32.s32 v0;
	_ =	sdelay $0x1  }
0x3bd: {  	vm15 =	vgt.s32 v0, $0x0  }
0x3be: {  	v0 =	vnsel vm15, $0x0, v0  }
0x3bf: {  	v0 =	vmin.u32 v0, $0xFFFF  }
0x3c0: {  	v0 =	vor.u32 $0x20000, v0  }
0x3c1: {  	s16 =	simm.s32 $0x6000;
	s17 =	simm.s32 $0x6600;
	[tilespmem:$0x65F0] =	vst v0  }
0x3c2: {  	[tilespmem:s17], [sflag:$0x1] =	stream.indirect.gather [hbm4b:s5+s13], $0x10, s16, s13, $0xb8;
	[tilespmem:$0x10600] =	vst v63  }
0x3c3: {  	s19 =	simm.s32 $0x6080;
	s20 =	simm.s32 $0x6E00  }
0x3c4: {  	[tilespmem:s20], [sflag:$0x1] =	stream.indirect.gather [hbm4b:s5+s13], $0x10, s19, s13, $0xb8;
	[tilespmem:$0x10600] =	vst v63  }
0x3c5: {  	s18 =	simm.s32 $0x6100;
	s19 =	simm.s32 $0x7600  }
0x3c6: {  	[tilespmem:s19], [sflag:$0x1] =	stream.indirect.gather [hbm4b:s5+s13], $0x10, s18, s13, $0xb8;
	[tilespmem:$0x10600] =	vst v63  }
0x3c7: {  	s20 =	simm.s32 $0x6180  }
0x3c8: {  	[tilespmem:s21], [sflag:$0x1] =	stream.indirect.gather [hbm4b:s5+s13], $0x10, s20, s13, $0xb8;
	[tilespmem:$0x10600] =	vst v63  }
0x3c9: {  	_ = 	snop  }
0x3ca: {  	[tilespmem:s23], [sflag:$0x1] =	stream.indirect.gather [hbm4b:s5+s13], $0x10, s22, s13, $0xb8;
	[tilespmem:$0x10600] =	vst v63  }
0x3cb: {  	_ = 	snop  }
0x3cc: {  	[tilespmem:s25], [sflag:$0x1] =	stream.indirect.gather [hbm4b:s5+s13], $0x10, s24, s13, $0xb8;
	[tilespmem:$0x10600] =	vst v63  }
0x3cd: {  	_ = 	snop  }
0x3ce: {  	[tilespmem:s28], [sflag:$0x1] =	stream.indirect.gather [hbm4b:s5+s13], $0x10, s26, s13, $0xb8;
	[tilespmem:$0x10600] =	vst v63  }
0x3cf: {  	_ = 	snop  }
0x3d0: {  	[tilespmem:s30], [sflag:$0x1] =	stream.indirect.gather [hbm4b:s5+s13], $0x10, s29, s13, $0xb8;
	[tilespmem:$0x10600] =	vst v63  }
0x3d1: {  	_ = 	snop  }
0x3d2: {  	[tilespmem:s0], [sflag:$0x1] =	stream.indirect.gather [hbm4b:s5+s13], $0x10, s31, s13, $0xb8;
	[tilespmem:$0x10600] =	vst v63  }
0x3d3: {  	_ = 	snop  }
0x3d4: {  	[tilespmem:s11], [sflag:$0x1] =	stream.indirect.gather [hbm4b:s5+s13], $0x10, s1, s13, $0xb8;
	[tilespmem:$0x10600] =	vst v63  }
0x3d5: {  	_ = 	snop  }
0x3d6: {  	[tilespmem:s6], [sflag:$0x1] =	stream.indirect.gather [hbm4b:s5+s13], $0x10, s12, s13, $0xb8;
	[tilespmem:$0x10600] =	vst v63  }
0x3d7: {  	_ = 	snop  }
0x3d8: {  	[tilespmem:s8], [sflag:$0x1] =	stream.indirect.gather [hbm4b:s5+s13], $0x10, s7, s13, $0xb8;
	[tilespmem:$0x10600] =	vst v63  }
0x3d9: {  	_ =	swait.ge [sflag:s9], $0x800  }
0x3da: {  	[sflag:s9] =	ssyncset.done $0x0  }
0x3db: {  	[sflag:s9] =	ssyncadd.s32 $0xFFFFF800  }
0x3dc: {  	_ =	swait.ge [sflag:s9], $0x800  }
0x3dd: {  	[sflag:s9] =	ssyncset.done $0x0  }
0x3de: {  	[sflag:s9] =	ssyncadd.s32 $0xFFFFF800  }
0x3df: {  	_ =	swait.ge [sflag:s9], $0x800  }
0x3e0: {  	[sflag:s9] =	ssyncset.done $0x0  }
0x3e1: {  	[sflag:s9] =	ssyncadd.s32 $0xFFFFF800  }
0x3e2: {  	_ =	swait.ge [sflag:s9], $0x800  }
0x3e3: {  	[sflag:s9] =	ssyncset.done $0x0  }
0x3e4: {  	[sflag:s9] =	ssyncadd.s32 $0xFFFFF800  }
0x3e5: {  	_ =	swait.ge [sflag:s9], $0x800  }
0x3e6: {  	[sflag:s9] =	ssyncset.done $0x0  }
0x3e7: {  	[sflag:s9] =	ssyncadd.s32 $0xFFFFF800  }
0x3e8: {  	_ =	swait.ge [sflag:s9], $0x800  }
0x3e9: {  	[sflag:s9] =	ssyncset.done $0x0  }
0x3ea: {  	[sflag:s9] =	ssyncadd.s32 $0xFFFFF800  }
0x3eb: {  	_ =	swait.ge [sflag:s9], $0x800  }
0x3ec: {  	[sflag:s9] =	ssyncset.done $0x0  }
0x3ed: {  	[sflag:s9] =	ssyncadd.s32 $0xFFFFF800  }
0x3ee: {  	_ =	swait.ge [sflag:s9], $0x800  }
0x3ef: {  	[sflag:s9] =	ssyncset.done $0x0  }
0x3f0: {  	[sflag:s9] =	ssyncadd.s32 $0xFFFFF800  }
0x3f1: {  	_ =	swait.ge [sflag:s9], $0x800  }
0x3f2: {  	[sflag:s9] =	ssyncset.done $0x0  }
0x3f3: {  	[sflag:s9] =	ssyncadd.s32 $0xFFFFF800  }
0x3f4: {  	_ =	swait.ge [sflag:s9], $0x800  }
0x3f5: {  	[sflag:s9] =	ssyncset.done $0x0  }
0x3f6: {  	[sflag:s9] =	ssyncadd.s32 $0xFFFFF800  }
0x3f7: {  	_ =	swait.ge [sflag:s9], $0x800  }
0x3f8: {  	[sflag:s9] =	ssyncset.done $0x0  }
0x3f9: {  	[sflag:s9] =	ssyncadd.s32 $0xFFFFF800  }
0x3fa: {  	_ =	swait.ge [sflag:s9], $0x800  }
0x3fb: {  	[sflag:s9] =	ssyncset.done $0x0  }
0x3fc: {  	s16 =	simm.s32 $0x0;
	[sflag:s9] =	ssyncadd.s32 $0xFFFFF800  }
0x3fd: {  	v0 =	vld [tilespmem:s16+$0x6600]  }
0x3fe: {  	v1 =	vld [tilespmem:s16+$0x8600];
	_ =	sdelay $0x1  }
0x3ff: {  	v2 =	vld [tilespmem:s16+$0xA600];
	_ =	sdelay $0x2  }
0x400: {  	v3 =	vunpack.i.l.bf16.f32 v0;
	v4 =	vunpack.i.l.bf16.f32 v1  }
0x401: {  	v0 =	vunpack.i.u.bf16.f32 v0;
	v1 =	vunpack.i.u.bf16.f32 v1;
	v3 =	vadd.f32 v4, v3  }
0x402: {  	v0 =	vadd.f32 v1, v0;
	v1 =	vunpack.i.l.bf16.f32 v2  }
0x403: {  	v2 =	vunpack.i.u.bf16.f32 v2;
	v1 =	vadd.f32 v1, v3  }
0x404: {  	v0 =	vadd.f32 v2, v0  }
0x405: {  	v1 =	vmul.f32 $3.333333430e-01, v1  }
0x406: {  	s17 =	simm.s32 $0xC640;
	v0 =	vmul.f32 $3.333333430e-01, v0  }
0x407: {  	[tilespmem:s17+$0xFFFFFFC0] =	vst v1  }
0x408: {  	[tilespmem:s17+$0xFFFFFFD0] =	vst v0  }
0x409: {  	v0 =	vld [tilespmem:s16+$0x6610]  }
0x40a: {  	v1 =	vld [tilespmem:s16+$0x8610];
	_ =	sdelay $0x1  }
0x40b: {  	v2 =	vld [tilespmem:s16+$0xA610];
	_ =	sdelay $0x2  }
0x40c: {  	v3 =	vunpack.i.l.bf16.f32 v0;
	v62 =	vunpack.i.l.bf16.f32 v1  }
0x40d: {  	v0 =	vunpack.i.u.bf16.f32 v0;
	v1 =	vunpack.i.u.bf16.f32 v1;
	v3 =	vadd.f32 v62, v3  }
0x40e: {  	v0 =	vadd.f32 v1, v0;
	v1 =	vunpack.i.l.bf16.f32 v2  }
0x40f: {  	v2 =	vunpack.i.u.bf16.f32 v2;
	v1 =	vadd.f32 v1, v3  }
0x410: {  	v0 =	vadd.f32 v2, v0  }
0x411: {  	v1 =	vmul.f32 $3.333333430e-01, v1  }
0x412: {  	v0 =	vmul.f32 $3.333333430e-01, v0  }
0x413: {  	[tilespmem:s17+$0xFFFFFFE0] =	vst v1  }
0x414: {  	[tilespmem:s17+$0xFFFFFFF0] =	vst v0  }
0x415: {  	v0 =	vld [tilespmem:s16+$0x6620]  }
0x416: {  	v1 =	vld [tilespmem:s16+$0x8620];
	_ =	sdelay $0x1  }
0x417: {  	v2 =	vld [tilespmem:s16+$0xA620];
	_ =	sdelay $0x1  }
0x418: {  	v3 =	vunpack.i.u.bf16.f32 v0  }
0x419: {  	v0 =	vunpack.i.l.bf16.f32 v0;
	v63 =	vunpack.i.u.bf16.f32 v1;
	v1 =	vunpack.i.l.bf16.f32 v1  }
0x41a: {  	v0 =	vadd.f32 v1, v0;
	v1 =	vadd.f32 v63, v3  }
0x41b: {  	v3 =	vunpack.i.u.bf16.f32 v2;
	v2 =	vunpack.i.l.bf16.f32 v2  }
0x41c: {  	v0 =	vadd.f32 v2, v0;
	v2 =	vadd.f32 v3, v1;
	_ =	sdelay $0x1  }
0x41d: {  	s19 =	simm.s32 $0x100;
	s18 =	simm.s32 $0xC640;
	v1 =	vmul.f32 $3.333333430e-01, v0;
	v0 =	vmul.f32 $3.333333430e-01, v2  }
.LBB2_3:
0x41e: {  	p0 =	sne.s32 s19, $0x7F00  }
0x41f: {  	s17 =	sadd.s32 $0x80, s17;
	s20 =	smov.u32 s19;
	s19 =	sadd.s32 $0x100, s19  }
0x420: {  	[tilespmem:s18+$0x0] =	vst v1  }
0x421: {  	[tilespmem:s18+$0x10] =	vst v0  }
0x422: {  	v0 =	vld [tilespmem:s16+$0x6630]  }
0x423: {  	v1 =	vld [tilespmem:s16+$0x8630]  }
0x424: {  	v2 =	vld [tilespmem:s16+$0xA630];
	_ =	sdelay $0x2  }
0x425: {  	s16 =	sshra.s32 s20, $0x2;
	v3 =	vunpack.i.u.bf16.f32 v0  }
0x426: {  	v0 =	vunpack.i.l.bf16.f32 v0;
	v4 =	vunpack.i.u.bf16.f32 v1;
	v1 =	vunpack.i.l.bf16.f32 v1  }
0x427: {  	v0 =	vadd.f32 v1, v0;
	v1 =	vadd.f32 v4, v3  }
0x428: {  	v3 =	vunpack.i.u.bf16.f32 v2;
	v2 =	vunpack.i.l.bf16.f32 v2  }
0x429: {  	v0 =	vadd.f32 v2, v0;
	v1 =	vadd.f32 v3, v1;
	_ =	sdelay $0x1  }
0x42a: {  	v0 =	vmul.f32 $3.333333430e-01, v0;
	v1 =	vmul.f32 $3.333333430e-01, v1;
	_ =	sdelay $0x1  }
0x42b: {  	[tilespmem:s18+$0x20] =	vst v0  }
0x42c: {  	[tilespmem:s18+$0x30] =	vst v1;
	s18 =	smov.u32 s17  }
0x42d: {  	v0 =	vld [tilespmem:s16+$0x6600]  }
0x42e: {  	v1 =	vld [tilespmem:s16+$0x8600]  }
0x42f: {  	v2 =	vld [tilespmem:s16+$0xA600];
	_ =	sdelay $0x2  }
0x430: {  	v3 =	vunpack.i.l.bf16.f32 v0  }
0x431: {  	v0 =	vunpack.i.u.bf16.f32 v0;
	v4 =	vunpack.i.u.bf16.f32 v1;
	v1 =	vunpack.i.l.bf16.f32 v1  }
0x432: {  	v1 =	vadd.f32 v1, v3;
	v0 =	vadd.f32 v4, v0  }
0x433: {  	v3 =	vunpack.i.u.bf16.f32 v2;
	v2 =	vunpack.i.l.bf16.f32 v2  }
0x434: {  	v1 =	vadd.f32 v2, v1;
	v0 =	vadd.f32 v3, v0;
	_ =	sdelay $0x1  }
0x435: {  	v1 =	vmul.f32 $3.333333430e-01, v1;
	v0 =	vmul.f32 $3.333333430e-01, v0;
	_ =	sdelay $0x1  }
0x436: {  	[tilespmem:s17+$0xFFFFFFC0] =	vst v1  }
0x437: {  	[tilespmem:s17+$0xFFFFFFD0] =	vst v0  }
0x438: {  	v0 =	vld [tilespmem:s16+$0x6610]  }
0x439: {  	v1 =	vld [tilespmem:s16+$0x8610]  }
0x43a: {  	v2 =	vld [tilespmem:s16+$0xA610];
	_ =	sdelay $0x2  }
0x43b: {  	v3 =	vunpack.i.l.bf16.f32 v0  }
0x43c: {  	v0 =	vunpack.i.u.bf16.f32 v0;
	v4 =	vunpack.i.u.bf16.f32 v1;
	v1 =	vunpack.i.l.bf16.f32 v1  }
0x43d: {  	v1 =	vadd.f32 v1, v3;
	v0 =	vadd.f32 v4, v0  }
0x43e: {  	v3 =	vunpack.i.u.bf16.f32 v2;
	v2 =	vunpack.i.l.bf16.f32 v2  }
0x43f: {  	v1 =	vadd.f32 v2, v1;
	v0 =	vadd.f32 v3, v0;
	_ =	sdelay $0x1  }
0x440: {  	v1 =	vmul.f32 $3.333333430e-01, v1;
	v0 =	vmul.f32 $3.333333430e-01, v0;
	_ =	sdelay $0x1  }
0x441: {  	[tilespmem:s17+$0xFFFFFFE0] =	vst v1  }
0x442: {  	[tilespmem:s17+$0xFFFFFFF0] =	vst v0  }
0x443: {  	v0 =	vld [tilespmem:s16+$0x6620]  }
0x444: {  	v1 =	vld [tilespmem:s16+$0x8620]  }
0x445: {  	v2 =	vld [tilespmem:s16+$0xA620];
	_ =	sdelay $0x2  }
0x446: {  	v3 =	vunpack.i.u.bf16.f32 v0;
	v0 =	vunpack.i.l.bf16.f32 v0  }
0x447: {  	v4 =	vunpack.i.u.bf16.f32 v1;
	v1 =	vunpack.i.l.bf16.f32 v1  }
.Ltmp0:
0x448: {  	v0 =	vadd.f32 v1, v0;
	v1 =	vadd.f32 v4, v3;
	(pc) =	sbr.rel @p0 .LBB2_3-.Ltmp0, $3  }
0x449: {  	v3 =	vunpack.i.u.bf16.f32 v2;
	v2 =	vunpack.i.l.bf16.f32 v2  }
0x44a: {  	v0 =	vadd.f32 v2, v0;
	v2 =	vadd.f32 v3, v1;
	_ =	sdelay $0x1  }
0x44b: {  	v1 =	vmul.f32 $3.333333430e-01, v0;
	v0 =	vmul.f32 $3.333333430e-01, v2  }
0x44c: {  	_ = 	snop  }
0x44d: {  	[tilespmem:s18+$0x0] =	vst v1  }
0x44e: {  	[tilespmem:s18+$0x10] =	vst v0  }
0x44f: {  	v0 =	vld [tilespmem:s16+$0x6630]  }
0x450: {  	v1 =	vld [tilespmem:s16+$0x8630];
	_ =	sdelay $0x1  }
0x451: {  	v2 =	vld [tilespmem:s16+$0xA630];
	_ =	sdelay $0x2  }
0x452: {  	v3 =	vunpack.i.l.bf16.f32 v0;
	v4 =	vunpack.i.l.bf16.f32 v1  }
0x453: {  	v0 =	vunpack.i.u.bf16.f32 v0;
	v1 =	vunpack.i.u.bf16.f32 v1;
	v3 =	vadd.f32 v4, v3  }
0x454: {  	v63 =	vunpack.i.l.bf16.f32 v2;
	v0 =	vadd.f32 v1, v0  }
0x455: {  	v2 =	vunpack.i.u.bf16.f32 v2;
	v1 =	vadd.f32 v63, v3  }
0x456: {  	v0 =	vadd.f32 v2, v0  }
0x457: {  	v1 =	vmul.f32 $3.333333430e-01, v1  }
0x458: {  	s15 =	sadd.s32 s4, s15;
	s14 =	sadd.s32 $0x1, s14;
	v0 =	vmul.f32 $3.333333430e-01, v0  }
0x459: {  	s20 =	rddreg [dreg:$0x4];
	s15 =	sshll.u32 s15, $0x2;
	p0 =	sne.s32 s14, $0x10;
	[tilespmem:s18+$0x20] =	vst v1  }
.Ltmp1:
0x45a: {  	s15 =	sadd.s32 s20, s15;
	[tilespmem:s18+$0x30] =	vst v0;
	(pc) =	sbr.rel @p0 .LBB2_2-.Ltmp1, $4  }
0x45b: {  	[hbm4b:s15+s3] =	stream.linear.scatter [tilespmem:s2], [sflag:$0x2], $0x4000, $0x38;
	[tilespmem:$0x10600] =	vst v63  }
0x45c: {  	_ =	swait.ge [sflag:s10], $0x4000  }
0x45d: {  	[sflag:s10] =	ssyncset.done $0x0  }
0x45e: {  	[sflag:s10] =	ssyncadd.s32 $0xFFFFC000  }
0x45f: {  	s15 =	rddreg [dreg:$0xa]  }
0x460: {  	s14 =	rddreg [dreg:$0x9];
	s15 =	sadd.s32 $0x1, s15  }
0x461: {  	p0 =	sne.s32 s15, s14  }
.Ltmp2:
0x462: {  	_ = 	snop;
	(pc) =	sbr.rel @p0 .LBB2_1-.Ltmp2, $1  }
0x463: {  	_ =	sdelay $0x3  }
0x464: {  	_ =	sfence.sel $0x180000  }
0x465: {  	[bflag:$0x0] =	sbarrier.arrive $0xFFFF  }
0x466: {  	_ =	strace $0x90000047  }
0x467: {  	s0 =	stileid.u32;
	[bflag:$0x2] =	sbarrier.arrive $0xFFFF  }
0x468: {  	p0 =	sne.s32 s0, $0x0;
	s0 =	rddreg [dreg:$0x5]  }
0x469: {  	s0 =	sadd.s32 @!p0 $0x100000, s0  }
0x46a: {  	[sflag:s0] =	ssyncadd.tile.s32 @!p0 $0x1;
	_ =	shalt  }
.Lfunc_end2:
_tile_overlayer_lowered:
.L_overlay_start_2:
0x46b: {  	(tag) =	ssettag $0x2  }
0x46c: {  	s0 =	rddreg [dreg:$0x0];
	s2 =	stileid.u32  }
0x46d: {  	s1 =	rddreg [dreg:$0x1];
	p0 =	sne.s32 s2, $0x0  }
0x46e: {  	s3 =	rddreg [dreg:$0x2];
	[bflag:$0x3] =	sbarrier.arrive $0xFFFF;
	s2 =	simm.s32 @!p0 $0x1C02  }
0x46f: {  	[timem:s3], [sflag:s2] =	dma.local @!p0 [hbm:s0], s1  }
0x470: {  	s0 =	simm.s32 @!p0 $0x2  }
0x471: {  	_ =	swait.ge @!p0 [sflag:s0], s1  }
0x472: {  	s1 =	ssub.s32 @!p0 $0x0, s1;
	[sflag:s0] =	ssyncset.done @!p0 $0x0  }
0x473: {  	[sflag:s0] =	ssyncadd.s32 @!p0 s1  }
0x474: {  	[bflag:$0x3] =	sbarrier.arrive $0xFFFF  }
0x475: {  	_ =	shalt  }

// kernel: sparse-core-data-format-call.cloned.1.call-start
scs
called_computation_lowered:
.L_overlay_start_0:
0x0: {  	s2 =	sld [smem:$0x3FD9]  }
0x1: {  	s3 =	sld [smem:$0x3FFE];
	_ =	sdelay $0x1  }
0x2: {  	s1 =	srdreg.scid  }
0x3: {  	s0 =	sand.u32 $0x1, s1  }
0x4: {  	s18 =	sshll.u32 s0, $0xA;
	s2 =	sadd.s32 s3, s2  }
0x5: {  	s2 =	sadd.s32 s2, s18  }
0x6: {  	[smem:$0x3FC4] =	sst s2  }
0x7: {  	_ = 	snop  }
0x8: {  	s2 =	sld [smem:$0x3FD0];
	(tm) =	ssettm $0x1  }
0x9: {  	s19 =	sld [smem:$0x3FFB];
	_ =	sdelay $0x3  }
0xa: {  	_ =	strace s19  }
0xb: {  	s3 =	sld [smem:$0x3FFC];
	_ =	sdelay $0x3  }
0xc: {  	_ =	strace s3  }
0xd: {  	s3 =	sld [smem:$0x3FFD];
	_ =	sdelay $0x3  }
0xe: {  	_ =	strace s3  }
0xf: {  	_ =	strace $0x8FFFFFFF  }
0x10: {  	s20 =	sld [smem:$0x3FDB];
	_ =	sdelay $0x1  }
0x11: {  	s4 =	simm.s32 $_scs_section_size  }
0x12: {  	s5 =	simm.s32 $_size__tile_overlayer_lowered;
	s6 =	simm.s32 $_tile_overlayer_lowered  }
0x13: {  	s23 =	simm.s32 $0x1BFF;
	s22 =	sshll.u32 s6, $0x1;
	s3 =	sadd.s32 s4, s20  }
0x14: {  	s7 =	simm.s32 $0x0;
	s21 =	sshll.u32 s5, $0x1;
	s5 =	sadd.s32 s22, s3  }
0x15: {  	[timem:s7], [sflag:s23] =	dma.local [hbm:s5], s21  }
0x16: {  	_ =	swait.ge [sflag:s23], s21  }
0x17: {  	s4 =	ssub.s32 $0x0, s21;
	[sflag:s23] =	ssyncset.done $0x0  }
0x18: {  	[sflag:s23] =	ssyncadd.s32 s4;
	_ =	sdelay $0x1  }
0x19: {  	s24 =	simm.s32 $0x1B8B  }
0x1a: {  	_ =	swait.ge [sflag:s24], $0x1  }
0x1b: {  	[sflag:s24] =	ssyncset.done $0x0  }
0x1c: {  	s26 =	simm.s32 $0x1B8E;
	s25 =	sld [smem:$0x3FFE];
	[sflag:s24] =	ssyncadd.s32 $0xFFFFFFFF  }
0x1d: {  	s27 =	simm.s32 $execute0_lowered;
	[smem:$0x3FD2] =	sst s26  }
0x1e: {  	s5 =	sshll.u32 s27, $0x1;
	_ =	strace $0x80000049;
	[dreg:$0x1] =	wrdreg $0xFFFFFFFF  }
0x1f: {  	s28 =	simm.s32 $_size_execute0_lowered;
	s3 =	sadd.s32 s3, s5;
	[dreg:$0x0] =	wrdreg $0x0  }
0x20: {  	s5 =	sshll.u32 s28, $0x1;
	[dreg:$0x2] =	wrdreg s3  }
0x21: {  	[dreg:$0x3] =	wrdreg s5  }
0x22: {  	[dreg:$0x4] =	wrdreg $0xC0  }
0x23: {  	_ =	task [dreg:s7], $0x5FFFF  }
0x24: {  	[dreg:$0x1] =	wrdreg $0xFFFFFFFF  }
0x25: {  	[dreg:$0x0] =	wrdreg $0x60  }
0x26: {  	[dreg:$0x2] =	wrdreg s25  }
0x27: {  	[dreg:$0x3] =	wrdreg s2  }
0x28: {  	[dreg:$0x4] =	wrdreg $0x9  }
0x29: {  	_ =	task.clear_ibuf [dreg:s7], $0x5FFFF;
	_ =	strace $0x90000049  }
0x2a: {  	s29 =	simm.s32 $0x9;
	_ =	strace $0x8000004B  }
0x2b: {  	_ =	swait.ge [sflag:s29], $0x1  }
0x2c: {  	[sflag:s29] =	ssyncadd.s32 $0xFFFFFFFF  }
0x2d: {  	_ =	strace $0x9000004B  }
0x2e: {  	_ =	sfence  }
0x2f: {  	s30 =	sld [smem:$0x0];
	_ =	sdelay $0x2  }
0x30: {  	s31 =	sshll.u32 s1, $0xD;
	s1 =	sshrl.u32 s1, $0x2  }
0x31: {  	s3 =	sand.u32 $0x4000, s31;
	s1 =	sadd.s32 s1, s30  }
0x32: {  	s0 =	sor.u32 s3, s0;
	s1 =	sshll.u32 s1, $0x11  }
0x33: {  	s0 =	sor.u32 s1, s0  }
0x34: {  	s0 =	sadd.s32 $0x8F2B, s0  }
0x35: {  	[sflag:s0] =	ssyncadd.remote.s32 $0x1  }
0x36: {  	_ =	sfence.sel $0xFFFF  }
0x37: {  	[dreg:$0x0] =	wrdreg $0xFFFFFFFF;
	(pc) =	sbr.abs _section_cstart, $3  }
0x38: {  	[dreg:$0x1] =	wrdreg $0xFFFFFFFF  }
0x39: {  	_ =	task.clear_ibuf [dreg:s7], $0x2FFFF;
	_ =	strace $0x9FFFFFFF  }
0x3a: {  	(tm) =	ssettm $0x7FFFFFFF  }
0x3b: {  	_ =	shalt  }
tec
execute0_lowered:
.L_overlay_start_1:
0x0: {  	(tag) =	ssettag $0x1  }
0x1: {  	s0 =	srdreg.scid  }
0x2: {  	s1 =	sshll.u32 s0, $0x4  }
0x3: {  	s4 =	rddreg [dreg:$0x0];
	s0 =	stileid.u32;
	s1 =	sand.u32 $0x10, s1  }
0x4: {  	s2 =	rddreg [dreg:$0x1];
	s7 =	simm.s32 $0x1;
	s1 =	sor.u32 s0, s1  }
0x5: {  	s8 =	simm.s32 $0x2;
	s11 =	simm.s32 $0x0;
	s3 =	sshll.u32 s1, $0x7  }
0x6: {  	s10 =	simm.s32 $0x0;
	s4 =	sadd.s32 $0x800, s4;
	s6 =	ssub.s32 $0x40000, s3  }
.Ltmp0:
0x7: {  	s1 =	rddreg [dreg:$0x2];
	s5 =	sand.u32 $0xF80, s6;
	(pc) =	sbr.rel .LBB1_1-.Ltmp0, $4  }
0x8: {  	_ =	strace $0x8000004A;
	s9 =	smov.u32 s3;
	p0 =	sne.s32 s5, $0x0  }
0x9: {  	s6 =	sshrl.u32 s6, $0xC;
	s5 =	simm.s32 $0x1;
	s7 =	simm.s32 @!p0 $0x0  }
0xa: {  	[sflag:s5] =	ssyncpa.u1 $0x0;
	p0 =	por $0x0, $0x0;
	s6 =	sadd.s32 s7, s6  }
0xb: {  	[sflag:s8] =	ssyncpa.u1 $0x0;
	s8 =	simm.s32 $0x200000;
	s7 =	sadd.s32 $0x1, s6  }
.LBB1_4:
0xc: {  	s13 =	sshll.u32 s11, $0x3  }
0xd: {  	s15 =	sand.u32 $0x78, s11;
	s13 =	sand.u32 $0x3FC00, s13  }
0xe: {  	s30 =	sand.u32 $0xF8000, s11;
	s31 =	sand.u32 $0x7, s11;
	s13 =	sor.u32 s15, s13  }
0xf: {  	s11 =	sshll.u32 s31, $0x12;
	s15 =	sadd.s32 s2, s30;
	s13 =	sshrl.u32 s13, $0x3  }
0x10: {  	[tilespmem:s14+$0x0 ss:$0x81] =	vst.msk $0xffff, v0;
	s11 =	sor.u32 $0x400, s11;
	s13 =	sadd.s32 s13, s15  }
0x11: {  	[hbm4b:s13+s11] =	stream.strided.scatter [tilespmem:s12], [sflag:$0x2], $0x1000, s8, s11, $0x20;
	[tilespmem:$0x4040] =	vst v63  }
.LBB1_5:
0x12: {  	s13 =	sadd.s32 $0x1000, s9  }
0x13: {  	p2 =	sgt.s32 s13, $0x3FFFF  }
0x14: {  	s13 =	smov.u32 @p2 s3;
	p2 =	sne.s32 s10, s7  }
.Ltmp1:
0x15: {  	p1 =	slt.u32 s10, $0x2;
	(pc) =	sbr.rel @!p2 .LBB1_6-.Ltmp1, $4  }
0x16: {  	s12 =	simm.s32 @!p1 $0x2  }
0x17: {  	s14 =	sadd.s32 $0x1, s10;
	_ =	swait.ge @!p1 [sflag:s12], $0x1000  }
0x18: {  	s11 =	smov.u32 s9;
	p0 =	por !p0, !p0;
	[sflag:s12] =	ssyncset.done @!p1 $0x0  }
0x19: {  	s10 =	smov.u32 s14;
	s9 =	smov.u32 s13;
	[sflag:s12] =	ssyncadd.s32 @!p1 $0xFFFFF000  }
.LBB1_1:
0x1a: {  	p1 =	sge.u32 s10, s6  }
0x1b: {  	s31 =	sadd.s32 $0xFFFFFFFF, s10;
	s12 =	sxor.u32 @!p1 $0xFFFFFFFF, s10;
	s13 =	sshll.u32 @!p1 s9, $0x4  }
0x1c: {  	s14 =	simm.s32 @!p1 $0x20;
	s12 =	sshll.u32 @!p1 s12, $0xC;
	s13 =	sand.u32 @!p1 $0x3FFFF0, s13  }
0x1d: {  	s15 =	simm.s32 @!p1 $0x80;
	s12 =	sand.u32 @!p1 $0x1000, s12;
	s13 =	sadd.s32 @!p1 s4, s13  }
0x1e: {  	[tilespmem:s12], [sflag:$0x1] =	stream.strided.gather @!p1 [hbm4b:s13+s14], $0x1000, s15, s14, $0x38;
	[tilespmem:$0x4040] =	vst v63  }
0x1f: {  	p1 =	sge.u32 s31, s6  }
.Ltmp2:
0x20: {  	_ = 	snop;
	(pc) =	sbr.rel @p1 .LBB1_5-.Ltmp2, $1  }
0x21: {  	_ =	sdelay $0x3  }
0x22: {  	s12 =	simm.s32 $0x1  }
0x23: {  	_ =	swait.ge [sflag:s5], $0x1000;
	s12 =	simm.s32 @!p0 $0x0  }
0x24: {  	[sflag:s5] =	ssyncset.done $0x0;
	s13 =	sshll.u32 s12, $0xC  }
0x25: {  	[sflag:s5] =	ssyncadd.s32 $0xFFFFF000;
	s16 =	sor.u32 $0x10, s13  }
0x26: {  	s12 =	smul.u32 $0x4080, s12;
	v1 =	vld [tilespmem:s16+$0x0]  }
0x27: {  	s30 =	sand.u32 $0x1, s10;
	v0 =	vld [tilespmem:s16+$0xFFFFFFF0]  }
0x28: {  	s14 =	smul.u32 $0x4080, s30;
	s12 =	sshrl.u32 s12, $0x2  }
0x29: {  	s13 =	sor.u32 $0x2000, s12  }
0x2a: {  	s31 =	sshrl.u32 s14, $0x2;
	s14 =	sadd.s32 $0x0, s13  }
0x2b: {  	s15 =	simm.s32 $0x4;
	s16 =	sadd.s32 $0x20, s16;
	s12 =	sor.u32 $0x2000, s31;
	[tilespmem:s14+$0x810 ss:$0x81] =	vst.msk $0xffff, v1  }
.LBB1_3:
0x2c: {  	v1 =	vld [tilespmem:s16+$0x0];
	p1 =	sne.s32 s15, $0x1FC;
	[tilespmem:s14+$0x0 ss:$0x81] =	vst.msk $0xffff, v0;
	s14 =	smov.u32 s15;
	s15 =	sadd.s32 $0x4, s15  }
.Ltmp3:
0x2d: {  	v0 =	vld [tilespmem:s16+$0xFFFFFFF0];
	(pc) =	sbr.rel @p1 .LBB1_3-.Ltmp3, $4  }
0x2e: {  	_ = 	snop  }
0x2f: {  	s14 =	sshra.s32 s14, $0x2  }
0x30: {  	s14 =	sadd.s32 s14, s13  }
0x31: {  	s16 =	sadd.s32 $0x20, s16;
	[tilespmem:s14+$0x810 ss:$0x81] =	vst.msk $0xffff, v1  }
.Ltmp4:
0x32: {  	_ = 	snop;
	(pc) =	sbr.rel .LBB1_4-.Ltmp4, $1  }
0x33: {  	_ =	sdelay $0x3  }
.LBB1_6:
0x34: {  	_ =	sfence.sel $0x180000  }
0x35: {  	s2 =	simm.s32 $0x1;
	[bflag:$0x0] =	sbarrier.arrive $0xFFFF  }
0x36: {  	s31 =	simm.s32 $0x2;
	[sflag:s2] =	ssyncpa.u1 $0x1  }
0x37: {  	[sflag:s31] =	ssyncpa.u1 $0x1  }
0x38: {  	p0 =	sne.s32 s0, $0x0;
	_ =	strace $0x9000004A  }
0x39: {  	s0 =	sadd.s32 @!p0 $0x100000, s1;
	[bflag:$0x2] =	sbarrier.arrive $0xFFFF  }
0x3a: {  	[sflag:s0] =	ssyncadd.tile.s32 @!p0 $0x1;
	_ =	shalt  }
.Lfunc_end1:
_tile_overlayer_lowered:
.L_overlay_start_2:
0x3b: {  	(tag) =	ssettag $0x2  }
0x3c: {  	s0 =	rddreg [dreg:$0x0];
	s2 =	stileid.u32  }
0x3d: {  	s1 =	rddreg [dreg:$0x1];
	p0 =	sne.s32 s2, $0x0  }
0x3e: {  	s3 =	rddreg [dreg:$0x2];
	[bflag:$0x3] =	sbarrier.arrive $0xFFFF;
	s2 =	simm.s32 @!p0 $0x1C01  }
0x3f: {  	[timem:s3], [sflag:s2] =	dma.local @!p0 [hbm:s0], s1  }
0x40: {  	s0 =	simm.s32 @!p0 $0x1  }
0x41: {  	_ =	swait.ge @!p0 [sflag:s0], s1  }
0x42: {  	s1 =	ssub.s32 @!p0 $0x0, s1;
	[sflag:s0] =	ssyncset.done @!p0 $0x0  }
0x43: {  	[sflag:s0] =	ssyncadd.s32 @!p0 s1  }
0x44: {  	[bflag:$0x3] =	sbarrier.arrive $0xFFFF  }
0x45: {  	_ =	shalt  }

</sc_bundles>
